<compile_context>
chip_gen: v7x
topology: tpu7x:2x2x1
jax: 0.10.2.dev20260603
libtpu: 0.0.44.dev20260713+nightly
codegen_flags: <defaults>
</compile_context>

<pallas_src>
import functools

import jax
import jax.numpy as jnp
from jax import lax
from jax.experimental import pallas as pl
from jax.experimental.pallas import tpu as pltpu
from jax.experimental.pallas import tpu_sc as plsc

NC = 2
NS = 16
NW = NC * NS
L = 16

V = 8192
N = 8192
RW = N // NW
CH = 4
NCH = RW // CH
NBUF = 2

_mesh = plsc.VectorSubcoreMesh(core_axis_name="c", subcore_axis_name="s")


@functools.partial(
    pl.kernel,
    out_type=(
        jax.ShapeDtypeStruct((N, V), jnp.float32),
        jax.ShapeDtypeStruct((N, L), jnp.float32),
        jax.ShapeDtypeStruct((NW * NCH, L), jnp.float32),
    ),
    mesh=_mesh,
    compiler_params=pltpu.CompilerParams(needs_layout_passes=False),
    scratch_types=[
        pltpu.VMEM((NCH, CH), jnp.int32),
        pltpu.VMEM((RW + 8, ), jnp.int32),
        pltpu.VMEM((CH, V), jnp.float32),
        pltpu.VMEM((CH, V), jnp.float32),
        pltpu.VMEM((RW, L), jnp.float32),
        pltpu.VMEM((NCH, L), jnp.float32),
        pltpu.SemaphoreType.DMA,
        pltpu.SemaphoreType.DMA,
        pltpu.SemaphoreType.DMA,
        pltpu.SemaphoreType.DMA,
    ],
)
def _sc_gather(idx3_hbm, tgt2_hbm, table_hbm,
               out_hbm, spart_hbm, tval_hbm,
               idx_v, tgt_v, rows_a, rows_b, sp_v, tv_v,
               sem_g0, sem_g1, sem_o0, sem_o1):
    wid = lax.axis_index("s") * NC + lax.axis_index("c")
    base = wid * RW

    pltpu.sync_copy(idx3_hbm.at[wid], idx_v)
    pltpu.sync_copy(tgt2_hbm.at[wid], tgt_v.at[pl.ds(0, RW)])

    rows = (rows_a, rows_b)
    sem_g = (sem_g0, sem_g1)
    sem_o = (sem_o0, sem_o1)

    lane = lax.iota(jnp.int32, L)
    row_sel = lane & (CH - 1)

    def g_copy(c, b):
        return pltpu.make_async_copy(
            table_hbm.at[idx_v.at[c]], rows[b], sem_g[b])

    def o_copy(c, b):
        return pltpu.make_async_copy(
            rows[b], out_hbm.at[pl.ds(base + c * CH, CH)], sem_o[b])

    g_copy(0, 0).start()
    g_copy(1, 1).start()

    zero = jnp.zeros((L,), jnp.float32)

    def _pair_body(p, _):
        for b in range(NBUF):
            c = p * NBUF + b
            g_copy(c, b).wait()
            o_copy(c, b).start()
            for r in range(CH):
                def _row_body(j, accs):
                    a0, a1, a2, a3 = accs
                    o = j * 4 * L
                    a0 = a0 + jnp.exp(rows[b][r, pl.ds(o, L)])
                    a1 = a1 + jnp.exp(rows[b][r, pl.ds(o + L, L)])
                    a2 = a2 + jnp.exp(rows[b][r, pl.ds(o + 2 * L, L)])
                    a3 = a3 + jnp.exp(rows[b][r, pl.ds(o + 3 * L, L)])
                    return a0, a1, a2, a3
                a0, a1, a2, a3 = lax.fori_loop(
                    0, V // (4 * L), _row_body, (zero, zero, zero, zero),
                    unroll=4)
                sp_v[c * CH + r, :] = (a0 + a1) + (a2 + a3)
            tcols = tgt_v[pl.ds(8 * (c // 2), L)] & (V - 1)
            lo = (c % 2) * CH
            lmask = (lane >= lo) & (lane < lo + CH)
            vals = plsc.load_gather(rows[b], [row_sel, tcols], mask=lmask)
            tv_v[c, :] = jnp.where(lmask, vals, 0.0)
            o_copy(c, b).wait()

            @pl.when(c + NBUF < NCH)
            def _():
                g_copy(c + NBUF, b).start()
        return 0

    lax.fori_loop(0, NCH // NBUF, _pair_body, 0)
    pltpu.sync_copy(sp_v, spart_hbm.at[pl.ds(base, RW)])
    pltpu.sync_copy(tv_v, tval_hbm.at[pl.ds(wid * NCH, NCH)])


def _combine(sp_ref, tv_ref, loss_ref):
    s = jnp.sum(sp_ref[...], axis=1)
    total = (jnp.sum(jnp.log(s)) - jnp.sum(tv_ref[...])) / N
    loss_ref[...] = jnp.broadcast_to(total, (1, 1))


_combine_call = pl.pallas_call(
    _combine,
    out_shape=jax.ShapeDtypeStruct((1, 1), jnp.float32),
)


def kernel(idx, targets, table):
    B, T = idx.shape
    idx_f = idx.reshape(N).astype(jnp.int32)
    tgt_f = targets.reshape(N).astype(jnp.int32)
    idx3 = idx_f.reshape(NW, NCH, CH)
    tgt2 = tgt_f.reshape(NW, RW)

    logits_flat, s_part, tvals = _sc_gather(idx3, tgt2, table)
    loss = _combine_call(s_part, tvals)
    return logits_flat.reshape(B, T, V), loss.reshape(())

# --- scband reference (transcript-rebuilt; emitter-appended) ---
"""Pipeline reference for scband-bigram-language-model-47227460386816 (READ-ONLY COPY).

The authoritative reference and input builder live on the scoring server;
editing this copy changes nothing except your own understanding.
"""

import jax, jax.numpy as jnp
import numpy as np

V = 8192
B = 8
T = 1024

def setup_inputs(seed: int = 0) -> dict:
    key = jax.random.key(seed)
    k1, k2, k3 = jax.random.split(key, 3)
    idx = jax.random.randint(k1, (B, T), 0, V)
    targets = jax.random.randint(k2, (B, T), 0, V)
    # learned parameter: embedding table of shape (vocab, vocab)
    table = jax.random.normal(k3, (V, V), dtype=jnp.float32) * 0.02
    return {"idx": idx, "targets": targets, "table": table}

def reference(idx, targets, table):
    # nn.Embedding lookup -> row gather
    logits = jnp.take(table, idx, axis=0)  # (B, T, V)
    Bb, Tt, C = logits.shape
    logits_2d = logits.reshape(Bb * Tt, C)
    targets_1d = targets.reshape(Bb * Tt)
    # F.cross_entropy with mean reduction
    logp = jax.nn.log_softmax(logits_2d, axis=-1)
    nll = -jnp.take_along_axis(logp, targets_1d[:, None], axis=1)[:, 0]
    loss = jnp.mean(nll)
    return (logits, loss)

if __name__ == "__main__":
    import jax
    _d = setup_inputs()
    print(jax.jit(kernel)(*tuple(_d.values())))

</pallas_src>

<mosaic_0001>
#map = affine_map<(d0, d1) -> (0, 0, 0)>
#map1 = affine_map<(d0, d1) -> (0, 0)>
module attributes {stable_mosaic.version = 14 : i64} {
  func.func @_sc_gather(%arg0: i32, %arg1: i32, %arg2: memref<32x64x4xi32, #tpu.memory_space<hbm>>, %arg3: memref<32x256xi32, #tpu.memory_space<hbm>>, %arg4: memref<8192x8192xf32, #tpu.memory_space<hbm>>, %arg5: memref<8192x8192xf32, #tpu.memory_space<hbm>>, %arg6: memref<8192x16xf32, #tpu.memory_space<hbm>>, %arg7: memref<2048x16xf32, #tpu.memory_space<hbm>>, %arg8: memref<64x4xi32, #tpu.memory_space<vmem>>, %arg9: memref<264xi32, #tpu.memory_space<vmem>>, %arg10: memref<4x8192xf32, #tpu.memory_space<vmem>>, %arg11: memref<4x8192xf32, #tpu.memory_space<vmem>>, %arg12: memref<256x16xf32, #tpu.memory_space<vmem>>, %arg13: memref<64x16xf32, #tpu.memory_space<vmem>>, %arg14: memref<!tpu.dma_semaphore, #tpu.memory_space<semaphore_mem>>, %arg15: memref<!tpu.dma_semaphore, #tpu.memory_space<semaphore_mem>>, %arg16: memref<!tpu.dma_semaphore, #tpu.memory_space<semaphore_mem>>, %arg17: memref<!tpu.dma_semaphore, #tpu.memory_space<semaphore_mem>>) attributes {dimension_semantics = [#tpu.dimension_semantics<core_parallel>, #tpu.dimension_semantics<subcore_parallel>], iteration_bounds = array<i64: 2, 16>, scalar_prefetch = 0 : i64, scratch_operands = 10 : i64, tpu.core_type = #tpu.core_type<sc_vector_subcore>, window_params = [{transform_indices = #map}, {transform_indices = #map1}, {transform_indices = #map1}, {transform_indices = #map1}, {transform_indices = #map1}, {transform_indices = #map1}]} {
    %mul3A = arith.constant 2 : i32
    %mul3A_0 = arith.muli %arg1, %mul3A : i32
    %add3A = arith.addi %mul3A_0, %arg0 : i32
    %mul3A_1 = arith.constant 256 : i32
    %mul3A_2 = arith.muli %add3A, %mul3A_1 : i32
    "tpu.region"() ({
      %run_scoped3A = tpu.sem_alloc : memref<!tpu.dma_semaphore, #tpu.memory_space<semaphore_mem>>
      %dma_start3A_27 = arith.constant 0 : i32
      %dma_start3A_28 = arith.constant 0 : i32
      %dma_start3A_29 = tpu.memref_slice %arg2[%add3A, %dma_start3A_27, %dma_start3A_28] : memref<32x64x4xi32, #tpu.memory_space<hbm>> -> memref<1x64x4xi32, #tpu.memory_space<hbm>>
      %dma_start3A_30 = tpu.memref_squeeze %dma_start3A_29 : memref<1x64x4xi32, #tpu.memory_space<hbm>> -> memref<64x4xi32, #tpu.memory_space<hbm>>
      %dma_start3A_31 = arith.constant 0 : i32
      %dma_start3A_32 = arith.constant 0 : i32
      %dma_start3A_33 = tpu.memref_slice %arg2[%add3A, %dma_start3A_31, %dma_start3A_32] : memref<32x64x4xi32, #tpu.memory_space<hbm>> -> memref<1x64x4xi32, #tpu.memory_space<hbm>>
      %dma_start3A_34 = tpu.memref_squeeze %dma_start3A_33 : memref<1x64x4xi32, #tpu.memory_space<hbm>> -> memref<64x4xi32, #tpu.memory_space<hbm>>
      tpu.enqueue_dma source(%dma_start3A_34 : memref<64x4xi32, #tpu.memory_space<hbm>>) target(%arg8 : memref<64x4xi32, #tpu.memory_space<vmem>>) target_semaphore(%run_scoped3A : memref<!tpu.dma_semaphore, #tpu.memory_space<semaphore_mem>>)
      %dma_wait3A = arith.constant 0 : i32
      %dma_wait3A_35 = arith.constant 0 : i32
      %dma_wait3A_36 = tpu.memref_slice %arg2[%add3A, %dma_wait3A, %dma_wait3A_35] : memref<32x64x4xi32, #tpu.memory_space<hbm>> -> memref<1x64x4xi32, #tpu.memory_space<hbm>>
      %dma_wait3A_37 = tpu.memref_squeeze %dma_wait3A_36 : memref<1x64x4xi32, #tpu.memory_space<hbm>> -> memref<64x4xi32, #tpu.memory_space<hbm>>
      %dma_wait3A_38 = arith.constant 0 : i32
      %dma_wait3A_39 = arith.constant 0 : i32
      %dma_wait3A_40 = tpu.memref_slice %arg2[%add3A, %dma_wait3A_38, %dma_wait3A_39] : memref<32x64x4xi32, #tpu.memory_space<hbm>> -> memref<1x64x4xi32, #tpu.memory_space<hbm>>
      %dma_wait3A_41 = tpu.memref_squeeze %dma_wait3A_40 : memref<1x64x4xi32, #tpu.memory_space<hbm>> -> memref<64x4xi32, #tpu.memory_space<hbm>>
      tpu.wait_dma2 semaphore(%run_scoped3A : memref<!tpu.dma_semaphore, #tpu.memory_space<semaphore_mem>>) src(%dma_wait3A_41 : memref<64x4xi32, #tpu.memory_space<hbm>>) dst(%arg8 : memref<64x4xi32, #tpu.memory_space<vmem>>)
      tpu.yield
    }) : () -> ()
    "tpu.region"() ({
      %run_scoped3A = tpu.sem_alloc : memref<!tpu.dma_semaphore, #tpu.memory_space<semaphore_mem>>
      %dma_start3A_27 = arith.constant 0 : i32
      %dma_start3A_28 = tpu.memref_slice %arg9[%dma_start3A_27] : memref<264xi32, #tpu.memory_space<vmem>> -> memref<256xi32, #tpu.memory_space<vmem>>
      %dma_start3A_29 = arith.constant 0 : i32
      %dma_start3A_30 = tpu.memref_slice %arg3[%add3A, %dma_start3A_29] : memref<32x256xi32, #tpu.memory_space<hbm>> -> memref<1x256xi32, #tpu.memory_space<hbm>>
      %dma_start3A_31 = tpu.memref_squeeze %dma_start3A_30 : memref<1x256xi32, #tpu.memory_space<hbm>> -> memref<256xi32, #tpu.memory_space<hbm>>
      %dma_start3A_32 = arith.constant 0 : i32
      %dma_start3A_33 = tpu.memref_slice %arg9[%dma_start3A_32] : memref<264xi32, #tpu.memory_space<vmem>> -> memref<256xi32, #tpu.memory_space<vmem>>
      %dma_start3A_34 = arith.constant 0 : i32
      %dma_start3A_35 = tpu.memref_slice %arg3[%add3A, %dma_start3A_34] : memref<32x256xi32, #tpu.memory_space<hbm>> -> memref<1x256xi32, #tpu.memory_space<hbm>>
      %dma_start3A_36 = tpu.memref_squeeze %dma_start3A_35 : memref<1x256xi32, #tpu.memory_space<hbm>> -> memref<256xi32, #tpu.memory_space<hbm>>
      tpu.enqueue_dma source(%dma_start3A_36 : memref<256xi32, #tpu.memory_space<hbm>>) target(%dma_start3A_33 : memref<256xi32, #tpu.memory_space<vmem>>) target_semaphore(%run_scoped3A : memref<!tpu.dma_semaphore, #tpu.memory_space<semaphore_mem>>)
      %dma_wait3A = arith.constant 0 : i32
      %dma_wait3A_37 = tpu.memref_slice %arg9[%dma_wait3A] : memref<264xi32, #tpu.memory_space<vmem>> -> memref<256xi32, #tpu.memory_space<vmem>>
      %dma_wait3A_38 = arith.constant 0 : i32
      %dma_wait3A_39 = tpu.memref_slice %arg3[%add3A, %dma_wait3A_38] : memref<32x256xi32, #tpu.memory_space<hbm>> -> memref<1x256xi32, #tpu.memory_space<hbm>>
      %dma_wait3A_40 = tpu.memref_squeeze %dma_wait3A_39 : memref<1x256xi32, #tpu.memory_space<hbm>> -> memref<256xi32, #tpu.memory_space<hbm>>
      %dma_wait3A_41 = arith.constant 0 : i32
      %dma_wait3A_42 = tpu.memref_slice %arg9[%dma_wait3A_41] : memref<264xi32, #tpu.memory_space<vmem>> -> memref<256xi32, #tpu.memory_space<vmem>>
      %dma_wait3A_43 = arith.constant 0 : i32
      %dma_wait3A_44 = tpu.memref_slice %arg3[%add3A, %dma_wait3A_43] : memref<32x256xi32, #tpu.memory_space<hbm>> -> memref<1x256xi32, #tpu.memory_space<hbm>>
      %dma_wait3A_45 = tpu.memref_squeeze %dma_wait3A_44 : memref<1x256xi32, #tpu.memory_space<hbm>> -> memref<256xi32, #tpu.memory_space<hbm>>
      tpu.wait_dma2 semaphore(%run_scoped3A : memref<!tpu.dma_semaphore, #tpu.memory_space<semaphore_mem>>) src(%dma_wait3A_45 : memref<256xi32, #tpu.memory_space<hbm>>) dst(%dma_wait3A_42 : memref<256xi32, #tpu.memory_space<vmem>>)
      tpu.yield
    }) : () -> ()
    %iota3A = tpu.iota {dimensions = array<i32: 0>} : vector<16xi32>
    %and3A = arith.constant 3 : i32
    %and3A_3 = vector.broadcast %and3A : i32 to vector<16xi32>
    %and3A_4 = arith.andi %iota3A, %and3A_3 : vector<16xi32>
    %dma_start3A = arith.constant 0 : i32
    %dma_start3A_5 = arith.constant 0 : i32
    %dma_start3A_6 = tpu.memref_slice %arg8[%dma_start3A, %dma_start3A_5] : memref<64x4xi32, #tpu.memory_space<vmem>> -> memref<1x4xi32, #tpu.memory_space<vmem>>
    %dma_start3A_7 = tpu.memref_squeeze %dma_start3A_6 : memref<1x4xi32, #tpu.memory_space<vmem>> -> memref<4xi32, #tpu.memory_space<vmem>>
    %dma_start3A_8 = arith.constant 0 : i32
    %dma_start3A_9 = arith.constant 0 : i32
    %dma_start3A_10 = tpu.memref_slice %arg4[%dma_start3A_8, %dma_start3A_9] : memref<8192x8192xf32, #tpu.memory_space<hbm>> -> memref<8192x8192xf32, #tpu.memory_space<hbm>>
    tpu.enqueue_indirect_dma source(%dma_start3A_10 : memref<8192x8192xf32, #tpu.memory_space<hbm>>) target(%arg10 : memref<4x8192xf32, #tpu.memory_space<vmem>>) offsets(%dma_start3A_7 : memref<4xi32, #tpu.memory_space<vmem>>) semaphore(%arg14 : memref<!tpu.dma_semaphore, #tpu.memory_space<semaphore_mem>>)
    %dma_start3A_11 = arith.constant 1 : i32
    %dma_start3A_12 = arith.constant 0 : i32
    %dma_start3A_13 = tpu.memref_slice %arg8[%dma_start3A_11, %dma_start3A_12] : memref<64x4xi32, #tpu.memory_space<vmem>> -> memref<1x4xi32, #tpu.memory_space<vmem>>
    %dma_start3A_14 = tpu.memref_squeeze %dma_start3A_13 : memref<1x4xi32, #tpu.memory_space<vmem>> -> memref<4xi32, #tpu.memory_space<vmem>>
    %dma_start3A_15 = arith.constant 0 : i32
    %dma_start3A_16 = arith.constant 0 : i32
    %dma_start3A_17 = tpu.memref_slice %arg4[%dma_start3A_15, %dma_start3A_16] : memref<8192x8192xf32, #tpu.memory_space<hbm>> -> memref<8192x8192xf32, #tpu.memory_space<hbm>>
    tpu.enqueue_indirect_dma source(%dma_start3A_17 : memref<8192x8192xf32, #tpu.memory_space<hbm>>) target(%arg11 : memref<4x8192xf32, #tpu.memory_space<vmem>>) offsets(%dma_start3A_14 : memref<4xi32, #tpu.memory_space<vmem>>) semaphore(%arg15 : memref<!tpu.dma_semaphore, #tpu.memory_space<semaphore_mem>>)
    %broadcast_in_dim3A = arith.constant 0.000000e+00 : f32
    %broadcast_in_dim3A_18 = vector.broadcast %broadcast_in_dim3A : f32 to vector<16xf32>
    %scan3A = arith.constant 0 : i32
    %scan3A_19 = arith.constant 0 : i32
    %scan3A_20 = arith.constant 32 : i32
    %scan3A_21 = arith.addi %scan3A_19, %scan3A_20 : i32
    %scan3A_22 = arith.constant 1 : i32
    %scan3A_23 = scf.for %scan3A_27 = %scan3A_19 to %scan3A_21 step %scan3A_22 iter_args(%scan3A_28 = %scan3A) -> (i32)  : i32 {
      %mul3A_29 = arith.constant 2 : i32
      %mul3A_30 = arith.muli %scan3A_27, %mul3A_29 : i32
      %add3A_31 = arith.constant 0 : i32
      %add3A_32 = arith.addi %mul3A_30, %add3A_31 : i32
      %dma_wait3A = arith.constant 0 : i32
      %dma_wait3A_33 = tpu.memref_slice %arg8[%add3A_32, %dma_wait3A] : memref<64x4xi32, #tpu.memory_space<vmem>> -> memref<1x4xi32, #tpu.memory_space<vmem>>
      %dma_wait3A_34 = tpu.memref_squeeze %dma_wait3A_33 : memref<1x4xi32, #tpu.memory_space<vmem>> -> memref<4xi32, #tpu.memory_space<vmem>>
      %dma_wait3A_35 = arith.constant 0 : i32
      %dma_wait3A_36 = arith.constant 0 : i32
      %dma_wait3A_37 = tpu.memref_slice %arg4[%dma_wait3A_35, %dma_wait3A_36] : memref<8192x8192xf32, #tpu.memory_space<hbm>> -> memref<8192x8192xf32, #tpu.memory_space<hbm>>
      tpu.wait_indirect_dma semaphore(%arg14 : memref<!tpu.dma_semaphore, #tpu.memory_space<semaphore_mem>>) src(%dma_wait3A_37 : memref<8192x8192xf32, #tpu.memory_space<hbm>>) dst(%arg10 : memref<4x8192xf32, #tpu.memory_space<vmem>>)
      %mul3A_38 = arith.constant 4 : i32
      %mul3A_39 = arith.muli %add3A_32, %mul3A_38 : i32
      %add3A_40 = arith.addi %mul3A_2, %mul3A_39 : i32
      %dma_start3A_41 = arith.constant 0 : i32
      %dma_start3A_42 = tpu.memref_slice %arg5[%add3A_40, %dma_start3A_41] : memref<8192x8192xf32, #tpu.memory_space<hbm>> -> memref<4x8192xf32, #tpu.memory_space<hbm>>
      %dma_start3A_43 = arith.constant 0 : i32
      %dma_start3A_44 = tpu.memref_slice %arg5[%add3A_40, %dma_start3A_43] : memref<8192x8192xf32, #tpu.memory_space<hbm>> -> memref<4x8192xf32, #tpu.memory_space<hbm>>
      tpu.enqueue_dma source(%arg10 : memref<4x8192xf32, #tpu.memory_space<vmem>>) target(%dma_start3A_44 : memref<4x8192xf32, #tpu.memory_space<hbm>>) target_semaphore(%arg16 : memref<!tpu.dma_semaphore, #tpu.memory_space<semaphore_mem>>)
      %scan3A_45 = arith.constant 0 : i32
      %scan3A_46 = arith.constant 128 : i32
      %scan3A_47 = arith.addi %scan3A_45, %scan3A_46 : i32
      %scan3A_48 = arith.constant 4 : i32
      %scan3A_49:4 = scf.for %scan3A_330 = %scan3A_45 to %scan3A_47 step %scan3A_48 iter_args(%scan3A_331 = %broadcast_in_dim3A_18, %scan3A_332 = %broadcast_in_dim3A_18, %scan3A_333 = %broadcast_in_dim3A_18, %scan3A_334 = %broadcast_in_dim3A_18) -> (vector<16xf32>, vector<16xf32>, vector<16xf32>, vector<16xf32>)  : i32 {
        %mul3A_335 = arith.constant 4 : i32
        %mul3A_336 = arith.muli %scan3A_330, %mul3A_335 : i32
        %mul3A_337 = arith.constant 16 : i32
        %mul3A_338 = arith.muli %mul3A_336, %mul3A_337 : i32
        %get3A_339 = arith.constant 0 : i32
        %get3A_340 = arith.index_cast %get3A_339 : i32 to index
        %get3A_341 = arith.index_cast %mul3A_338 : i32 to index
        %get3A_342 = tpu.vector_load %arg10[%get3A_340, %get3A_341] {strides = array<i32>} : memref<4x8192xf32, #tpu.memory_space<vmem>>, vector<16xf32>,
        %exp3A = math.exp %get3A_342 : vector<16xf32>
        %add3A_343 = arith.addf %scan3A_331, %exp3A : vector<16xf32>
        %add3A_344 = arith.constant 16 : i32
        %add3A_345 = arith.addi %mul3A_338, %add3A_344 : i32
        %get3A_346 = arith.constant 0 : i32
        %get3A_347 = arith.index_cast %get3A_346 : i32 to index
        %get3A_348 = arith.index_cast %add3A_345 : i32 to index
        %get3A_349 = tpu.vector_load %arg10[%get3A_347, %get3A_348] {strides = array<i32>} : memref<4x8192xf32, #tpu.memory_space<vmem>>, vector<16xf32>,
        %exp3A_350 = math.exp %get3A_349 : vector<16xf32>
        %add3A_351 = arith.addf %scan3A_332, %exp3A_350 : vector<16xf32>
        %add3A_352 = arith.constant 32 : i32
        %add3A_353 = arith.addi %mul3A_338, %add3A_352 : i32
        %get3A_354 = arith.constant 0 : i32
        %get3A_355 = arith.index_cast %get3A_354 : i32 to index
        %get3A_356 = arith.index_cast %add3A_353 : i32 to index
        %get3A_357 = tpu.vector_load %arg10[%get3A_355, %get3A_356] {strides = array<i32>} : memref<4x8192xf32, #tpu.memory_space<vmem>>, vector<16xf32>,
        %exp3A_358 = math.exp %get3A_357 : vector<16xf32>
        %add3A_359 = arith.addf %scan3A_333, %exp3A_358 : vector<16xf32>
        %add3A_360 = arith.constant 48 : i32
        %add3A_361 = arith.addi %mul3A_338, %add3A_360 : i32
        %get3A_362 = arith.constant 0 : i32
        %get3A_363 = arith.index_cast %get3A_362 : i32 to index
        %get3A_364 = arith.index_cast %add3A_361 : i32 to index
        %get3A_365 = tpu.vector_load %arg10[%get3A_363, %get3A_364] {strides = array<i32>} : memref<4x8192xf32, #tpu.memory_space<vmem>>, vector<16xf32>,
        %exp3A_366 = math.exp %get3A_365 : vector<16xf32>
        %add3A_367 = arith.addf %scan3A_334, %exp3A_366 : vector<16xf32>
        %scan3A_368 = arith.constant 1 : i32
        %scan3A_369 = arith.addi %scan3A_330, %scan3A_368 : i32
        %mul3A_370 = arith.constant 4 : i32
        %mul3A_371 = arith.muli %scan3A_369, %mul3A_370 : i32
        %mul3A_372 = arith.constant 16 : i32
        %mul3A_373 = arith.muli %mul3A_371, %mul3A_372 : i32
        %get3A_374 = arith.constant 0 : i32
        %get3A_375 = arith.index_cast %get3A_374 : i32 to index
        %get3A_376 = arith.index_cast %mul3A_373 : i32 to index
        %get3A_377 = tpu.vector_load %arg10[%get3A_375, %get3A_376] {strides = array<i32>} : memref<4x8192xf32, #tpu.memory_space<vmem>>, vector<16xf32>,
        %exp3A_378 = math.exp %get3A_377 : vector<16xf32>
        %add3A_379 = arith.addf %add3A_343, %exp3A_378 : vector<16xf32>
        %add3A_380 = arith.constant 16 : i32
        %add3A_381 = arith.addi %mul3A_373, %add3A_380 : i32
        %get3A_382 = arith.constant 0 : i32
        %get3A_383 = arith.index_cast %get3A_382 : i32 to index
        %get3A_384 = arith.index_cast %add3A_381 : i32 to index
        %get3A_385 = tpu.vector_load %arg10[%get3A_383, %get3A_384] {strides = array<i32>} : memref<4x8192xf32, #tpu.memory_space<vmem>>, vector<16xf32>,
        %exp3A_386 = math.exp %get3A_385 : vector<16xf32>
        %add3A_387 = arith.addf %add3A_351, %exp3A_386 : vector<16xf32>
        %add3A_388 = arith.constant 32 : i32
        %add3A_389 = arith.addi %mul3A_373, %add3A_388 : i32
        %get3A_390 = arith.constant 0 : i32
        %get3A_391 = arith.index_cast %get3A_390 : i32 to index
        %get3A_392 = arith.index_cast %add3A_389 : i32 to index
        %get3A_393 = tpu.vector_load %arg10[%get3A_391, %get3A_392] {strides = array<i32>} : memref<4x8192xf32, #tpu.memory_space<vmem>>, vector<16xf32>,
        %exp3A_394 = math.exp %get3A_393 : vector<16xf32>
        %add3A_395 = arith.addf %add3A_359, %exp3A_394 : vector<16xf32>
        %add3A_396 = arith.constant 48 : i32
        %add3A_397 = arith.addi %mul3A_373, %add3A_396 : i32
        %get3A_398 = arith.constant 0 : i32
        %get3A_399 = arith.index_cast %get3A_398 : i32 to index
        %get3A_400 = arith.index_cast %add3A_397 : i32 to index
        %get3A_401 = tpu.vector_load %arg10[%get3A_399, %get3A_400] {strides = array<i32>} : memref<4x8192xf32, #tpu.memory_space<vmem>>, vector<16xf32>,
        %exp3A_402 = math.exp %get3A_401 : vector<16xf32>
        %add3A_403 = arith.addf %add3A_367, %exp3A_402 : vector<16xf32>
        %scan3A_404 = arith.constant 2 : i32
        %scan3A_405 = arith.addi %scan3A_330, %scan3A_404 : i32
        %mul3A_406 = arith.constant 4 : i32
        %mul3A_407 = arith.muli %scan3A_405, %mul3A_406 : i32
        %mul3A_408 = arith.constant 16 : i32
        %mul3A_409 = arith.muli %mul3A_407, %mul3A_408 : i32
        %get3A_410 = arith.constant 0 : i32
        %get3A_411 = arith.index_cast %get3A_410 : i32 to index
        %get3A_412 = arith.index_cast %mul3A_409 : i32 to index
        %get3A_413 = tpu.vector_load %arg10[%get3A_411, %get3A_412] {strides = array<i32>} : memref<4x8192xf32, #tpu.memory_space<vmem>>, vector<16xf32>,
        %exp3A_414 = math.exp %get3A_413 : vector<16xf32>
        %add3A_415 = arith.addf %add3A_379, %exp3A_414 : vector<16xf32>
        %add3A_416 = arith.constant 16 : i32
        %add3A_417 = arith.addi %mul3A_409, %add3A_416 : i32
        %get3A_418 = arith.constant 0 : i32
        %get3A_419 = arith.index_cast %get3A_418 : i32 to index
        %get3A_420 = arith.index_cast %add3A_417 : i32 to index
        %get3A_421 = tpu.vector_load %arg10[%get3A_419, %get3A_420] {strides = array<i32>} : memref<4x8192xf32, #tpu.memory_space<vmem>>, vector<16xf32>,
        %exp3A_422 = math.exp %get3A_421 : vector<16xf32>
        %add3A_423 = arith.addf %add3A_387, %exp3A_422 : vector<16xf32>
        %add3A_424 = arith.constant 32 : i32
        %add3A_425 = arith.addi %mul3A_409, %add3A_424 : i32
        %get3A_426 = arith.constant 0 : i32
        %get3A_427 = arith.index_cast %get3A_426 : i32 to index
        %get3A_428 = arith.index_cast %add3A_425 : i32 to index
        %get3A_429 = tpu.vector_load %arg10[%get3A_427, %get3A_428] {strides = array<i32>} : memref<4x8192xf32, #tpu.memory_space<vmem>>, vector<16xf32>,
        %exp3A_430 = math.exp %get3A_429 : vector<16xf32>
        %add3A_431 = arith.addf %add3A_395, %exp3A_430 : vector<16xf32>
        %add3A_432 = arith.constant 48 : i32
        %add3A_433 = arith.addi %mul3A_409, %add3A_432 : i32
        %get3A_434 = arith.constant 0 : i32
        %get3A_435 = arith.index_cast %get3A_434 : i32 to index
        %get3A_436 = arith.index_cast %add3A_433 : i32 to index
        %get3A_437 = tpu.vector_load %arg10[%get3A_435, %get3A_436] {strides = array<i32>} : memref<4x8192xf32, #tpu.memory_space<vmem>>, vector<16xf32>,
        %exp3A_438 = math.exp %get3A_437 : vector<16xf32>
        %add3A_439 = arith.addf %add3A_403, %exp3A_438 : vector<16xf32>
        %scan3A_440 = arith.constant 3 : i32
        %scan3A_441 = arith.addi %scan3A_330, %scan3A_440 : i32
        %mul3A_442 = arith.constant 4 : i32
        %mul3A_443 = arith.muli %scan3A_441, %mul3A_442 : i32
        %mul3A_444 = arith.constant 16 : i32
        %mul3A_445 = arith.muli %mul3A_443, %mul3A_444 : i32
        %get3A_446 = arith.constant 0 : i32
        %get3A_447 = arith.index_cast %get3A_446 : i32 to index
        %get3A_448 = arith.index_cast %mul3A_445 : i32 to index
        %get3A_449 = tpu.vector_load %arg10[%get3A_447, %get3A_448] {strides = array<i32>} : memref<4x8192xf32, #tpu.memory_space<vmem>>, vector<16xf32>,
        %exp3A_450 = math.exp %get3A_449 : vector<16xf32>
        %add3A_451 = arith.addf %add3A_415, %exp3A_450 : vector<16xf32>
        %add3A_452 = arith.constant 16 : i32
        %add3A_453 = arith.addi %mul3A_445, %add3A_452 : i32
        %get3A_454 = arith.constant 0 : i32
        %get3A_455 = arith.index_cast %get3A_454 : i32 to index
        %get3A_456 = arith.index_cast %add3A_453 : i32 to index
        %get3A_457 = tpu.vector_load %arg10[%get3A_455, %get3A_456] {strides = array<i32>} : memref<4x8192xf32, #tpu.memory_space<vmem>>, vector<16xf32>,
        %exp3A_458 = math.exp %get3A_457 : vector<16xf32>
        %add3A_459 = arith.addf %add3A_423, %exp3A_458 : vector<16xf32>
        %add3A_460 = arith.constant 32 : i32
        %add3A_461 = arith.addi %mul3A_445, %add3A_460 : i32
        %get3A_462 = arith.constant 0 : i32
        %get3A_463 = arith.index_cast %get3A_462 : i32 to index
        %get3A_464 = arith.index_cast %add3A_461 : i32 to index
        %get3A_465 = tpu.vector_load %arg10[%get3A_463, %get3A_464] {strides = array<i32>} : memref<4x8192xf32, #tpu.memory_space<vmem>>, vector<16xf32>,
        %exp3A_466 = math.exp %get3A_465 : vector<16xf32>
        %add3A_467 = arith.addf %add3A_431, %exp3A_466 : vector<16xf32>
        %add3A_468 = arith.constant 48 : i32
        %add3A_469 = arith.addi %mul3A_445, %add3A_468 : i32
        %get3A_470 = arith.constant 0 : i32
        %get3A_471 = arith.index_cast %get3A_470 : i32 to index
        %get3A_472 = arith.index_cast %add3A_469 : i32 to index
        %get3A_473 = tpu.vector_load %arg10[%get3A_471, %get3A_472] {strides = array<i32>} : memref<4x8192xf32, #tpu.memory_space<vmem>>, vector<16xf32>,
        %exp3A_474 = math.exp %get3A_473 : vector<16xf32>
        %add3A_475 = arith.addf %add3A_439, %exp3A_474 : vector<16xf32>
        scf.yield %add3A_451, %add3A_459, %add3A_467, %add3A_475 : vector<16xf32>, vector<16xf32>, vector<16xf32>, vector<16xf32>
      }
      %scan3A_50 = arith.constant 128 : i32
      %add3A_51 = arith.addf %scan3A_49#0, %scan3A_49#1 : vector<16xf32>
      %add3A_52 = arith.addf %scan3A_49#2, %scan3A_49#3 : vector<16xf32>
      %add3A_53 = arith.addf %add3A_51, %add3A_52 : vector<16xf32>
      %mul3A_54 = arith.constant 4 : i32
      %mul3A_55 = arith.muli %add3A_32, %mul3A_54 : i32
      %add3A_56 = arith.constant 0 : i32
      %add3A_57 = arith.addi %mul3A_55, %add3A_56 : i32
      %swap3A = arith.index_cast %add3A_57 : i32 to index
      %swap3A_58 = arith.constant 0 : index
      %swap3A_59 = tpu.vector_load %arg12[%swap3A, %swap3A_58] {strides = array<i32>} : memref<256x16xf32, #tpu.memory_space<vmem>>, vector<16xf32>,
      tpu.vector_store %arg12[%swap3A, %swap3A_58], %add3A_53 {strides = array<i32>} : memref<256x16xf32, #tpu.memory_space<vmem>>, vector<16xf32>,
      %scan3A_60 = arith.constant 0 : i32
      %scan3A_61 = arith.constant 128 : i32
      %scan3A_62 = arith.addi %scan3A_60, %scan3A_61 : i32
      %scan3A_63 = arith.constant 4 : i32
      %scan3A_64:4 = scf.for %scan3A_330 = %scan3A_60 to %scan3A_62 step %scan3A_63 iter_args(%scan3A_331 = %broadcast_in_dim3A_18, %scan3A_332 = %broadcast_in_dim3A_18, %scan3A_333 = %broadcast_in_dim3A_18, %scan3A_334 = %broadcast_in_dim3A_18) -> (vector<16xf32>, vector<16xf32>, vector<16xf32>, vector<16xf32>)  : i32 {
        %mul3A_335 = arith.constant 4 : i32
        %mul3A_336 = arith.muli %scan3A_330, %mul3A_335 : i32
        %mul3A_337 = arith.constant 16 : i32
        %mul3A_338 = arith.muli %mul3A_336, %mul3A_337 : i32
        %get3A_339 = arith.constant 1 : i32
        %get3A_340 = arith.index_cast %get3A_339 : i32 to index
        %get3A_341 = arith.index_cast %mul3A_338 : i32 to index
        %get3A_342 = tpu.vector_load %arg10[%get3A_340, %get3A_341] {strides = array<i32>} : memref<4x8192xf32, #tpu.memory_space<vmem>>, vector<16xf32>,
        %exp3A = math.exp %get3A_342 : vector<16xf32>
        %add3A_343 = arith.addf %scan3A_331, %exp3A : vector<16xf32>
        %add3A_344 = arith.constant 16 : i32
        %add3A_345 = arith.addi %mul3A_338, %add3A_344 : i32
        %get3A_346 = arith.constant 1 : i32
        %get3A_347 = arith.index_cast %get3A_346 : i32 to index
        %get3A_348 = arith.index_cast %add3A_345 : i32 to index
        %get3A_349 = tpu.vector_load %arg10[%get3A_347, %get3A_348] {strides = array<i32>} : memref<4x8192xf32, #tpu.memory_space<vmem>>, vector<16xf32>,
        %exp3A_350 = math.exp %get3A_349 : vector<16xf32>
        %add3A_351 = arith.addf %scan3A_332, %exp3A_350 : vector<16xf32>
        %add3A_352 = arith.constant 32 : i32
        %add3A_353 = arith.addi %mul3A_338, %add3A_352 : i32
        %get3A_354 = arith.constant 1 : i32
        %get3A_355 = arith.index_cast %get3A_354 : i32 to index
        %get3A_356 = arith.index_cast %add3A_353 : i32 to index
        %get3A_357 = tpu.vector_load %arg10[%get3A_355, %get3A_356] {strides = array<i32>} : memref<4x8192xf32, #tpu.memory_space<vmem>>, vector<16xf32>,
        %exp3A_358 = math.exp %get3A_357 : vector<16xf32>
        %add3A_359 = arith.addf %scan3A_333, %exp3A_358 : vector<16xf32>
        %add3A_360 = arith.constant 48 : i32
        %add3A_361 = arith.addi %mul3A_338, %add3A_360 : i32
        %get3A_362 = arith.constant 1 : i32
        %get3A_363 = arith.index_cast %get3A_362 : i32 to index
        %get3A_364 = arith.index_cast %add3A_361 : i32 to index
        %get3A_365 = tpu.vector_load %arg10[%get3A_363, %get3A_364] {strides = array<i32>} : memref<4x8192xf32, #tpu.memory_space<vmem>>, vector<16xf32>,
        %exp3A_366 = math.exp %get3A_365 : vector<16xf32>
        %add3A_367 = arith.addf %scan3A_334, %exp3A_366 : vector<16xf32>
        %scan3A_368 = arith.constant 1 : i32
        %scan3A_369 = arith.addi %scan3A_330, %scan3A_368 : i32
        %mul3A_370 = arith.constant 4 : i32
        %mul3A_371 = arith.muli %scan3A_369, %mul3A_370 : i32
        %mul3A_372 = arith.constant 16 : i32
        %mul3A_373 = arith.muli %mul3A_371, %mul3A_372 : i32
        %get3A_374 = arith.constant 1 : i32
        %get3A_375 = arith.index_cast %get3A_374 : i32 to index
        %get3A_376 = arith.index_cast %mul3A_373 : i32 to index
        %get3A_377 = tpu.vector_load %arg10[%get3A_375, %get3A_376] {strides = array<i32>} : memref<4x8192xf32, #tpu.memory_space<vmem>>, vector<16xf32>,
        %exp3A_378 = math.exp %get3A_377 : vector<16xf32>
        %add3A_379 = arith.addf %add3A_343, %exp3A_378 : vector<16xf32>
        %add3A_380 = arith.constant 16 : i32
        %add3A_381 = arith.addi %mul3A_373, %add3A_380 : i32
        %get3A_382 = arith.constant 1 : i32
        %get3A_383 = arith.index_cast %get3A_382 : i32 to index
        %get3A_384 = arith.index_cast %add3A_381 : i32 to index
        %get3A_385 = tpu.vector_load %arg10[%get3A_383, %get3A_384] {strides = array<i32>} : memref<4x8192xf32, #tpu.memory_space<vmem>>, vector<16xf32>,
        %exp3A_386 = math.exp %get3A_385 : vector<16xf32>
        %add3A_387 = arith.addf %add3A_351, %exp3A_386 : vector<16xf32>
        %add3A_388 = arith.constant 32 : i32
        %add3A_389 = arith.addi %mul3A_373, %add3A_388 : i32
        %get3A_390 = arith.constant 1 : i32
        %get3A_391 = arith.index_cast %get3A_390 : i32 to index
        %get3A_392 = arith.index_cast %add3A_389 : i32 to index
        %get3A_393 = tpu.vector_load %arg10[%get3A_391, %get3A_392] {strides = array<i32>} : memref<4x8192xf32, #tpu.memory_space<vmem>>, vector<16xf32>,
        %exp3A_394 = math.exp %get3A_393 : vector<16xf32>
        %add3A_395 = arith.addf %add3A_359, %exp3A_394 : vector<16xf32>
        %add3A_396 = arith.constant 48 : i32
        %add3A_397 = arith.addi %mul3A_373, %add3A_396 : i32
        %get3A_398 = arith.constant 1 : i32
        %get3A_399 = arith.index_cast %get3A_398 : i32 to index
        %get3A_400 = arith.index_cast %add3A_397 : i32 to index
        %get3A_401 = tpu.vector_load %arg10[%get3A_399, %get3A_400] {strides = array<i32>} : memref<4x8192xf32, #tpu.memory_space<vmem>>, vector<16xf32>,
        %exp3A_402 = math.exp %get3A_401 : vector<16xf32>
        %add3A_403 = arith.addf %add3A_367, %exp3A_402 : vector<16xf32>
        %scan3A_404 = arith.constant 2 : i32
        %scan3A_405 = arith.addi %scan3A_330, %scan3A_404 : i32
        %mul3A_406 = arith.constant 4 : i32
        %mul3A_407 = arith.muli %scan3A_405, %mul3A_406 : i32
        %mul3A_408 = arith.constant 16 : i32
        %mul3A_409 = arith.muli %mul3A_407, %mul3A_408 : i32
        %get3A_410 = arith.constant 1 : i32
        %get3A_411 = arith.index_cast %get3A_410 : i32 to index
        %get3A_412 = arith.index_cast %mul3A_409 : i32 to index
        %get3A_413 = tpu.vector_load %arg10[%get3A_411, %get3A_412] {strides = array<i32>} : memref<4x8192xf32, #tpu.memory_space<vmem>>, vector<16xf32>,
        %exp3A_414 = math.exp %get3A_413 : vector<16xf32>
        %add3A_415 = arith.addf %add3A_379, %exp3A_414 : vector<16xf32>
        %add3A_416 = arith.constant 16 : i32
        %add3A_417 = arith.addi %mul3A_409, %add3A_416 : i32
        %get3A_418 = arith.constant 1 : i32
        %get3A_419 = arith.index_cast %get3A_418 : i32 to index
        %get3A_420 = arith.index_cast %add3A_417 : i32 to index
        %get3A_421 = tpu.vector_load %arg10[%get3A_419, %get3A_420] {strides = array<i32>} : memref<4x8192xf32, #tpu.memory_space<vmem>>, vector<16xf32>,
        %exp3A_422 = math.exp %get3A_421 : vector<16xf32>
        %add3A_423 = arith.addf %add3A_387, %exp3A_422 : vector<16xf32>
        %add3A_424 = arith.constant 32 : i32
        %add3A_425 = arith.addi %mul3A_409, %add3A_424 : i32
        %get3A_426 = arith.constant 1 : i32
        %get3A_427 = arith.index_cast %get3A_426 : i32 to index
        %get3A_428 = arith.index_cast %add3A_425 : i32 to index
        %get3A_429 = tpu.vector_load %arg10[%get3A_427, %get3A_428] {strides = array<i32>} : memref<4x8192xf32, #tpu.memory_space<vmem>>, vector<16xf32>,
        %exp3A_430 = math.exp %get3A_429 : vector<16xf32>
        %add3A_431 = arith.addf %add3A_395, %exp3A_430 : vector<16xf32>
        %add3A_432 = arith.constant 48 : i32
        %add3A_433 = arith.addi %mul3A_409, %add3A_432 : i32
        %get3A_434 = arith.constant 1 : i32
        %get3A_435 = arith.index_cast %get3A_434 : i32 to index
        %get3A_436 = arith.index_cast %add3A_433 : i32 to index
        %get3A_437 = tpu.vector_load %arg10[%get3A_435, %get3A_436] {strides = array<i32>} : memref<4x8192xf32, #tpu.memory_space<vmem>>, vector<16xf32>,
        %exp3A_438 = math.exp %get3A_437 : vector<16xf32>
        %add3A_439 = arith.addf %add3A_403, %exp3A_438 : vector<16xf32>
        %scan3A_440 = arith.constant 3 : i32
        %scan3A_441 = arith.addi %scan3A_330, %scan3A_440 : i32
        %mul3A_442 = arith.constant 4 : i32
        %mul3A_443 = arith.muli %scan3A_441, %mul3A_442 : i32
        %mul3A_444 = arith.constant 16 : i32
        %mul3A_445 = arith.muli %mul3A_443, %mul3A_444 : i32
        %get3A_446 = arith.constant 1 : i32
        %get3A_447 = arith.index_cast %get3A_446 : i32 to index
        %get3A_448 = arith.index_cast %mul3A_445 : i32 to index
        %get3A_449 = tpu.vector_load %arg10[%get3A_447, %get3A_448] {strides = array<i32>} : memref<4x8192xf32, #tpu.memory_space<vmem>>, vector<16xf32>,
        %exp3A_450 = math.exp %get3A_449 : vector<16xf32>
        %add3A_451 = arith.addf %add3A_415, %exp3A_450 : vector<16xf32>
        %add3A_452 = arith.constant 16 : i32
        %add3A_453 = arith.addi %mul3A_445, %add3A_452 : i32
        %get3A_454 = arith.constant 1 : i32
        %get3A_455 = arith.index_cast %get3A_454 : i32 to index
        %get3A_456 = arith.index_cast %add3A_453 : i32 to index
        %get3A_457 = tpu.vector_load %arg10[%get3A_455, %get3A_456] {strides = array<i32>} : memref<4x8192xf32, #tpu.memory_space<vmem>>, vector<16xf32>,
        %exp3A_458 = math.exp %get3A_457 : vector<16xf32>
        %add3A_459 = arith.addf %add3A_423, %exp3A_458 : vector<16xf32>
        %add3A_460 = arith.constant 32 : i32
        %add3A_461 = arith.addi %mul3A_445, %add3A_460 : i32
        %get3A_462 = arith.constant 1 : i32
        %get3A_463 = arith.index_cast %get3A_462 : i32 to index
        %get3A_464 = arith.index_cast %add3A_461 : i32 to index
        %get3A_465 = tpu.vector_load %arg10[%get3A_463, %get3A_464] {strides = array<i32>} : memref<4x8192xf32, #tpu.memory_space<vmem>>, vector<16xf32>,
        %exp3A_466 = math.exp %get3A_465 : vector<16xf32>
        %add3A_467 = arith.addf %add3A_431, %exp3A_466 : vector<16xf32>
        %add3A_468 = arith.constant 48 : i32
        %add3A_469 = arith.addi %mul3A_445, %add3A_468 : i32
        %get3A_470 = arith.constant 1 : i32
        %get3A_471 = arith.index_cast %get3A_470 : i32 to index
        %get3A_472 = arith.index_cast %add3A_469 : i32 to index
        %get3A_473 = tpu.vector_load %arg10[%get3A_471, %get3A_472] {strides = array<i32>} : memref<4x8192xf32, #tpu.memory_space<vmem>>, vector<16xf32>,
        %exp3A_474 = math.exp %get3A_473 : vector<16xf32>
        %add3A_475 = arith.addf %add3A_439, %exp3A_474 : vector<16xf32>
        scf.yield %add3A_451, %add3A_459, %add3A_467, %add3A_475 : vector<16xf32>, vector<16xf32>, vector<16xf32>, vector<16xf32>
      }
      %scan3A_65 = arith.constant 128 : i32
      %add3A_66 = arith.addf %scan3A_64#0, %scan3A_64#1 : vector<16xf32>
      %add3A_67 = arith.addf %scan3A_64#2, %scan3A_64#3 : vector<16xf32>
      %add3A_68 = arith.addf %add3A_66, %add3A_67 : vector<16xf32>
      %mul3A_69 = arith.constant 4 : i32
      %mul3A_70 = arith.muli %add3A_32, %mul3A_69 : i32
      %add3A_71 = arith.constant 1 : i32
      %add3A_72 = arith.addi %mul3A_70, %add3A_71 : i32
      %swap3A_73 = arith.index_cast %add3A_72 : i32 to index
      %swap3A_74 = arith.constant 0 : index
      %swap3A_75 = tpu.vector_load %arg12[%swap3A_73, %swap3A_74] {strides = array<i32>} : memref<256x16xf32, #tpu.memory_space<vmem>>, vector<16xf32>,
      tpu.vector_store %arg12[%swap3A_73, %swap3A_74], %add3A_68 {strides = array<i32>} : memref<256x16xf32, #tpu.memory_space<vmem>>, vector<16xf32>,
      %scan3A_76 = arith.constant 0 : i32
      %scan3A_77 = arith.constant 128 : i32
      %scan3A_78 = arith.addi %scan3A_76, %scan3A_77 : i32
      %scan3A_79 = arith.constant 4 : i32
      %scan3A_80:4 = scf.for %scan3A_330 = %scan3A_76 to %scan3A_78 step %scan3A_79 iter_args(%scan3A_331 = %broadcast_in_dim3A_18, %scan3A_332 = %broadcast_in_dim3A_18, %scan3A_333 = %broadcast_in_dim3A_18, %scan3A_334 = %broadcast_in_dim3A_18) -> (vector<16xf32>, vector<16xf32>, vector<16xf32>, vector<16xf32>)  : i32 {
        %mul3A_335 = arith.constant 4 : i32
        %mul3A_336 = arith.muli %scan3A_330, %mul3A_335 : i32
        %mul3A_337 = arith.constant 16 : i32
        %mul3A_338 = arith.muli %mul3A_336, %mul3A_337 : i32
        %get3A_339 = arith.constant 2 : i32
        %get3A_340 = arith.index_cast %get3A_339 : i32 to index
        %get3A_341 = arith.index_cast %mul3A_338 : i32 to index
        %get3A_342 = tpu.vector_load %arg10[%get3A_340, %get3A_341] {strides = array<i32>} : memref<4x8192xf32, #tpu.memory_space<vmem>>, vector<16xf32>,
        %exp3A = math.exp %get3A_342 : vector<16xf32>
        %add3A_343 = arith.addf %scan3A_331, %exp3A : vector<16xf32>
        %add3A_344 = arith.constant 16 : i32
        %add3A_345 = arith.addi %mul3A_338, %add3A_344 : i32
        %get3A_346 = arith.constant 2 : i32
        %get3A_347 = arith.index_cast %get3A_346 : i32 to index
        %get3A_348 = arith.index_cast %add3A_345 : i32 to index
        %get3A_349 = tpu.vector_load %arg10[%get3A_347, %get3A_348] {strides = array<i32>} : memref<4x8192xf32, #tpu.memory_space<vmem>>, vector<16xf32>,
        %exp3A_350 = math.exp %get3A_349 : vector<16xf32>
        %add3A_351 = arith.addf %scan3A_332, %exp3A_350 : vector<16xf32>
        %add3A_352 = arith.constant 32 : i32
        %add3A_353 = arith.addi %mul3A_338, %add3A_352 : i32
        %get3A_354 = arith.constant 2 : i32
        %get3A_355 = arith.index_cast %get3A_354 : i32 to index
        %get3A_356 = arith.index_cast %add3A_353 : i32 to index
        %get3A_357 = tpu.vector_load %arg10[%get3A_355, %get3A_356] {strides = array<i32>} : memref<4x8192xf32, #tpu.memory_space<vmem>>, vector<16xf32>,
        %exp3A_358 = math.exp %get3A_357 : vector<16xf32>
        %add3A_359 = arith.addf %scan3A_333, %exp3A_358 : vector<16xf32>
        %add3A_360 = arith.constant 48 : i32
        %add3A_361 = arith.addi %mul3A_338, %add3A_360 : i32
        %get3A_362 = arith.constant 2 : i32
        %get3A_363 = arith.index_cast %get3A_362 : i32 to index
        %get3A_364 = arith.index_cast %add3A_361 : i32 to index
        %get3A_365 = tpu.vector_load %arg10[%get3A_363, %get3A_364] {strides = array<i32>} : memref<4x8192xf32, #tpu.memory_space<vmem>>, vector<16xf32>,
        %exp3A_366 = math.exp %get3A_365 : vector<16xf32>
        %add3A_367 = arith.addf %scan3A_334, %exp3A_366 : vector<16xf32>
        %scan3A_368 = arith.constant 1 : i32
        %scan3A_369 = arith.addi %scan3A_330, %scan3A_368 : i32
        %mul3A_370 = arith.constant 4 : i32
        %mul3A_371 = arith.muli %scan3A_369, %mul3A_370 : i32
        %mul3A_372 = arith.constant 16 : i32
        %mul3A_373 = arith.muli %mul3A_371, %mul3A_372 : i32
        %get3A_374 = arith.constant 2 : i32
        %get3A_375 = arith.index_cast %get3A_374 : i32 to index
        %get3A_376 = arith.index_cast %mul3A_373 : i32 to index
        %get3A_377 = tpu.vector_load %arg10[%get3A_375, %get3A_376] {strides = array<i32>} : memref<4x8192xf32, #tpu.memory_space<vmem>>, vector<16xf32>,
        %exp3A_378 = math.exp %get3A_377 : vector<16xf32>
        %add3A_379 = arith.addf %add3A_343, %exp3A_378 : vector<16xf32>
        %add3A_380 = arith.constant 16 : i32
        %add3A_381 = arith.addi %mul3A_373, %add3A_380 : i32
        %get3A_382 = arith.constant 2 : i32
        %get3A_383 = arith.index_cast %get3A_382 : i32 to index
        %get3A_384 = arith.index_cast %add3A_381 : i32 to index
        %get3A_385 = tpu.vector_load %arg10[%get3A_383, %get3A_384] {strides = array<i32>} : memref<4x8192xf32, #tpu.memory_space<vmem>>, vector<16xf32>,
        %exp3A_386 = math.exp %get3A_385 : vector<16xf32>
        %add3A_387 = arith.addf %add3A_351, %exp3A_386 : vector<16xf32>
        %add3A_388 = arith.constant 32 : i32
        %add3A_389 = arith.addi %mul3A_373, %add3A_388 : i32
        %get3A_390 = arith.constant 2 : i32
        %get3A_391 = arith.index_cast %get3A_390 : i32 to index
        %get3A_392 = arith.index_cast %add3A_389 : i32 to index
        %get3A_393 = tpu.vector_load %arg10[%get3A_391, %get3A_392] {strides = array<i32>} : memref<4x8192xf32, #tpu.memory_space<vmem>>, vector<16xf32>,
        %exp3A_394 = math.exp %get3A_393 : vector<16xf32>
        %add3A_395 = arith.addf %add3A_359, %exp3A_394 : vector<16xf32>
        %add3A_396 = arith.constant 48 : i32
        %add3A_397 = arith.addi %mul3A_373, %add3A_396 : i32
        %get3A_398 = arith.constant 2 : i32
        %get3A_399 = arith.index_cast %get3A_398 : i32 to index
        %get3A_400 = arith.index_cast %add3A_397 : i32 to index
        %get3A_401 = tpu.vector_load %arg10[%get3A_399, %get3A_400] {strides = array<i32>} : memref<4x8192xf32, #tpu.memory_space<vmem>>, vector<16xf32>,
        %exp3A_402 = math.exp %get3A_401 : vector<16xf32>
        %add3A_403 = arith.addf %add3A_367, %exp3A_402 : vector<16xf32>
        %scan3A_404 = arith.constant 2 : i32
        %scan3A_405 = arith.addi %scan3A_330, %scan3A_404 : i32
        %mul3A_406 = arith.constant 4 : i32
        %mul3A_407 = arith.muli %scan3A_405, %mul3A_406 : i32
        %mul3A_408 = arith.constant 16 : i32
        %mul3A_409 = arith.muli %mul3A_407, %mul3A_408 : i32
        %get3A_410 = arith.constant 2 : i32
        %get3A_411 = arith.index_cast %get3A_410 : i32 to index
        %get3A_412 = arith.index_cast %mul3A_409 : i32 to index
        %get3A_413 = tpu.vector_load %arg10[%get3A_411, %get3A_412] {strides = array<i32>} : memref<4x8192xf32, #tpu.memory_space<vmem>>, vector<16xf32>,
        %exp3A_414 = math.exp %get3A_413 : vector<16xf32>
        %add3A_415 = arith.addf %add3A_379, %exp3A_414 : vector<16xf32>
        %add3A_416 = arith.constant 16 : i32
        %add3A_417 = arith.addi %mul3A_409, %add3A_416 : i32
        %get3A_418 = arith.constant 2 : i32
        %get3A_419 = arith.index_cast %get3A_418 : i32 to index
        %get3A_420 = arith.index_cast %add3A_417 : i32 to index
        %get3A_421 = tpu.vector_load %arg10[%get3A_419, %get3A_420] {strides = array<i32>} : memref<4x8192xf32, #tpu.memory_space<vmem>>, vector<16xf32>,
        %exp3A_422 = math.exp %get3A_421 : vector<16xf32>
        %add3A_423 = arith.addf %add3A_387, %exp3A_422 : vector<16xf32>
        %add3A_424 = arith.constant 32 : i32
        %add3A_425 = arith.addi %mul3A_409, %add3A_424 : i32
        %get3A_426 = arith.constant 2 : i32
        %get3A_427 = arith.index_cast %get3A_426 : i32 to index
        %get3A_428 = arith.index_cast %add3A_425 : i32 to index
        %get3A_429 = tpu.vector_load %arg10[%get3A_427, %get3A_428] {strides = array<i32>} : memref<4x8192xf32, #tpu.memory_space<vmem>>, vector<16xf32>,
        %exp3A_430 = math.exp %get3A_429 : vector<16xf32>
        %add3A_431 = arith.addf %add3A_395, %exp3A_430 : vector<16xf32>
        %add3A_432 = arith.constant 48 : i32
        %add3A_433 = arith.addi %mul3A_409, %add3A_432 : i32
        %get3A_434 = arith.constant 2 : i32
        %get3A_435 = arith.index_cast %get3A_434 : i32 to index
        %get3A_436 = arith.index_cast %add3A_433 : i32 to index
        %get3A_437 = tpu.vector_load %arg10[%get3A_435, %get3A_436] {strides = array<i32>} : memref<4x8192xf32, #tpu.memory_space<vmem>>, vector<16xf32>,
        %exp3A_438 = math.exp %get3A_437 : vector<16xf32>
        %add3A_439 = arith.addf %add3A_403, %exp3A_438 : vector<16xf32>
        %scan3A_440 = arith.constant 3 : i32
        %scan3A_441 = arith.addi %scan3A_330, %scan3A_440 : i32
        %mul3A_442 = arith.constant 4 : i32
        %mul3A_443 = arith.muli %scan3A_441, %mul3A_442 : i32
        %mul3A_444 = arith.constant 16 : i32
        %mul3A_445 = arith.muli %mul3A_443, %mul3A_444 : i32
        %get3A_446 = arith.constant 2 : i32
        %get3A_447 = arith.index_cast %get3A_446 : i32 to index
        %get3A_448 = arith.index_cast %mul3A_445 : i32 to index
        %get3A_449 = tpu.vector_load %arg10[%get3A_447, %get3A_448] {strides = array<i32>} : memref<4x8192xf32, #tpu.memory_space<vmem>>, vector<16xf32>,
        %exp3A_450 = math.exp %get3A_449 : vector<16xf32>
        %add3A_451 = arith.addf %add3A_415, %exp3A_450 : vector<16xf32>
        %add3A_452 = arith.constant 16 : i32
        %add3A_453 = arith.addi %mul3A_445, %add3A_452 : i32
        %get3A_454 = arith.constant 2 : i32
        %get3A_455 = arith.index_cast %get3A_454 : i32 to index
        %get3A_456 = arith.index_cast %add3A_453 : i32 to index
        %get3A_457 = tpu.vector_load %arg10[%get3A_455, %get3A_456] {strides = array<i32>} : memref<4x8192xf32, #tpu.memory_space<vmem>>, vector<16xf32>,
        %exp3A_458 = math.exp %get3A_457 : vector<16xf32>
        %add3A_459 = arith.addf %add3A_423, %exp3A_458 : vector<16xf32>
        %add3A_460 = arith.constant 32 : i32
        %add3A_461 = arith.addi %mul3A_445, %add3A_460 : i32
        %get3A_462 = arith.constant 2 : i32
        %get3A_463 = arith.index_cast %get3A_462 : i32 to index
        %get3A_464 = arith.index_cast %add3A_461 : i32 to index
        %get3A_465 = tpu.vector_load %arg10[%get3A_463, %get3A_464] {strides = array<i32>} : memref<4x8192xf32, #tpu.memory_space<vmem>>, vector<16xf32>,
        %exp3A_466 = math.exp %get3A_465 : vector<16xf32>
        %add3A_467 = arith.addf %add3A_431, %exp3A_466 : vector<16xf32>
        %add3A_468 = arith.constant 48 : i32
        %add3A_469 = arith.addi %mul3A_445, %add3A_468 : i32
        %get3A_470 = arith.constant 2 : i32
        %get3A_471 = arith.index_cast %get3A_470 : i32 to index
        %get3A_472 = arith.index_cast %add3A_469 : i32 to index
        %get3A_473 = tpu.vector_load %arg10[%get3A_471, %get3A_472] {strides = array<i32>} : memref<4x8192xf32, #tpu.memory_space<vmem>>, vector<16xf32>,
        %exp3A_474 = math.exp %get3A_473 : vector<16xf32>
        %add3A_475 = arith.addf %add3A_439, %exp3A_474 : vector<16xf32>
        scf.yield %add3A_451, %add3A_459, %add3A_467, %add3A_475 : vector<16xf32>, vector<16xf32>, vector<16xf32>, vector<16xf32>
      }
      %scan3A_81 = arith.constant 128 : i32
      %add3A_82 = arith.addf %scan3A_80#0, %scan3A_80#1 : vector<16xf32>
      %add3A_83 = arith.addf %scan3A_80#2, %scan3A_80#3 : vector<16xf32>
      %add3A_84 = arith.addf %add3A_82, %add3A_83 : vector<16xf32>
      %mul3A_85 = arith.constant 4 : i32
      %mul3A_86 = arith.muli %add3A_32, %mul3A_85 : i32
      %add3A_87 = arith.constant 2 : i32
      %add3A_88 = arith.addi %mul3A_86, %add3A_87 : i32
      %swap3A_89 = arith.index_cast %add3A_88 : i32 to index
      %swap3A_90 = arith.constant 0 : index
      %swap3A_91 = tpu.vector_load %arg12[%swap3A_89, %swap3A_90] {strides = array<i32>} : memref<256x16xf32, #tpu.memory_space<vmem>>, vector<16xf32>,
      tpu.vector_store %arg12[%swap3A_89, %swap3A_90], %add3A_84 {strides = array<i32>} : memref<256x16xf32, #tpu.memory_space<vmem>>, vector<16xf32>,
      %scan3A_92 = arith.constant 0 : i32
      %scan3A_93 = arith.constant 128 : i32
      %scan3A_94 = arith.addi %scan3A_92, %scan3A_93 : i32
      %scan3A_95 = arith.constant 4 : i32
      %scan3A_96:4 = scf.for %scan3A_330 = %scan3A_92 to %scan3A_94 step %scan3A_95 iter_args(%scan3A_331 = %broadcast_in_dim3A_18, %scan3A_332 = %broadcast_in_dim3A_18, %scan3A_333 = %broadcast_in_dim3A_18, %scan3A_334 = %broadcast_in_dim3A_18) -> (vector<16xf32>, vector<16xf32>, vector<16xf32>, vector<16xf32>)  : i32 {
        %mul3A_335 = arith.constant 4 : i32
        %mul3A_336 = arith.muli %scan3A_330, %mul3A_335 : i32
        %mul3A_337 = arith.constant 16 : i32
        %mul3A_338 = arith.muli %mul3A_336, %mul3A_337 : i32
        %get3A_339 = arith.constant 3 : i32
        %get3A_340 = arith.index_cast %get3A_339 : i32 to index
        %get3A_341 = arith.index_cast %mul3A_338 : i32 to index
        %get3A_342 = tpu.vector_load %arg10[%get3A_340, %get3A_341] {strides = array<i32>} : memref<4x8192xf32, #tpu.memory_space<vmem>>, vector<16xf32>,
        %exp3A = math.exp %get3A_342 : vector<16xf32>
        %add3A_343 = arith.addf %scan3A_331, %exp3A : vector<16xf32>
        %add3A_344 = arith.constant 16 : i32
        %add3A_345 = arith.addi %mul3A_338, %add3A_344 : i32
        %get3A_346 = arith.constant 3 : i32
        %get3A_347 = arith.index_cast %get3A_346 : i32 to index
        %get3A_348 = arith.index_cast %add3A_345 : i32 to index
        %get3A_349 = tpu.vector_load %arg10[%get3A_347, %get3A_348] {strides = array<i32>} : memref<4x8192xf32, #tpu.memory_space<vmem>>, vector<16xf32>,
        %exp3A_350 = math.exp %get3A_349 : vector<16xf32>
        %add3A_351 = arith.addf %scan3A_332, %exp3A_350 : vector<16xf32>
        %add3A_352 = arith.constant 32 : i32
        %add3A_353 = arith.addi %mul3A_338, %add3A_352 : i32
        %get3A_354 = arith.constant 3 : i32
        %get3A_355 = arith.index_cast %get3A_354 : i32 to index
        %get3A_356 = arith.index_cast %add3A_353 : i32 to index
        %get3A_357 = tpu.vector_load %arg10[%get3A_355, %get3A_356] {strides = array<i32>} : memref<4x8192xf32, #tpu.memory_space<vmem>>, vector<16xf32>,
        %exp3A_358 = math.exp %get3A_357 : vector<16xf32>
        %add3A_359 = arith.addf %scan3A_333, %exp3A_358 : vector<16xf32>
        %add3A_360 = arith.constant 48 : i32
        %add3A_361 = arith.addi %mul3A_338, %add3A_360 : i32
        %get3A_362 = arith.constant 3 : i32
        %get3A_363 = arith.index_cast %get3A_362 : i32 to index
        %get3A_364 = arith.index_cast %add3A_361 : i32 to index
        %get3A_365 = tpu.vector_load %arg10[%get3A_363, %get3A_364] {strides = array<i32>} : memref<4x8192xf32, #tpu.memory_space<vmem>>, vector<16xf32>,
        %exp3A_366 = math.exp %get3A_365 : vector<16xf32>
        %add3A_367 = arith.addf %scan3A_334, %exp3A_366 : vector<16xf32>
        %scan3A_368 = arith.constant 1 : i32
        %scan3A_369 = arith.addi %scan3A_330, %scan3A_368 : i32
        %mul3A_370 = arith.constant 4 : i32
        %mul3A_371 = arith.muli %scan3A_369, %mul3A_370 : i32
        %mul3A_372 = arith.constant 16 : i32
        %mul3A_373 = arith.muli %mul3A_371, %mul3A_372 : i32
        %get3A_374 = arith.constant 3 : i32
        %get3A_375 = arith.index_cast %get3A_374 : i32 to index
        %get3A_376 = arith.index_cast %mul3A_373 : i32 to index
        %get3A_377 = tpu.vector_load %arg10[%get3A_375, %get3A_376] {strides = array<i32>} : memref<4x8192xf32, #tpu.memory_space<vmem>>, vector<16xf32>,
        %exp3A_378 = math.exp %get3A_377 : vector<16xf32>
        %add3A_379 = arith.addf %add3A_343, %exp3A_378 : vector<16xf32>
        %add3A_380 = arith.constant 16 : i32
        %add3A_381 = arith.addi %mul3A_373, %add3A_380 : i32
        %get3A_382 = arith.constant 3 : i32
        %get3A_383 = arith.index_cast %get3A_382 : i32 to index
        %get3A_384 = arith.index_cast %add3A_381 : i32 to index
        %get3A_385 = tpu.vector_load %arg10[%get3A_383, %get3A_384] {strides = array<i32>} : memref<4x8192xf32, #tpu.memory_space<vmem>>, vector<16xf32>,
        %exp3A_386 = math.exp %get3A_385 : vector<16xf32>
        %add3A_387 = arith.addf %add3A_351, %exp3A_386 : vector<16xf32>
        %add3A_388 = arith.constant 32 : i32
        %add3A_389 = arith.addi %mul3A_373, %add3A_388 : i32
        %get3A_390 = arith.constant 3 : i32
        %get3A_391 = arith.index_cast %get3A_390 : i32 to index
        %get3A_392 = arith.index_cast %add3A_389 : i32 to index
        %get3A_393 = tpu.vector_load %arg10[%get3A_391, %get3A_392] {strides = array<i32>} : memref<4x8192xf32, #tpu.memory_space<vmem>>, vector<16xf32>,
        %exp3A_394 = math.exp %get3A_393 : vector<16xf32>
        %add3A_395 = arith.addf %add3A_359, %exp3A_394 : vector<16xf32>
        %add3A_396 = arith.constant 48 : i32
        %add3A_397 = arith.addi %mul3A_373, %add3A_396 : i32
        %get3A_398 = arith.constant 3 : i32
        %get3A_399 = arith.index_cast %get3A_398 : i32 to index
        %get3A_400 = arith.index_cast %add3A_397 : i32 to index
        %get3A_401 = tpu.vector_load %arg10[%get3A_399, %get3A_400] {strides = array<i32>} : memref<4x8192xf32, #tpu.memory_space<vmem>>, vector<16xf32>,
        %exp3A_402 = math.exp %get3A_401 : vector<16xf32>
        %add3A_403 = arith.addf %add3A_367, %exp3A_402 : vector<16xf32>
        %scan3A_404 = arith.constant 2 : i32
        %scan3A_405 = arith.addi %scan3A_330, %scan3A_404 : i32
        %mul3A_406 = arith.constant 4 : i32
        %mul3A_407 = arith.muli %scan3A_405, %mul3A_406 : i32
        %mul3A_408 = arith.constant 16 : i32
        %mul3A_409 = arith.muli %mul3A_407, %mul3A_408 : i32
        %get3A_410 = arith.constant 3 : i32
        %get3A_411 = arith.index_cast %get3A_410 : i32 to index
        %get3A_412 = arith.index_cast %mul3A_409 : i32 to index
        %get3A_413 = tpu.vector_load %arg10[%get3A_411, %get3A_412] {strides = array<i32>} : memref<4x8192xf32, #tpu.memory_space<vmem>>, vector<16xf32>,
        %exp3A_414 = math.exp %get3A_413 : vector<16xf32>
        %add3A_415 = arith.addf %add3A_379, %exp3A_414 : vector<16xf32>
        %add3A_416 = arith.constant 16 : i32
        %add3A_417 = arith.addi %mul3A_409, %add3A_416 : i32
        %get3A_418 = arith.constant 3 : i32
        %get3A_419 = arith.index_cast %get3A_418 : i32 to index
        %get3A_420 = arith.index_cast %add3A_417 : i32 to index
        %get3A_421 = tpu.vector_load %arg10[%get3A_419, %get3A_420] {strides = array<i32>} : memref<4x8192xf32, #tpu.memory_space<vmem>>, vector<16xf32>,
        %exp3A_422 = math.exp %get3A_421 : vector<16xf32>
        %add3A_423 = arith.addf %add3A_387, %exp3A_422 : vector<16xf32>
        %add3A_424 = arith.constant 32 : i32
        %add3A_425 = arith.addi %mul3A_409, %add3A_424 : i32
        %get3A_426 = arith.constant 3 : i32
        %get3A_427 = arith.index_cast %get3A_426 : i32 to index
        %get3A_428 = arith.index_cast %add3A_425 : i32 to index
        %get3A_429 = tpu.vector_load %arg10[%get3A_427, %get3A_428] {strides = array<i32>} : memref<4x8192xf32, #tpu.memory_space<vmem>>, vector<16xf32>,
        %exp3A_430 = math.exp %get3A_429 : vector<16xf32>
        %add3A_431 = arith.addf %add3A_395, %exp3A_430 : vector<16xf32>
        %add3A_432 = arith.constant 48 : i32
        %add3A_433 = arith.addi %mul3A_409, %add3A_432 : i32
        %get3A_434 = arith.constant 3 : i32
        %get3A_435 = arith.index_cast %get3A_434 : i32 to index
        %get3A_436 = arith.index_cast %add3A_433 : i32 to index
        %get3A_437 = tpu.vector_load %arg10[%get3A_435, %get3A_436] {strides = array<i32>} : memref<4x8192xf32, #tpu.memory_space<vmem>>, vector<16xf32>,
        %exp3A_438 = math.exp %get3A_437 : vector<16xf32>
        %add3A_439 = arith.addf %add3A_403, %exp3A_438 : vector<16xf32>
        %scan3A_440 = arith.constant 3 : i32
        %scan3A_441 = arith.addi %scan3A_330, %scan3A_440 : i32
        %mul3A_442 = arith.constant 4 : i32
        %mul3A_443 = arith.muli %scan3A_441, %mul3A_442 : i32
        %mul3A_444 = arith.constant 16 : i32
        %mul3A_445 = arith.muli %mul3A_443, %mul3A_444 : i32
        %get3A_446 = arith.constant 3 : i32
        %get3A_447 = arith.index_cast %get3A_446 : i32 to index
        %get3A_448 = arith.index_cast %mul3A_445 : i32 to index
        %get3A_449 = tpu.vector_load %arg10[%get3A_447, %get3A_448] {strides = array<i32>} : memref<4x8192xf32, #tpu.memory_space<vmem>>, vector<16xf32>,
        %exp3A_450 = math.exp %get3A_449 : vector<16xf32>
        %add3A_451 = arith.addf %add3A_415, %exp3A_450 : vector<16xf32>
        %add3A_452 = arith.constant 16 : i32
        %add3A_453 = arith.addi %mul3A_445, %add3A_452 : i32
        %get3A_454 = arith.constant 3 : i32
        %get3A_455 = arith.index_cast %get3A_454 : i32 to index
        %get3A_456 = arith.index_cast %add3A_453 : i32 to index
        %get3A_457 = tpu.vector_load %arg10[%get3A_455, %get3A_456] {strides = array<i32>} : memref<4x8192xf32, #tpu.memory_space<vmem>>, vector<16xf32>,
        %exp3A_458 = math.exp %get3A_457 : vector<16xf32>
        %add3A_459 = arith.addf %add3A_423, %exp3A_458 : vector<16xf32>
        %add3A_460 = arith.constant 32 : i32
        %add3A_461 = arith.addi %mul3A_445, %add3A_460 : i32
        %get3A_462 = arith.constant 3 : i32
        %get3A_463 = arith.index_cast %get3A_462 : i32 to index
        %get3A_464 = arith.index_cast %add3A_461 : i32 to index
        %get3A_465 = tpu.vector_load %arg10[%get3A_463, %get3A_464] {strides = array<i32>} : memref<4x8192xf32, #tpu.memory_space<vmem>>, vector<16xf32>,
        %exp3A_466 = math.exp %get3A_465 : vector<16xf32>
        %add3A_467 = arith.addf %add3A_431, %exp3A_466 : vector<16xf32>
        %add3A_468 = arith.constant 48 : i32
        %add3A_469 = arith.addi %mul3A_445, %add3A_468 : i32
        %get3A_470 = arith.constant 3 : i32
        %get3A_471 = arith.index_cast %get3A_470 : i32 to index
        %get3A_472 = arith.index_cast %add3A_469 : i32 to index
        %get3A_473 = tpu.vector_load %arg10[%get3A_471, %get3A_472] {strides = array<i32>} : memref<4x8192xf32, #tpu.memory_space<vmem>>, vector<16xf32>,
        %exp3A_474 = math.exp %get3A_473 : vector<16xf32>
        %add3A_475 = arith.addf %add3A_439, %exp3A_474 : vector<16xf32>
        scf.yield %add3A_451, %add3A_459, %add3A_467, %add3A_475 : vector<16xf32>, vector<16xf32>, vector<16xf32>, vector<16xf32>
      }
      %scan3A_97 = arith.constant 128 : i32
      %add3A_98 = arith.addf %scan3A_96#0, %scan3A_96#1 : vector<16xf32>
      %add3A_99 = arith.addf %scan3A_96#2, %scan3A_96#3 : vector<16xf32>
      %add3A_100 = arith.addf %add3A_98, %add3A_99 : vector<16xf32>
      %mul3A_101 = arith.constant 4 : i32
      %mul3A_102 = arith.muli %add3A_32, %mul3A_101 : i32
      %add3A_103 = arith.constant 3 : i32
      %add3A_104 = arith.addi %mul3A_102, %add3A_103 : i32
      %swap3A_105 = arith.index_cast %add3A_104 : i32 to index
      %swap3A_106 = arith.constant 0 : index
      %swap3A_107 = tpu.vector_load %arg12[%swap3A_105, %swap3A_106] {strides = array<i32>} : memref<256x16xf32, #tpu.memory_space<vmem>>, vector<16xf32>,
      tpu.vector_store %arg12[%swap3A_105, %swap3A_106], %add3A_100 {strides = array<i32>} : memref<256x16xf32, #tpu.memory_space<vmem>>, vector<16xf32>,
      %jit3A = arith.constant 2 : i32
      %div3A = arith.divsi %add3A_32, %jit3A : i32
      %sign3A = arith.constant 0 : i32
      %sign3A_108 = arith.cmpi sgt, %add3A_32, %sign3A : i32
      %sign3A_109 = arith.extui %sign3A_108 : i1 to i32
      %sign3A_110 = arith.constant 0 : i32
      %sign3A_111 = arith.cmpi slt, %add3A_32, %sign3A_110 : i32
      %sign3A_112 = arith.extui %sign3A_111 : i1 to i32
      %sign3A_113 = arith.subi %sign3A_109, %sign3A_112 : i32
      %sign3A_114 = arith.constant 0 : i32
      %sign3A_115 = arith.cmpi sgt, %jit3A, %sign3A_114 : i32
      %sign3A_116 = arith.extui %sign3A_115 : i1 to i32
      %sign3A_117 = arith.constant 0 : i32
      %sign3A_118 = arith.cmpi slt, %jit3A, %sign3A_117 : i32
      %sign3A_119 = arith.extui %sign3A_118 : i1 to i32
      %sign3A_120 = arith.subi %sign3A_116, %sign3A_119 : i32
      %ne3A = arith.cmpi ne, %sign3A_113, %sign3A_120 : i32
      %rem3A = arith.remsi %add3A_32, %jit3A : i32
      %ne3A_121 = arith.constant 0 : i32
      %ne3A_122 = arith.cmpi ne, %rem3A, %ne3A_121 : i32
      %and3A_123 = arith.andi %ne3A, %ne3A_122 : i1
      %sub3A = arith.constant 1 : i32
      %sub3A_124 = arith.subi %div3A, %sub3A : i32
      %select_n3A = arith.select %and3A_123, %sub3A_124, %div3A : i32
      %mul3A_125 = arith.constant 8 : i32
      %mul3A_126 = arith.muli %mul3A_125, %select_n3A : i32
      %get3A = arith.index_cast %mul3A_126 : i32 to index
      %get3A_127 = tpu.vector_load %arg9[%get3A] {strides = array<i32>} : memref<264xi32, #tpu.memory_space<vmem>>, vector<16xi32>,
      %and3A_128 = arith.constant 8191 : i32
      %and3A_129 = vector.broadcast %and3A_128 : i32 to vector<16xi32>
      %and3A_130 = arith.andi %get3A_127, %and3A_129 : vector<16xi32>
      %jit3A_131 = arith.constant 2 : i32
      %eq3A = arith.constant 0 : i32
      %eq3A_132 = arith.cmpi eq, %jit3A_131, %eq3A : i32
      %jit3A_133 = arith.constant 1 : i32
      %select_n3A_134 = arith.select %eq3A_132, %jit3A_133, %jit3A_131 : i32
      %rem3A_135 = arith.remsi %add3A_32, %select_n3A_134 : i32
      %ne3A_136 = arith.constant 0 : i32
      %ne3A_137 = arith.cmpi ne, %rem3A_135, %ne3A_136 : i32
      %lt3A = arith.constant 0 : i32
      %lt3A_138 = arith.cmpi slt, %rem3A_135, %lt3A : i32
      %lt3A_139 = arith.constant 0 : i32
      %lt3A_140 = arith.cmpi slt, %select_n3A_134, %lt3A_139 : i32
      %ne3A_141 = arith.xori %lt3A_138, %lt3A_140 : i1
      %and3A_142 = arith.andi %ne3A_141, %ne3A_137 : i1
      %add3A_143 = arith.addi %rem3A_135, %select_n3A_134 : i32
      %select_n3A_144 = arith.select %and3A_142, %add3A_143, %rem3A_135 : i32
      %mul3A_145 = arith.constant 4 : i32
      %mul3A_146 = arith.muli %select_n3A_144, %mul3A_145 : i32
      %ge3A = vector.broadcast %mul3A_146 : i32 to vector<16xi32>
      %ge3A_147 = arith.cmpi sge, %iota3A, %ge3A : vector<16xi32>
      %add3A_148 = arith.constant 4 : i32
      %add3A_149 = arith.addi %mul3A_146, %add3A_148 : i32
      %lt3A_150 = vector.broadcast %add3A_149 : i32 to vector<16xi32>
      %lt3A_151 = arith.cmpi slt, %iota3A, %lt3A_150 : vector<16xi32>
      %and3A_152 = arith.andi %ge3A_147, %lt3A_151 : vector<16xi1>
      %gather3A = tpu.vector_load_idx %arg10[%and3A_4, %and3A_130] masked %and3A_152 : memref<4x8192xf32, #tpu.memory_space<vmem>>[vector<16xi32>, vector<16xi32>], vector<16xf32>, vector<16xi1>
      %jit3A_153 = arith.constant 0.000000e+00 : f32
      %broadcast_in_dim3A_154 = vector.broadcast %jit3A_153 : f32 to vector<16xf32>
      %select_n3A_155 = arith.select %and3A_152, %gather3A, %broadcast_in_dim3A_154 : vector<16xi1>, vector<16xf32>
      %swap3A_156 = arith.index_cast %add3A_32 : i32 to index
      %swap3A_157 = arith.constant 0 : index
      %swap3A_158 = tpu.vector_load %arg13[%swap3A_156, %swap3A_157] {strides = array<i32>} : memref<64x16xf32, #tpu.memory_space<vmem>>, vector<16xf32>,
      tpu.vector_store %arg13[%swap3A_156, %swap3A_157], %select_n3A_155 {strides = array<i32>} : memref<64x16xf32, #tpu.memory_space<vmem>>, vector<16xf32>,
      %mul3A_159 = arith.constant 4 : i32
      %mul3A_160 = arith.muli %add3A_32, %mul3A_159 : i32
      %add3A_161 = arith.addi %mul3A_2, %mul3A_160 : i32
      %dma_wait3A_162 = arith.constant 0 : i32
      %dma_wait3A_163 = tpu.memref_slice %arg5[%add3A_161, %dma_wait3A_162] : memref<8192x8192xf32, #tpu.memory_space<hbm>> -> memref<4x8192xf32, #tpu.memory_space<hbm>>
      %dma_wait3A_164 = arith.constant 0 : i32
      %dma_wait3A_165 = tpu.memref_slice %arg5[%add3A_161, %dma_wait3A_164] : memref<8192x8192xf32, #tpu.memory_space<hbm>> -> memref<4x8192xf32, #tpu.memory_space<hbm>>
      tpu.wait_dma2 semaphore(%arg16 : memref<!tpu.dma_semaphore, #tpu.memory_space<semaphore_mem>>) src(%arg10 : memref<4x8192xf32, #tpu.memory_space<vmem>>) dst(%dma_wait3A_165 : memref<4x8192xf32, #tpu.memory_space<hbm>>)
      %add3A_166 = arith.constant 2 : i32
      %add3A_167 = arith.addi %add3A_32, %add3A_166 : i32
      %lt3A_168 = arith.constant 64 : i32
      %lt3A_169 = arith.cmpi slt, %add3A_167, %lt3A_168 : i32
      %convert_element_type3A = arith.extui %lt3A_169 : i1 to i32
      %cond3A = arith.constant 0 : i32
      %cond3A_170 = arith.cmpi ne, %convert_element_type3A, %cond3A : i32
      scf.if %cond3A_170 {
        %add3A_330 = arith.constant 2 : i32
        %add3A_331 = arith.addi %add3A_32, %add3A_330 : i32
        %dma_start3A_332 = arith.constant 0 : i32
        %dma_start3A_333 = tpu.memref_slice %arg8[%add3A_331, %dma_start3A_332] : memref<64x4xi32, #tpu.memory_space<vmem>> -> memref<1x4xi32, #tpu.memory_space<vmem>>
        %dma_start3A_334 = tpu.memref_squeeze %dma_start3A_333 : memref<1x4xi32, #tpu.memory_space<vmem>> -> memref<4xi32, #tpu.memory_space<vmem>>
        %dma_start3A_335 = arith.constant 0 : i32
        %dma_start3A_336 = arith.constant 0 : i32
        %dma_start3A_337 = tpu.memref_slice %arg4[%dma_start3A_335, %dma_start3A_336] : memref<8192x8192xf32, #tpu.memory_space<hbm>> -> memref<8192x8192xf32, #tpu.memory_space<hbm>>
        tpu.enqueue_indirect_dma source(%dma_start3A_337 : memref<8192x8192xf32, #tpu.memory_space<hbm>>) target(%arg10 : memref<4x8192xf32, #tpu.memory_space<vmem>>) offsets(%dma_start3A_334 : memref<4xi32, #tpu.memory_space<vmem>>) semaphore(%arg14 : memref<!tpu.dma_semaphore, #tpu.memory_space<semaphore_mem>>)
      } else {
      }
      %mul3A_171 = arith.constant 2 : i32
      %mul3A_172 = arith.muli %scan3A_27, %mul3A_171 : i32
      %add3A_173 = arith.constant 1 : i32
      %add3A_174 = arith.addi %mul3A_172, %add3A_173 : i32
      %dma_wait3A_175 = arith.constant 0 : i32
      %dma_wait3A_176 = tpu.memref_slice %arg8[%add3A_174, %dma_wait3A_175] : memref<64x4xi32, #tpu.memory_space<vmem>> -> memref<1x4xi32, #tpu.memory_space<vmem>>
      %dma_wait3A_177 = tpu.memref_squeeze %dma_wait3A_176 : memref<1x4xi32, #tpu.memory_space<vmem>> -> memref<4xi32, #tpu.memory_space<vmem>>
      %dma_wait3A_178 = arith.constant 0 : i32
      %dma_wait3A_179 = arith.constant 0 : i32
      %dma_wait3A_180 = tpu.memref_slice %arg4[%dma_wait3A_178, %dma_wait3A_179] : memref<8192x8192xf32, #tpu.memory_space<hbm>> -> memref<8192x8192xf32, #tpu.memory_space<hbm>>
      tpu.wait_indirect_dma semaphore(%arg15 : memref<!tpu.dma_semaphore, #tpu.memory_space<semaphore_mem>>) src(%dma_wait3A_180 : memref<8192x8192xf32, #tpu.memory_space<hbm>>) dst(%arg11 : memref<4x8192xf32, #tpu.memory_space<vmem>>)
      %mul3A_181 = arith.constant 4 : i32
      %mul3A_182 = arith.muli %add3A_174, %mul3A_181 : i32
      %add3A_183 = arith.addi %mul3A_2, %mul3A_182 : i32
      %dma_start3A_184 = arith.constant 0 : i32
      %dma_start3A_185 = tpu.memref_slice %arg5[%add3A_183, %dma_start3A_184] : memref<8192x8192xf32, #tpu.memory_space<hbm>> -> memref<4x8192xf32, #tpu.memory_space<hbm>>
      %dma_start3A_186 = arith.constant 0 : i32
      %dma_start3A_187 = tpu.memref_slice %arg5[%add3A_183, %dma_start3A_186] : memref<8192x8192xf32, #tpu.memory_space<hbm>> -> memref<4x8192xf32, #tpu.memory_space<hbm>>
      tpu.enqueue_dma source(%arg11 : memref<4x8192xf32, #tpu.memory_space<vmem>>) target(%dma_start3A_187 : memref<4x8192xf32, #tpu.memory_space<hbm>>) target_semaphore(%arg17 : memref<!tpu.dma_semaphore, #tpu.memory_space<semaphore_mem>>)
      %scan3A_188 = arith.constant 0 : i32
      %scan3A_189 = arith.constant 128 : i32
      %scan3A_190 = arith.addi %scan3A_188, %scan3A_189 : i32
      %scan3A_191 = arith.constant 4 : i32
      %scan3A_192:4 = scf.for %scan3A_330 = %scan3A_188 to %scan3A_190 step %scan3A_191 iter_args(%scan3A_331 = %broadcast_in_dim3A_18, %scan3A_332 = %broadcast_in_dim3A_18, %scan3A_333 = %broadcast_in_dim3A_18, %scan3A_334 = %broadcast_in_dim3A_18) -> (vector<16xf32>, vector<16xf32>, vector<16xf32>, vector<16xf32>)  : i32 {
        %mul3A_335 = arith.constant 4 : i32
        %mul3A_336 = arith.muli %scan3A_330, %mul3A_335 : i32
        %mul3A_337 = arith.constant 16 : i32
        %mul3A_338 = arith.muli %mul3A_336, %mul3A_337 : i32
        %get3A_339 = arith.constant 0 : i32
        %get3A_340 = arith.index_cast %get3A_339 : i32 to index
        %get3A_341 = arith.index_cast %mul3A_338 : i32 to index
        %get3A_342 = tpu.vector_load %arg11[%get3A_340, %get3A_341] {strides = array<i32>} : memref<4x8192xf32, #tpu.memory_space<vmem>>, vector<16xf32>,
        %exp3A = math.exp %get3A_342 : vector<16xf32>
        %add3A_343 = arith.addf %scan3A_331, %exp3A : vector<16xf32>
        %add3A_344 = arith.constant 16 : i32
        %add3A_345 = arith.addi %mul3A_338, %add3A_344 : i32
        %get3A_346 = arith.constant 0 : i32
        %get3A_347 = arith.index_cast %get3A_346 : i32 to index
        %get3A_348 = arith.index_cast %add3A_345 : i32 to index
        %get3A_349 = tpu.vector_load %arg11[%get3A_347, %get3A_348] {strides = array<i32>} : memref<4x8192xf32, #tpu.memory_space<vmem>>, vector<16xf32>,
        %exp3A_350 = math.exp %get3A_349 : vector<16xf32>
        %add3A_351 = arith.addf %scan3A_332, %exp3A_350 : vector<16xf32>
        %add3A_352 = arith.constant 32 : i32
        %add3A_353 = arith.addi %mul3A_338, %add3A_352 : i32
        %get3A_354 = arith.constant 0 : i32
        %get3A_355 = arith.index_cast %get3A_354 : i32 to index
        %get3A_356 = arith.index_cast %add3A_353 : i32 to index
        %get3A_357 = tpu.vector_load %arg11[%get3A_355, %get3A_356] {strides = array<i32>} : memref<4x8192xf32, #tpu.memory_space<vmem>>, vector<16xf32>,
        %exp3A_358 = math.exp %get3A_357 : vector<16xf32>
        %add3A_359 = arith.addf %scan3A_333, %exp3A_358 : vector<16xf32>
        %add3A_360 = arith.constant 48 : i32
        %add3A_361 = arith.addi %mul3A_338, %add3A_360 : i32
        %get3A_362 = arith.constant 0 : i32
        %get3A_363 = arith.index_cast %get3A_362 : i32 to index
        %get3A_364 = arith.index_cast %add3A_361 : i32 to index
        %get3A_365 = tpu.vector_load %arg11[%get3A_363, %get3A_364] {strides = array<i32>} : memref<4x8192xf32, #tpu.memory_space<vmem>>, vector<16xf32>,
        %exp3A_366 = math.exp %get3A_365 : vector<16xf32>
        %add3A_367 = arith.addf %scan3A_334, %exp3A_366 : vector<16xf32>
        %scan3A_368 = arith.constant 1 : i32
        %scan3A_369 = arith.addi %scan3A_330, %scan3A_368 : i32
        %mul3A_370 = arith.constant 4 : i32
        %mul3A_371 = arith.muli %scan3A_369, %mul3A_370 : i32
        %mul3A_372 = arith.constant 16 : i32
        %mul3A_373 = arith.muli %mul3A_371, %mul3A_372 : i32
        %get3A_374 = arith.constant 0 : i32
        %get3A_375 = arith.index_cast %get3A_374 : i32 to index
        %get3A_376 = arith.index_cast %mul3A_373 : i32 to index
        %get3A_377 = tpu.vector_load %arg11[%get3A_375, %get3A_376] {strides = array<i32>} : memref<4x8192xf32, #tpu.memory_space<vmem>>, vector<16xf32>,
        %exp3A_378 = math.exp %get3A_377 : vector<16xf32>
        %add3A_379 = arith.addf %add3A_343, %exp3A_378 : vector<16xf32>
        %add3A_380 = arith.constant 16 : i32
        %add3A_381 = arith.addi %mul3A_373, %add3A_380 : i32
        %get3A_382 = arith.constant 0 : i32
        %get3A_383 = arith.index_cast %get3A_382 : i32 to index
        %get3A_384 = arith.index_cast %add3A_381 : i32 to index
        %get3A_385 = tpu.vector_load %arg11[%get3A_383, %get3A_384] {strides = array<i32>} : memref<4x8192xf32, #tpu.memory_space<vmem>>, vector<16xf32>,
        %exp3A_386 = math.exp %get3A_385 : vector<16xf32>
        %add3A_387 = arith.addf %add3A_351, %exp3A_386 : vector<16xf32>
        %add3A_388 = arith.constant 32 : i32
        %add3A_389 = arith.addi %mul3A_373, %add3A_388 : i32
        %get3A_390 = arith.constant 0 : i32
        %get3A_391 = arith.index_cast %get3A_390 : i32 to index
        %get3A_392 = arith.index_cast %add3A_389 : i32 to index
        %get3A_393 = tpu.vector_load %arg11[%get3A_391, %get3A_392] {strides = array<i32>} : memref<4x8192xf32, #tpu.memory_space<vmem>>, vector<16xf32>,
        %exp3A_394 = math.exp %get3A_393 : vector<16xf32>
        %add3A_395 = arith.addf %add3A_359, %exp3A_394 : vector<16xf32>
        %add3A_396 = arith.constant 48 : i32
        %add3A_397 = arith.addi %mul3A_373, %add3A_396 : i32
        %get3A_398 = arith.constant 0 : i32
        %get3A_399 = arith.index_cast %get3A_398 : i32 to index
        %get3A_400 = arith.index_cast %add3A_397 : i32 to index
        %get3A_401 = tpu.vector_load %arg11[%get3A_399, %get3A_400] {strides = array<i32>} : memref<4x8192xf32, #tpu.memory_space<vmem>>, vector<16xf32>,
        %exp3A_402 = math.exp %get3A_401 : vector<16xf32>
        %add3A_403 = arith.addf %add3A_367, %exp3A_402 : vector<16xf32>
        %scan3A_404 = arith.constant 2 : i32
        %scan3A_405 = arith.addi %scan3A_330, %scan3A_404 : i32
        %mul3A_406 = arith.constant 4 : i32
        %mul3A_407 = arith.muli %scan3A_405, %mul3A_406 : i32
        %mul3A_408 = arith.constant 16 : i32
        %mul3A_409 = arith.muli %mul3A_407, %mul3A_408 : i32
        %get3A_410 = arith.constant 0 : i32
        %get3A_411 = arith.index_cast %get3A_410 : i32 to index
        %get3A_412 = arith.index_cast %mul3A_409 : i32 to index
        %get3A_413 = tpu.vector_load %arg11[%get3A_411, %get3A_412] {strides = array<i32>} : memref<4x8192xf32, #tpu.memory_space<vmem>>, vector<16xf32>,
        %exp3A_414 = math.exp %get3A_413 : vector<16xf32>
        %add3A_415 = arith.addf %add3A_379, %exp3A_414 : vector<16xf32>
        %add3A_416 = arith.constant 16 : i32
        %add3A_417 = arith.addi %mul3A_409, %add3A_416 : i32
        %get3A_418 = arith.constant 0 : i32
        %get3A_419 = arith.index_cast %get3A_418 : i32 to index
        %get3A_420 = arith.index_cast %add3A_417 : i32 to index
        %get3A_421 = tpu.vector_load %arg11[%get3A_419, %get3A_420] {strides = array<i32>} : memref<4x8192xf32, #tpu.memory_space<vmem>>, vector<16xf32>,
        %exp3A_422 = math.exp %get3A_421 : vector<16xf32>
        %add3A_423 = arith.addf %add3A_387, %exp3A_422 : vector<16xf32>
        %add3A_424 = arith.constant 32 : i32
        %add3A_425 = arith.addi %mul3A_409, %add3A_424 : i32
        %get3A_426 = arith.constant 0 : i32
        %get3A_427 = arith.index_cast %get3A_426 : i32 to index
        %get3A_428 = arith.index_cast %add3A_425 : i32 to index
        %get3A_429 = tpu.vector_load %arg11[%get3A_427, %get3A_428] {strides = array<i32>} : memref<4x8192xf32, #tpu.memory_space<vmem>>, vector<16xf32>,
        %exp3A_430 = math.exp %get3A_429 : vector<16xf32>
        %add3A_431 = arith.addf %add3A_395, %exp3A_430 : vector<16xf32>
        %add3A_432 = arith.constant 48 : i32
        %add3A_433 = arith.addi %mul3A_409, %add3A_432 : i32
        %get3A_434 = arith.constant 0 : i32
        %get3A_435 = arith.index_cast %get3A_434 : i32 to index
        %get3A_436 = arith.index_cast %add3A_433 : i32 to index
        %get3A_437 = tpu.vector_load %arg11[%get3A_435, %get3A_436] {strides = array<i32>} : memref<4x8192xf32, #tpu.memory_space<vmem>>, vector<16xf32>,
        %exp3A_438 = math.exp %get3A_437 : vector<16xf32>
        %add3A_439 = arith.addf %add3A_403, %exp3A_438 : vector<16xf32>
        %scan3A_440 = arith.constant 3 : i32
        %scan3A_441 = arith.addi %scan3A_330, %scan3A_440 : i32
        %mul3A_442 = arith.constant 4 : i32
        %mul3A_443 = arith.muli %scan3A_441, %mul3A_442 : i32
        %mul3A_444 = arith.constant 16 : i32
        %mul3A_445 = arith.muli %mul3A_443, %mul3A_444 : i32
        %get3A_446 = arith.constant 0 : i32
        %get3A_447 = arith.index_cast %get3A_446 : i32 to index
        %get3A_448 = arith.index_cast %mul3A_445 : i32 to index
        %get3A_449 = tpu.vector_load %arg11[%get3A_447, %get3A_448] {strides = array<i32>} : memref<4x8192xf32, #tpu.memory_space<vmem>>, vector<16xf32>,
        %exp3A_450 = math.exp %get3A_449 : vector<16xf32>
        %add3A_451 = arith.addf %add3A_415, %exp3A_450 : vector<16xf32>
        %add3A_452 = arith.constant 16 : i32
        %add3A_453 = arith.addi %mul3A_445, %add3A_452 : i32
        %get3A_454 = arith.constant 0 : i32
        %get3A_455 = arith.index_cast %get3A_454 : i32 to index
        %get3A_456 = arith.index_cast %add3A_453 : i32 to index
        %get3A_457 = tpu.vector_load %arg11[%get3A_455, %get3A_456] {strides = array<i32>} : memref<4x8192xf32, #tpu.memory_space<vmem>>, vector<16xf32>,
        %exp3A_458 = math.exp %get3A_457 : vector<16xf32>
        %add3A_459 = arith.addf %add3A_423, %exp3A_458 : vector<16xf32>
        %add3A_460 = arith.constant 32 : i32
        %add3A_461 = arith.addi %mul3A_445, %add3A_460 : i32
        %get3A_462 = arith.constant 0 : i32
        %get3A_463 = arith.index_cast %get3A_462 : i32 to index
        %get3A_464 = arith.index_cast %add3A_461 : i32 to index
        %get3A_465 = tpu.vector_load %arg11[%get3A_463, %get3A_464] {strides = array<i32>} : memref<4x8192xf32, #tpu.memory_space<vmem>>, vector<16xf32>,
        %exp3A_466 = math.exp %get3A_465 : vector<16xf32>
        %add3A_467 = arith.addf %add3A_431, %exp3A_466 : vector<16xf32>
        %add3A_468 = arith.constant 48 : i32
        %add3A_469 = arith.addi %mul3A_445, %add3A_468 : i32
        %get3A_470 = arith.constant 0 : i32
        %get3A_471 = arith.index_cast %get3A_470 : i32 to index
        %get3A_472 = arith.index_cast %add3A_469 : i32 to index
        %get3A_473 = tpu.vector_load %arg11[%get3A_471, %get3A_472] {strides = array<i32>} : memref<4x8192xf32, #tpu.memory_space<vmem>>, vector<16xf32>,
        %exp3A_474 = math.exp %get3A_473 : vector<16xf32>
        %add3A_475 = arith.addf %add3A_439, %exp3A_474 : vector<16xf32>
        scf.yield %add3A_451, %add3A_459, %add3A_467, %add3A_475 : vector<16xf32>, vector<16xf32>, vector<16xf32>, vector<16xf32>
      }
      %scan3A_193 = arith.constant 128 : i32
      %add3A_194 = arith.addf %scan3A_192#0, %scan3A_192#1 : vector<16xf32>
      %add3A_195 = arith.addf %scan3A_192#2, %scan3A_192#3 : vector<16xf32>
      %add3A_196 = arith.addf %add3A_194, %add3A_195 : vector<16xf32>
      %mul3A_197 = arith.constant 4 : i32
      %mul3A_198 = arith.muli %add3A_174, %mul3A_197 : i32
      %add3A_199 = arith.constant 0 : i32
      %add3A_200 = arith.addi %mul3A_198, %add3A_199 : i32
      %swap3A_201 = arith.index_cast %add3A_200 : i32 to index
      %swap3A_202 = arith.constant 0 : index
      %swap3A_203 = tpu.vector_load %arg12[%swap3A_201, %swap3A_202] {strides = array<i32>} : memref<256x16xf32, #tpu.memory_space<vmem>>, vector<16xf32>,
      tpu.vector_store %arg12[%swap3A_201, %swap3A_202], %add3A_196 {strides = array<i32>} : memref<256x16xf32, #tpu.memory_space<vmem>>, vector<16xf32>,
      %scan3A_204 = arith.constant 0 : i32
      %scan3A_205 = arith.constant 128 : i32
      %scan3A_206 = arith.addi %scan3A_204, %scan3A_205 : i32
      %scan3A_207 = arith.constant 4 : i32
      %scan3A_208:4 = scf.for %scan3A_330 = %scan3A_204 to %scan3A_206 step %scan3A_207 iter_args(%scan3A_331 = %broadcast_in_dim3A_18, %scan3A_332 = %broadcast_in_dim3A_18, %scan3A_333 = %broadcast_in_dim3A_18, %scan3A_334 = %broadcast_in_dim3A_18) -> (vector<16xf32>, vector<16xf32>, vector<16xf32>, vector<16xf32>)  : i32 {
        %mul3A_335 = arith.constant 4 : i32
        %mul3A_336 = arith.muli %scan3A_330, %mul3A_335 : i32
        %mul3A_337 = arith.constant 16 : i32
        %mul3A_338 = arith.muli %mul3A_336, %mul3A_337 : i32
        %get3A_339 = arith.constant 1 : i32
        %get3A_340 = arith.index_cast %get3A_339 : i32 to index
        %get3A_341 = arith.index_cast %mul3A_338 : i32 to index
        %get3A_342 = tpu.vector_load %arg11[%get3A_340, %get3A_341] {strides = array<i32>} : memref<4x8192xf32, #tpu.memory_space<vmem>>, vector<16xf32>,
        %exp3A = math.exp %get3A_342 : vector<16xf32>
        %add3A_343 = arith.addf %scan3A_331, %exp3A : vector<16xf32>
        %add3A_344 = arith.constant 16 : i32
        %add3A_345 = arith.addi %mul3A_338, %add3A_344 : i32
        %get3A_346 = arith.constant 1 : i32
        %get3A_347 = arith.index_cast %get3A_346 : i32 to index
        %get3A_348 = arith.index_cast %add3A_345 : i32 to index
        %get3A_349 = tpu.vector_load %arg11[%get3A_347, %get3A_348] {strides = array<i32>} : memref<4x8192xf32, #tpu.memory_space<vmem>>, vector<16xf32>,
        %exp3A_350 = math.exp %get3A_349 : vector<16xf32>
        %add3A_351 = arith.addf %scan3A_332, %exp3A_350 : vector<16xf32>
        %add3A_352 = arith.constant 32 : i32
        %add3A_353 = arith.addi %mul3A_338, %add3A_352 : i32
        %get3A_354 = arith.constant 1 : i32
        %get3A_355 = arith.index_cast %get3A_354 : i32 to index
        %get3A_356 = arith.index_cast %add3A_353 : i32 to index
        %get3A_357 = tpu.vector_load %arg11[%get3A_355, %get3A_356] {strides = array<i32>} : memref<4x8192xf32, #tpu.memory_space<vmem>>, vector<16xf32>,
        %exp3A_358 = math.exp %get3A_357 : vector<16xf32>
        %add3A_359 = arith.addf %scan3A_333, %exp3A_358 : vector<16xf32>
        %add3A_360 = arith.constant 48 : i32
        %add3A_361 = arith.addi %mul3A_338, %add3A_360 : i32
        %get3A_362 = arith.constant 1 : i32
        %get3A_363 = arith.index_cast %get3A_362 : i32 to index
        %get3A_364 = arith.index_cast %add3A_361 : i32 to index
        %get3A_365 = tpu.vector_load %arg11[%get3A_363, %get3A_364] {strides = array<i32>} : memref<4x8192xf32, #tpu.memory_space<vmem>>, vector<16xf32>,
        %exp3A_366 = math.exp %get3A_365 : vector<16xf32>
        %add3A_367 = arith.addf %scan3A_334, %exp3A_366 : vector<16xf32>
        %scan3A_368 = arith.constant 1 : i32
        %scan3A_369 = arith.addi %scan3A_330, %scan3A_368 : i32
        %mul3A_370 = arith.constant 4 : i32
        %mul3A_371 = arith.muli %scan3A_369, %mul3A_370 : i32
        %mul3A_372 = arith.constant 16 : i32
        %mul3A_373 = arith.muli %mul3A_371, %mul3A_372 : i32
        %get3A_374 = arith.constant 1 : i32
        %get3A_375 = arith.index_cast %get3A_374 : i32 to index
        %get3A_376 = arith.index_cast %mul3A_373 : i32 to index
        %get3A_377 = tpu.vector_load %arg11[%get3A_375, %get3A_376] {strides = array<i32>} : memref<4x8192xf32, #tpu.memory_space<vmem>>, vector<16xf32>,
        %exp3A_378 = math.exp %get3A_377 : vector<16xf32>
        %add3A_379 = arith.addf %add3A_343, %exp3A_378 : vector<16xf32>
        %add3A_380 = arith.constant 16 : i32
        %add3A_381 = arith.addi %mul3A_373, %add3A_380 : i32
        %get3A_382 = arith.constant 1 : i32
        %get3A_383 = arith.index_cast %get3A_382 : i32 to index
        %get3A_384 = arith.index_cast %add3A_381 : i32 to index
        %get3A_385 = tpu.vector_load %arg11[%get3A_383, %get3A_384] {strides = array<i32>} : memref<4x8192xf32, #tpu.memory_space<vmem>>, vector<16xf32>,
        %exp3A_386 = math.exp %get3A_385 : vector<16xf32>
        %add3A_387 = arith.addf %add3A_351, %exp3A_386 : vector<16xf32>
        %add3A_388 = arith.constant 32 : i32
        %add3A_389 = arith.addi %mul3A_373, %add3A_388 : i32
        %get3A_390 = arith.constant 1 : i32
        %get3A_391 = arith.index_cast %get3A_390 : i32 to index
        %get3A_392 = arith.index_cast %add3A_389 : i32 to index
        %get3A_393 = tpu.vector_load %arg11[%get3A_391, %get3A_392] {strides = array<i32>} : memref<4x8192xf32, #tpu.memory_space<vmem>>, vector<16xf32>,
        %exp3A_394 = math.exp %get3A_393 : vector<16xf32>
        %add3A_395 = arith.addf %add3A_359, %exp3A_394 : vector<16xf32>
        %add3A_396 = arith.constant 48 : i32
        %add3A_397 = arith.addi %mul3A_373, %add3A_396 : i32
        %get3A_398 = arith.constant 1 : i32
        %get3A_399 = arith.index_cast %get3A_398 : i32 to index
        %get3A_400 = arith.index_cast %add3A_397 : i32 to index
        %get3A_401 = tpu.vector_load %arg11[%get3A_399, %get3A_400] {strides = array<i32>} : memref<4x8192xf32, #tpu.memory_space<vmem>>, vector<16xf32>,
        %exp3A_402 = math.exp %get3A_401 : vector<16xf32>
        %add3A_403 = arith.addf %add3A_367, %exp3A_402 : vector<16xf32>
        %scan3A_404 = arith.constant 2 : i32
        %scan3A_405 = arith.addi %scan3A_330, %scan3A_404 : i32
        %mul3A_406 = arith.constant 4 : i32
        %mul3A_407 = arith.muli %scan3A_405, %mul3A_406 : i32
        %mul3A_408 = arith.constant 16 : i32
        %mul3A_409 = arith.muli %mul3A_407, %mul3A_408 : i32
        %get3A_410 = arith.constant 1 : i32
        %get3A_411 = arith.index_cast %get3A_410 : i32 to index
        %get3A_412 = arith.index_cast %mul3A_409 : i32 to index
        %get3A_413 = tpu.vector_load %arg11[%get3A_411, %get3A_412] {strides = array<i32>} : memref<4x8192xf32, #tpu.memory_space<vmem>>, vector<16xf32>,
        %exp3A_414 = math.exp %get3A_413 : vector<16xf32>
        %add3A_415 = arith.addf %add3A_379, %exp3A_414 : vector<16xf32>
        %add3A_416 = arith.constant 16 : i32
        %add3A_417 = arith.addi %mul3A_409, %add3A_416 : i32
        %get3A_418 = arith.constant 1 : i32
        %get3A_419 = arith.index_cast %get3A_418 : i32 to index
        %get3A_420 = arith.index_cast %add3A_417 : i32 to index
        %get3A_421 = tpu.vector_load %arg11[%get3A_419, %get3A_420] {strides = array<i32>} : memref<4x8192xf32, #tpu.memory_space<vmem>>, vector<16xf32>,
        %exp3A_422 = math.exp %get3A_421 : vector<16xf32>
        %add3A_423 = arith.addf %add3A_387, %exp3A_422 : vector<16xf32>
        %add3A_424 = arith.constant 32 : i32
        %add3A_425 = arith.addi %mul3A_409, %add3A_424 : i32
        %get3A_426 = arith.constant 1 : i32
        %get3A_427 = arith.index_cast %get3A_426 : i32 to index
        %get3A_428 = arith.index_cast %add3A_425 : i32 to index
        %get3A_429 = tpu.vector_load %arg11[%get3A_427, %get3A_428] {strides = array<i32>} : memref<4x8192xf32, #tpu.memory_space<vmem>>, vector<16xf32>,
        %exp3A_430 = math.exp %get3A_429 : vector<16xf32>
        %add3A_431 = arith.addf %add3A_395, %exp3A_430 : vector<16xf32>
        %add3A_432 = arith.constant 48 : i32
        %add3A_433 = arith.addi %mul3A_409, %add3A_432 : i32
        %get3A_434 = arith.constant 1 : i32
        %get3A_435 = arith.index_cast %get3A_434 : i32 to index
        %get3A_436 = arith.index_cast %add3A_433 : i32 to index
        %get3A_437 = tpu.vector_load %arg11[%get3A_435, %get3A_436] {strides = array<i32>} : memref<4x8192xf32, #tpu.memory_space<vmem>>, vector<16xf32>,
        %exp3A_438 = math.exp %get3A_437 : vector<16xf32>
        %add3A_439 = arith.addf %add3A_403, %exp3A_438 : vector<16xf32>
        %scan3A_440 = arith.constant 3 : i32
        %scan3A_441 = arith.addi %scan3A_330, %scan3A_440 : i32
        %mul3A_442 = arith.constant 4 : i32
        %mul3A_443 = arith.muli %scan3A_441, %mul3A_442 : i32
        %mul3A_444 = arith.constant 16 : i32
        %mul3A_445 = arith.muli %mul3A_443, %mul3A_444 : i32
        %get3A_446 = arith.constant 1 : i32
        %get3A_447 = arith.index_cast %get3A_446 : i32 to index
        %get3A_448 = arith.index_cast %mul3A_445 : i32 to index
        %get3A_449 = tpu.vector_load %arg11[%get3A_447, %get3A_448] {strides = array<i32>} : memref<4x8192xf32, #tpu.memory_space<vmem>>, vector<16xf32>,
        %exp3A_450 = math.exp %get3A_449 : vector<16xf32>
        %add3A_451 = arith.addf %add3A_415, %exp3A_450 : vector<16xf32>
        %add3A_452 = arith.constant 16 : i32
        %add3A_453 = arith.addi %mul3A_445, %add3A_452 : i32
        %get3A_454 = arith.constant 1 : i32
        %get3A_455 = arith.index_cast %get3A_454 : i32 to index
        %get3A_456 = arith.index_cast %add3A_453 : i32 to index
        %get3A_457 = tpu.vector_load %arg11[%get3A_455, %get3A_456] {strides = array<i32>} : memref<4x8192xf32, #tpu.memory_space<vmem>>, vector<16xf32>,
        %exp3A_458 = math.exp %get3A_457 : vector<16xf32>
        %add3A_459 = arith.addf %add3A_423, %exp3A_458 : vector<16xf32>
        %add3A_460 = arith.constant 32 : i32
        %add3A_461 = arith.addi %mul3A_445, %add3A_460 : i32
        %get3A_462 = arith.constant 1 : i32
        %get3A_463 = arith.index_cast %get3A_462 : i32 to index
        %get3A_464 = arith.index_cast %add3A_461 : i32 to index
        %get3A_465 = tpu.vector_load %arg11[%get3A_463, %get3A_464] {strides = array<i32>} : memref<4x8192xf32, #tpu.memory_space<vmem>>, vector<16xf32>,
        %exp3A_466 = math.exp %get3A_465 : vector<16xf32>
        %add3A_467 = arith.addf %add3A_431, %exp3A_466 : vector<16xf32>
        %add3A_468 = arith.constant 48 : i32
        %add3A_469 = arith.addi %mul3A_445, %add3A_468 : i32
        %get3A_470 = arith.constant 1 : i32
        %get3A_471 = arith.index_cast %get3A_470 : i32 to index
        %get3A_472 = arith.index_cast %add3A_469 : i32 to index
        %get3A_473 = tpu.vector_load %arg11[%get3A_471, %get3A_472] {strides = array<i32>} : memref<4x8192xf32, #tpu.memory_space<vmem>>, vector<16xf32>,
        %exp3A_474 = math.exp %get3A_473 : vector<16xf32>
        %add3A_475 = arith.addf %add3A_439, %exp3A_474 : vector<16xf32>
        scf.yield %add3A_451, %add3A_459, %add3A_467, %add3A_475 : vector<16xf32>, vector<16xf32>, vector<16xf32>, vector<16xf32>
      }
      %scan3A_209 = arith.constant 128 : i32
      %add3A_210 = arith.addf %scan3A_208#0, %scan3A_208#1 : vector<16xf32>
      %add3A_211 = arith.addf %scan3A_208#2, %scan3A_208#3 : vector<16xf32>
      %add3A_212 = arith.addf %add3A_210, %add3A_211 : vector<16xf32>
      %mul3A_213 = arith.constant 4 : i32
      %mul3A_214 = arith.muli %add3A_174, %mul3A_213 : i32
      %add3A_215 = arith.constant 1 : i32
      %add3A_216 = arith.addi %mul3A_214, %add3A_215 : i32
      %swap3A_217 = arith.index_cast %add3A_216 : i32 to index
      %swap3A_218 = arith.constant 0 : index
      %swap3A_219 = tpu.vector_load %arg12[%swap3A_217, %swap3A_218] {strides = array<i32>} : memref<256x16xf32, #tpu.memory_space<vmem>>, vector<16xf32>,
      tpu.vector_store %arg12[%swap3A_217, %swap3A_218], %add3A_212 {strides = array<i32>} : memref<256x16xf32, #tpu.memory_space<vmem>>, vector<16xf32>,
      %scan3A_220 = arith.constant 0 : i32
      %scan3A_221 = arith.constant 128 : i32
      %scan3A_222 = arith.addi %scan3A_220, %scan3A_221 : i32
      %scan3A_223 = arith.constant 4 : i32
      %scan3A_224:4 = scf.for %scan3A_330 = %scan3A_220 to %scan3A_222 step %scan3A_223 iter_args(%scan3A_331 = %broadcast_in_dim3A_18, %scan3A_332 = %broadcast_in_dim3A_18, %scan3A_333 = %broadcast_in_dim3A_18, %scan3A_334 = %broadcast_in_dim3A_18) -> (vector<16xf32>, vector<16xf32>, vector<16xf32>, vector<16xf32>)  : i32 {
        %mul3A_335 = arith.constant 4 : i32
        %mul3A_336 = arith.muli %scan3A_330, %mul3A_335 : i32
        %mul3A_337 = arith.constant 16 : i32
        %mul3A_338 = arith.muli %mul3A_336, %mul3A_337 : i32
        %get3A_339 = arith.constant 2 : i32
        %get3A_340 = arith.index_cast %get3A_339 : i32 to index
        %get3A_341 = arith.index_cast %mul3A_338 : i32 to index
        %get3A_342 = tpu.vector_load %arg11[%get3A_340, %get3A_341] {strides = array<i32>} : memref<4x8192xf32, #tpu.memory_space<vmem>>, vector<16xf32>,
        %exp3A = math.exp %get3A_342 : vector<16xf32>
        %add3A_343 = arith.addf %scan3A_331, %exp3A : vector<16xf32>
        %add3A_344 = arith.constant 16 : i32
        %add3A_345 = arith.addi %mul3A_338, %add3A_344 : i32
        %get3A_346 = arith.constant 2 : i32
        %get3A_347 = arith.index_cast %get3A_346 : i32 to index
        %get3A_348 = arith.index_cast %add3A_345 : i32 to index
        %get3A_349 = tpu.vector_load %arg11[%get3A_347, %get3A_348] {strides = array<i32>} : memref<4x8192xf32, #tpu.memory_space<vmem>>, vector<16xf32>,
        %exp3A_350 = math.exp %get3A_349 : vector<16xf32>
        %add3A_351 = arith.addf %scan3A_332, %exp3A_350 : vector<16xf32>
        %add3A_352 = arith.constant 32 : i32
        %add3A_353 = arith.addi %mul3A_338, %add3A_352 : i32
        %get3A_354 = arith.constant 2 : i32
        %get3A_355 = arith.index_cast %get3A_354 : i32 to index
        %get3A_356 = arith.index_cast %add3A_353 : i32 to index
        %get3A_357 = tpu.vector_load %arg11[%get3A_355, %get3A_356] {strides = array<i32>} : memref<4x8192xf32, #tpu.memory_space<vmem>>, vector<16xf32>,
        %exp3A_358 = math.exp %get3A_357 : vector<16xf32>
        %add3A_359 = arith.addf %scan3A_333, %exp3A_358 : vector<16xf32>
        %add3A_360 = arith.constant 48 : i32
        %add3A_361 = arith.addi %mul3A_338, %add3A_360 : i32
        %get3A_362 = arith.constant 2 : i32
        %get3A_363 = arith.index_cast %get3A_362 : i32 to index
        %get3A_364 = arith.index_cast %add3A_361 : i32 to index
        %get3A_365 = tpu.vector_load %arg11[%get3A_363, %get3A_364] {strides = array<i32>} : memref<4x8192xf32, #tpu.memory_space<vmem>>, vector<16xf32>,
        %exp3A_366 = math.exp %get3A_365 : vector<16xf32>
        %add3A_367 = arith.addf %scan3A_334, %exp3A_366 : vector<16xf32>
        %scan3A_368 = arith.constant 1 : i32
        %scan3A_369 = arith.addi %scan3A_330, %scan3A_368 : i32
        %mul3A_370 = arith.constant 4 : i32
        %mul3A_371 = arith.muli %scan3A_369, %mul3A_370 : i32
        %mul3A_372 = arith.constant 16 : i32
        %mul3A_373 = arith.muli %mul3A_371, %mul3A_372 : i32
        %get3A_374 = arith.constant 2 : i32
        %get3A_375 = arith.index_cast %get3A_374 : i32 to index
        %get3A_376 = arith.index_cast %mul3A_373 : i32 to index
        %get3A_377 = tpu.vector_load %arg11[%get3A_375, %get3A_376] {strides = array<i32>} : memref<4x8192xf32, #tpu.memory_space<vmem>>, vector<16xf32>,
        %exp3A_378 = math.exp %get3A_377 : vector<16xf32>
        %add3A_379 = arith.addf %add3A_343, %exp3A_378 : vector<16xf32>
        %add3A_380 = arith.constant 16 : i32
        %add3A_381 = arith.addi %mul3A_373, %add3A_380 : i32
        %get3A_382 = arith.constant 2 : i32
        %get3A_383 = arith.index_cast %get3A_382 : i32 to index
        %get3A_384 = arith.index_cast %add3A_381 : i32 to index
        %get3A_385 = tpu.vector_load %arg11[%get3A_383, %get3A_384] {strides = array<i32>} : memref<4x8192xf32, #tpu.memory_space<vmem>>, vector<16xf32>,
        %exp3A_386 = math.exp %get3A_385 : vector<16xf32>
        %add3A_387 = arith.addf %add3A_351, %exp3A_386 : vector<16xf32>
        %add3A_388 = arith.constant 32 : i32
        %add3A_389 = arith.addi %mul3A_373, %add3A_388 : i32
        %get3A_390 = arith.constant 2 : i32
        %get3A_391 = arith.index_cast %get3A_390 : i32 to index
        %get3A_392 = arith.index_cast %add3A_389 : i32 to index
        %get3A_393 = tpu.vector_load %arg11[%get3A_391, %get3A_392] {strides = array<i32>} : memref<4x8192xf32, #tpu.memory_space<vmem>>, vector<16xf32>,
        %exp3A_394 = math.exp %get3A_393 : vector<16xf32>
        %add3A_395 = arith.addf %add3A_359, %exp3A_394 : vector<16xf32>
        %add3A_396 = arith.constant 48 : i32
        %add3A_397 = arith.addi %mul3A_373, %add3A_396 : i32
        %get3A_398 = arith.constant 2 : i32
        %get3A_399 = arith.index_cast %get3A_398 : i32 to index
        %get3A_400 = arith.index_cast %add3A_397 : i32 to index
        %get3A_401 = tpu.vector_load %arg11[%get3A_399, %get3A_400] {strides = array<i32>} : memref<4x8192xf32, #tpu.memory_space<vmem>>, vector<16xf32>,
        %exp3A_402 = math.exp %get3A_401 : vector<16xf32>
        %add3A_403 = arith.addf %add3A_367, %exp3A_402 : vector<16xf32>
        %scan3A_404 = arith.constant 2 : i32
        %scan3A_405 = arith.addi %scan3A_330, %scan3A_404 : i32
        %mul3A_406 = arith.constant 4 : i32
        %mul3A_407 = arith.muli %scan3A_405, %mul3A_406 : i32
        %mul3A_408 = arith.constant 16 : i32
        %mul3A_409 = arith.muli %mul3A_407, %mul3A_408 : i32
        %get3A_410 = arith.constant 2 : i32
        %get3A_411 = arith.index_cast %get3A_410 : i32 to index
        %get3A_412 = arith.index_cast %mul3A_409 : i32 to index
        %get3A_413 = tpu.vector_load %arg11[%get3A_411, %get3A_412] {strides = array<i32>} : memref<4x8192xf32, #tpu.memory_space<vmem>>, vector<16xf32>,
        %exp3A_414 = math.exp %get3A_413 : vector<16xf32>
        %add3A_415 = arith.addf %add3A_379, %exp3A_414 : vector<16xf32>
        %add3A_416 = arith.constant 16 : i32
        %add3A_417 = arith.addi %mul3A_409, %add3A_416 : i32
        %get3A_418 = arith.constant 2 : i32
        %get3A_419 = arith.index_cast %get3A_418 : i32 to index
        %get3A_420 = arith.index_cast %add3A_417 : i32 to index
        %get3A_421 = tpu.vector_load %arg11[%get3A_419, %get3A_420] {strides = array<i32>} : memref<4x8192xf32, #tpu.memory_space<vmem>>, vector<16xf32>,
        %exp3A_422 = math.exp %get3A_421 : vector<16xf32>
        %add3A_423 = arith.addf %add3A_387, %exp3A_422 : vector<16xf32>
        %add3A_424 = arith.constant 32 : i32
        %add3A_425 = arith.addi %mul3A_409, %add3A_424 : i32
        %get3A_426 = arith.constant 2 : i32
        %get3A_427 = arith.index_cast %get3A_426 : i32 to index
        %get3A_428 = arith.index_cast %add3A_425 : i32 to index
        %get3A_429 = tpu.vector_load %arg11[%get3A_427, %get3A_428] {strides = array<i32>} : memref<4x8192xf32, #tpu.memory_space<vmem>>, vector<16xf32>,
        %exp3A_430 = math.exp %get3A_429 : vector<16xf32>
        %add3A_431 = arith.addf %add3A_395, %exp3A_430 : vector<16xf32>
        %add3A_432 = arith.constant 48 : i32
        %add3A_433 = arith.addi %mul3A_409, %add3A_432 : i32
        %get3A_434 = arith.constant 2 : i32
        %get3A_435 = arith.index_cast %get3A_434 : i32 to index
        %get3A_436 = arith.index_cast %add3A_433 : i32 to index
        %get3A_437 = tpu.vector_load %arg11[%get3A_435, %get3A_436] {strides = array<i32>} : memref<4x8192xf32, #tpu.memory_space<vmem>>, vector<16xf32>,
        %exp3A_438 = math.exp %get3A_437 : vector<16xf32>
        %add3A_439 = arith.addf %add3A_403, %exp3A_438 : vector<16xf32>
        %scan3A_440 = arith.constant 3 : i32
        %scan3A_441 = arith.addi %scan3A_330, %scan3A_440 : i32
        %mul3A_442 = arith.constant 4 : i32
        %mul3A_443 = arith.muli %scan3A_441, %mul3A_442 : i32
        %mul3A_444 = arith.constant 16 : i32
        %mul3A_445 = arith.muli %mul3A_443, %mul3A_444 : i32
        %get3A_446 = arith.constant 2 : i32
        %get3A_447 = arith.index_cast %get3A_446 : i32 to index
        %get3A_448 = arith.index_cast %mul3A_445 : i32 to index
        %get3A_449 = tpu.vector_load %arg11[%get3A_447, %get3A_448] {strides = array<i32>} : memref<4x8192xf32, #tpu.memory_space<vmem>>, vector<16xf32>,
        %exp3A_450 = math.exp %get3A_449 : vector<16xf32>
        %add3A_451 = arith.addf %add3A_415, %exp3A_450 : vector<16xf32>
        %add3A_452 = arith.constant 16 : i32
        %add3A_453 = arith.addi %mul3A_445, %add3A_452 : i32
        %get3A_454 = arith.constant 2 : i32
        %get3A_455 = arith.index_cast %get3A_454 : i32 to index
        %get3A_456 = arith.index_cast %add3A_453 : i32 to index
        %get3A_457 = tpu.vector_load %arg11[%get3A_455, %get3A_456] {strides = array<i32>} : memref<4x8192xf32, #tpu.memory_space<vmem>>, vector<16xf32>,
        %exp3A_458 = math.exp %get3A_457 : vector<16xf32>
        %add3A_459 = arith.addf %add3A_423, %exp3A_458 : vector<16xf32>
        %add3A_460 = arith.constant 32 : i32
        %add3A_461 = arith.addi %mul3A_445, %add3A_460 : i32
        %get3A_462 = arith.constant 2 : i32
        %get3A_463 = arith.index_cast %get3A_462 : i32 to index
        %get3A_464 = arith.index_cast %add3A_461 : i32 to index
        %get3A_465 = tpu.vector_load %arg11[%get3A_463, %get3A_464] {strides = array<i32>} : memref<4x8192xf32, #tpu.memory_space<vmem>>, vector<16xf32>,
        %exp3A_466 = math.exp %get3A_465 : vector<16xf32>
        %add3A_467 = arith.addf %add3A_431, %exp3A_466 : vector<16xf32>
        %add3A_468 = arith.constant 48 : i32
        %add3A_469 = arith.addi %mul3A_445, %add3A_468 : i32
        %get3A_470 = arith.constant 2 : i32
        %get3A_471 = arith.index_cast %get3A_470 : i32 to index
        %get3A_472 = arith.index_cast %add3A_469 : i32 to index
        %get3A_473 = tpu.vector_load %arg11[%get3A_471, %get3A_472] {strides = array<i32>} : memref<4x8192xf32, #tpu.memory_space<vmem>>, vector<16xf32>,
        %exp3A_474 = math.exp %get3A_473 : vector<16xf32>
        %add3A_475 = arith.addf %add3A_439, %exp3A_474 : vector<16xf32>
        scf.yield %add3A_451, %add3A_459, %add3A_467, %add3A_475 : vector<16xf32>, vector<16xf32>, vector<16xf32>, vector<16xf32>
      }
      %scan3A_225 = arith.constant 128 : i32
      %add3A_226 = arith.addf %scan3A_224#0, %scan3A_224#1 : vector<16xf32>
      %add3A_227 = arith.addf %scan3A_224#2, %scan3A_224#3 : vector<16xf32>
      %add3A_228 = arith.addf %add3A_226, %add3A_227 : vector<16xf32>
      %mul3A_229 = arith.constant 4 : i32
      %mul3A_230 = arith.muli %add3A_174, %mul3A_229 : i32
      %add3A_231 = arith.constant 2 : i32
      %add3A_232 = arith.addi %mul3A_230, %add3A_231 : i32
      %swap3A_233 = arith.index_cast %add3A_232 : i32 to index
      %swap3A_234 = arith.constant 0 : index
      %swap3A_235 = tpu.vector_load %arg12[%swap3A_233, %swap3A_234] {strides = array<i32>} : memref<256x16xf32, #tpu.memory_space<vmem>>, vector<16xf32>,
      tpu.vector_store %arg12[%swap3A_233, %swap3A_234], %add3A_228 {strides = array<i32>} : memref<256x16xf32, #tpu.memory_space<vmem>>, vector<16xf32>,
      %scan3A_236 = arith.constant 0 : i32
      %scan3A_237 = arith.constant 128 : i32
      %scan3A_238 = arith.addi %scan3A_236, %scan3A_237 : i32
      %scan3A_239 = arith.constant 4 : i32
      %scan3A_240:4 = scf.for %scan3A_330 = %scan3A_236 to %scan3A_238 step %scan3A_239 iter_args(%scan3A_331 = %broadcast_in_dim3A_18, %scan3A_332 = %broadcast_in_dim3A_18, %scan3A_333 = %broadcast_in_dim3A_18, %scan3A_334 = %broadcast_in_dim3A_18) -> (vector<16xf32>, vector<16xf32>, vector<16xf32>, vector<16xf32>)  : i32 {
        %mul3A_335 = arith.constant 4 : i32
        %mul3A_336 = arith.muli %scan3A_330, %mul3A_335 : i32
        %mul3A_337 = arith.constant 16 : i32
        %mul3A_338 = arith.muli %mul3A_336, %mul3A_337 : i32
        %get3A_339 = arith.constant 3 : i32
        %get3A_340 = arith.index_cast %get3A_339 : i32 to index
        %get3A_341 = arith.index_cast %mul3A_338 : i32 to index
        %get3A_342 = tpu.vector_load %arg11[%get3A_340, %get3A_341] {strides = array<i32>} : memref<4x8192xf32, #tpu.memory_space<vmem>>, vector<16xf32>,
        %exp3A = math.exp %get3A_342 : vector<16xf32>
        %add3A_343 = arith.addf %scan3A_331, %exp3A : vector<16xf32>
        %add3A_344 = arith.constant 16 : i32
        %add3A_345 = arith.addi %mul3A_338, %add3A_344 : i32
        %get3A_346 = arith.constant 3 : i32
        %get3A_347 = arith.index_cast %get3A_346 : i32 to index
        %get3A_348 = arith.index_cast %add3A_345 : i32 to index
        %get3A_349 = tpu.vector_load %arg11[%get3A_347, %get3A_348] {strides = array<i32>} : memref<4x8192xf32, #tpu.memory_space<vmem>>, vector<16xf32>,
        %exp3A_350 = math.exp %get3A_349 : vector<16xf32>
        %add3A_351 = arith.addf %scan3A_332, %exp3A_350 : vector<16xf32>
        %add3A_352 = arith.constant 32 : i32
        %add3A_353 = arith.addi %mul3A_338, %add3A_352 : i32
        %get3A_354 = arith.constant 3 : i32
        %get3A_355 = arith.index_cast %get3A_354 : i32 to index
        %get3A_356 = arith.index_cast %add3A_353 : i32 to index
        %get3A_357 = tpu.vector_load %arg11[%get3A_355, %get3A_356] {strides = array<i32>} : memref<4x8192xf32, #tpu.memory_space<vmem>>, vector<16xf32>,
        %exp3A_358 = math.exp %get3A_357 : vector<16xf32>
        %add3A_359 = arith.addf %scan3A_333, %exp3A_358 : vector<16xf32>
        %add3A_360 = arith.constant 48 : i32
        %add3A_361 = arith.addi %mul3A_338, %add3A_360 : i32
        %get3A_362 = arith.constant 3 : i32
        %get3A_363 = arith.index_cast %get3A_362 : i32 to index
        %get3A_364 = arith.index_cast %add3A_361 : i32 to index
        %get3A_365 = tpu.vector_load %arg11[%get3A_363, %get3A_364] {strides = array<i32>} : memref<4x8192xf32, #tpu.memory_space<vmem>>, vector<16xf32>,
        %exp3A_366 = math.exp %get3A_365 : vector<16xf32>
        %add3A_367 = arith.addf %scan3A_334, %exp3A_366 : vector<16xf32>
        %scan3A_368 = arith.constant 1 : i32
        %scan3A_369 = arith.addi %scan3A_330, %scan3A_368 : i32
        %mul3A_370 = arith.constant 4 : i32
        %mul3A_371 = arith.muli %scan3A_369, %mul3A_370 : i32
        %mul3A_372 = arith.constant 16 : i32
        %mul3A_373 = arith.muli %mul3A_371, %mul3A_372 : i32
        %get3A_374 = arith.constant 3 : i32
        %get3A_375 = arith.index_cast %get3A_374 : i32 to index
        %get3A_376 = arith.index_cast %mul3A_373 : i32 to index
        %get3A_377 = tpu.vector_load %arg11[%get3A_375, %get3A_376] {strides = array<i32>} : memref<4x8192xf32, #tpu.memory_space<vmem>>, vector<16xf32>,
        %exp3A_378 = math.exp %get3A_377 : vector<16xf32>
        %add3A_379 = arith.addf %add3A_343, %exp3A_378 : vector<16xf32>
        %add3A_380 = arith.constant 16 : i32
        %add3A_381 = arith.addi %mul3A_373, %add3A_380 : i32
        %get3A_382 = arith.constant 3 : i32
        %get3A_383 = arith.index_cast %get3A_382 : i32 to index
        %get3A_384 = arith.index_cast %add3A_381 : i32 to index
        %get3A_385 = tpu.vector_load %arg11[%get3A_383, %get3A_384] {strides = array<i32>} : memref<4x8192xf32, #tpu.memory_space<vmem>>, vector<16xf32>,
        %exp3A_386 = math.exp %get3A_385 : vector<16xf32>
        %add3A_387 = arith.addf %add3A_351, %exp3A_386 : vector<16xf32>
        %add3A_388 = arith.constant 32 : i32
        %add3A_389 = arith.addi %mul3A_373, %add3A_388 : i32
        %get3A_390 = arith.constant 3 : i32
        %get3A_391 = arith.index_cast %get3A_390 : i32 to index
        %get3A_392 = arith.index_cast %add3A_389 : i32 to index
        %get3A_393 = tpu.vector_load %arg11[%get3A_391, %get3A_392] {strides = array<i32>} : memref<4x8192xf32, #tpu.memory_space<vmem>>, vector<16xf32>,
        %exp3A_394 = math.exp %get3A_393 : vector<16xf32>
        %add3A_395 = arith.addf %add3A_359, %exp3A_394 : vector<16xf32>
        %add3A_396 = arith.constant 48 : i32
        %add3A_397 = arith.addi %mul3A_373, %add3A_396 : i32
        %get3A_398 = arith.constant 3 : i32
        %get3A_399 = arith.index_cast %get3A_398 : i32 to index
        %get3A_400 = arith.index_cast %add3A_397 : i32 to index
        %get3A_401 = tpu.vector_load %arg11[%get3A_399, %get3A_400] {strides = array<i32>} : memref<4x8192xf32, #tpu.memory_space<vmem>>, vector<16xf32>,
        %exp3A_402 = math.exp %get3A_401 : vector<16xf32>
        %add3A_403 = arith.addf %add3A_367, %exp3A_402 : vector<16xf32>
        %scan3A_404 = arith.constant 2 : i32
        %scan3A_405 = arith.addi %scan3A_330, %scan3A_404 : i32
        %mul3A_406 = arith.constant 4 : i32
        %mul3A_407 = arith.muli %scan3A_405, %mul3A_406 : i32
        %mul3A_408 = arith.constant 16 : i32
        %mul3A_409 = arith.muli %mul3A_407, %mul3A_408 : i32
        %get3A_410 = arith.constant 3 : i32
        %get3A_411 = arith.index_cast %get3A_410 : i32 to index
        %get3A_412 = arith.index_cast %mul3A_409 : i32 to index
        %get3A_413 = tpu.vector_load %arg11[%get3A_411, %get3A_412] {strides = array<i32>} : memref<4x8192xf32, #tpu.memory_space<vmem>>, vector<16xf32>,
        %exp3A_414 = math.exp %get3A_413 : vector<16xf32>
        %add3A_415 = arith.addf %add3A_379, %exp3A_414 : vector<16xf32>
        %add3A_416 = arith.constant 16 : i32
        %add3A_417 = arith.addi %mul3A_409, %add3A_416 : i32
        %get3A_418 = arith.constant 3 : i32
        %get3A_419 = arith.index_cast %get3A_418 : i32 to index
        %get3A_420 = arith.index_cast %add3A_417 : i32 to index
        %get3A_421 = tpu.vector_load %arg11[%get3A_419, %get3A_420] {strides = array<i32>} : memref<4x8192xf32, #tpu.memory_space<vmem>>, vector<16xf32>,
        %exp3A_422 = math.exp %get3A_421 : vector<16xf32>
        %add3A_423 = arith.addf %add3A_387, %exp3A_422 : vector<16xf32>
        %add3A_424 = arith.constant 32 : i32
        %add3A_425 = arith.addi %mul3A_409, %add3A_424 : i32
        %get3A_426 = arith.constant 3 : i32
        %get3A_427 = arith.index_cast %get3A_426 : i32 to index
        %get3A_428 = arith.index_cast %add3A_425 : i32 to index
        %get3A_429 = tpu.vector_load %arg11[%get3A_427, %get3A_428] {strides = array<i32>} : memref<4x8192xf32, #tpu.memory_space<vmem>>, vector<16xf32>,
        %exp3A_430 = math.exp %get3A_429 : vector<16xf32>
        %add3A_431 = arith.addf %add3A_395, %exp3A_430 : vector<16xf32>
        %add3A_432 = arith.constant 48 : i32
        %add3A_433 = arith.addi %mul3A_409, %add3A_432 : i32
        %get3A_434 = arith.constant 3 : i32
        %get3A_435 = arith.index_cast %get3A_434 : i32 to index
        %get3A_436 = arith.index_cast %add3A_433 : i32 to index
        %get3A_437 = tpu.vector_load %arg11[%get3A_435, %get3A_436] {strides = array<i32>} : memref<4x8192xf32, #tpu.memory_space<vmem>>, vector<16xf32>,
        %exp3A_438 = math.exp %get3A_437 : vector<16xf32>
        %add3A_439 = arith.addf %add3A_403, %exp3A_438 : vector<16xf32>
        %scan3A_440 = arith.constant 3 : i32
        %scan3A_441 = arith.addi %scan3A_330, %scan3A_440 : i32
        %mul3A_442 = arith.constant 4 : i32
        %mul3A_443 = arith.muli %scan3A_441, %mul3A_442 : i32
        %mul3A_444 = arith.constant 16 : i32
        %mul3A_445 = arith.muli %mul3A_443, %mul3A_444 : i32
        %get3A_446 = arith.constant 3 : i32
        %get3A_447 = arith.index_cast %get3A_446 : i32 to index
        %get3A_448 = arith.index_cast %mul3A_445 : i32 to index
        %get3A_449 = tpu.vector_load %arg11[%get3A_447, %get3A_448] {strides = array<i32>} : memref<4x8192xf32, #tpu.memory_space<vmem>>, vector<16xf32>,
        %exp3A_450 = math.exp %get3A_449 : vector<16xf32>
        %add3A_451 = arith.addf %add3A_415, %exp3A_450 : vector<16xf32>
        %add3A_452 = arith.constant 16 : i32
        %add3A_453 = arith.addi %mul3A_445, %add3A_452 : i32
        %get3A_454 = arith.constant 3 : i32
        %get3A_455 = arith.index_cast %get3A_454 : i32 to index
        %get3A_456 = arith.index_cast %add3A_453 : i32 to index
        %get3A_457 = tpu.vector_load %arg11[%get3A_455, %get3A_456] {strides = array<i32>} : memref<4x8192xf32, #tpu.memory_space<vmem>>, vector<16xf32>,
        %exp3A_458 = math.exp %get3A_457 : vector<16xf32>
        %add3A_459 = arith.addf %add3A_423, %exp3A_458 : vector<16xf32>
        %add3A_460 = arith.constant 32 : i32
        %add3A_461 = arith.addi %mul3A_445, %add3A_460 : i32
        %get3A_462 = arith.constant 3 : i32
        %get3A_463 = arith.index_cast %get3A_462 : i32 to index
        %get3A_464 = arith.index_cast %add3A_461 : i32 to index
        %get3A_465 = tpu.vector_load %arg11[%get3A_463, %get3A_464] {strides = array<i32>} : memref<4x8192xf32, #tpu.memory_space<vmem>>, vector<16xf32>,
        %exp3A_466 = math.exp %get3A_465 : vector<16xf32>
        %add3A_467 = arith.addf %add3A_431, %exp3A_466 : vector<16xf32>
        %add3A_468 = arith.constant 48 : i32
        %add3A_469 = arith.addi %mul3A_445, %add3A_468 : i32
        %get3A_470 = arith.constant 3 : i32
        %get3A_471 = arith.index_cast %get3A_470 : i32 to index
        %get3A_472 = arith.index_cast %add3A_469 : i32 to index
        %get3A_473 = tpu.vector_load %arg11[%get3A_471, %get3A_472] {strides = array<i32>} : memref<4x8192xf32, #tpu.memory_space<vmem>>, vector<16xf32>,
        %exp3A_474 = math.exp %get3A_473 : vector<16xf32>
        %add3A_475 = arith.addf %add3A_439, %exp3A_474 : vector<16xf32>
        scf.yield %add3A_451, %add3A_459, %add3A_467, %add3A_475 : vector<16xf32>, vector<16xf32>, vector<16xf32>, vector<16xf32>
      }
      %scan3A_241 = arith.constant 128 : i32
      %add3A_242 = arith.addf %scan3A_240#0, %scan3A_240#1 : vector<16xf32>
      %add3A_243 = arith.addf %scan3A_240#2, %scan3A_240#3 : vector<16xf32>
      %add3A_244 = arith.addf %add3A_242, %add3A_243 : vector<16xf32>
      %mul3A_245 = arith.constant 4 : i32
      %mul3A_246 = arith.muli %add3A_174, %mul3A_245 : i32
      %add3A_247 = arith.constant 3 : i32
      %add3A_248 = arith.addi %mul3A_246, %add3A_247 : i32
      %swap3A_249 = arith.index_cast %add3A_248 : i32 to index
      %swap3A_250 = arith.constant 0 : index
      %swap3A_251 = tpu.vector_load %arg12[%swap3A_249, %swap3A_250] {strides = array<i32>} : memref<256x16xf32, #tpu.memory_space<vmem>>, vector<16xf32>,
      tpu.vector_store %arg12[%swap3A_249, %swap3A_250], %add3A_244 {strides = array<i32>} : memref<256x16xf32, #tpu.memory_space<vmem>>, vector<16xf32>,
      %jit3A_252 = arith.constant 2 : i32
      %div3A_253 = arith.divsi %add3A_174, %jit3A_252 : i32
      %sign3A_254 = arith.constant 0 : i32
      %sign3A_255 = arith.cmpi sgt, %add3A_174, %sign3A_254 : i32
      %sign3A_256 = arith.extui %sign3A_255 : i1 to i32
      %sign3A_257 = arith.constant 0 : i32
      %sign3A_258 = arith.cmpi slt, %add3A_174, %sign3A_257 : i32
      %sign3A_259 = arith.extui %sign3A_258 : i1 to i32
      %sign3A_260 = arith.subi %sign3A_256, %sign3A_259 : i32
      %sign3A_261 = arith.constant 0 : i32
      %sign3A_262 = arith.cmpi sgt, %jit3A_252, %sign3A_261 : i32
      %sign3A_263 = arith.extui %sign3A_262 : i1 to i32
      %sign3A_264 = arith.constant 0 : i32
      %sign3A_265 = arith.cmpi slt, %jit3A_252, %sign3A_264 : i32
      %sign3A_266 = arith.extui %sign3A_265 : i1 to i32
      %sign3A_267 = arith.subi %sign3A_263, %sign3A_266 : i32
      %ne3A_268 = arith.cmpi ne, %sign3A_260, %sign3A_267 : i32
      %rem3A_269 = arith.remsi %add3A_174, %jit3A_252 : i32
      %ne3A_270 = arith.constant 0 : i32
      %ne3A_271 = arith.cmpi ne, %rem3A_269, %ne3A_270 : i32
      %and3A_272 = arith.andi %ne3A_268, %ne3A_271 : i1
      %sub3A_273 = arith.constant 1 : i32
      %sub3A_274 = arith.subi %div3A_253, %sub3A_273 : i32
      %select_n3A_275 = arith.select %and3A_272, %sub3A_274, %div3A_253 : i32
      %mul3A_276 = arith.constant 8 : i32
      %mul3A_277 = arith.muli %mul3A_276, %select_n3A_275 : i32
      %get3A_278 = arith.index_cast %mul3A_277 : i32 to index
      %get3A_279 = tpu.vector_load %arg9[%get3A_278] {strides = array<i32>} : memref<264xi32, #tpu.memory_space<vmem>>, vector<16xi32>,
      %and3A_280 = arith.constant 8191 : i32
      %and3A_281 = vector.broadcast %and3A_280 : i32 to vector<16xi32>
      %and3A_282 = arith.andi %get3A_279, %and3A_281 : vector<16xi32>
      %jit3A_283 = arith.constant 2 : i32
      %eq3A_284 = arith.constant 0 : i32
      %eq3A_285 = arith.cmpi eq, %jit3A_283, %eq3A_284 : i32
      %jit3A_286 = arith.constant 1 : i32
      %select_n3A_287 = arith.select %eq3A_285, %jit3A_286, %jit3A_283 : i32
      %rem3A_288 = arith.remsi %add3A_174, %select_n3A_287 : i32
      %ne3A_289 = arith.constant 0 : i32
      %ne3A_290 = arith.cmpi ne, %rem3A_288, %ne3A_289 : i32
      %lt3A_291 = arith.constant 0 : i32
      %lt3A_292 = arith.cmpi slt, %rem3A_288, %lt3A_291 : i32
      %lt3A_293 = arith.constant 0 : i32
      %lt3A_294 = arith.cmpi slt, %select_n3A_287, %lt3A_293 : i32
      %ne3A_295 = arith.xori %lt3A_292, %lt3A_294 : i1
      %and3A_296 = arith.andi %ne3A_295, %ne3A_290 : i1
      %add3A_297 = arith.addi %rem3A_288, %select_n3A_287 : i32
      %select_n3A_298 = arith.select %and3A_296, %add3A_297, %rem3A_288 : i32
      %mul3A_299 = arith.constant 4 : i32
      %mul3A_300 = arith.muli %select_n3A_298, %mul3A_299 : i32
      %ge3A_301 = vector.broadcast %mul3A_300 : i32 to vector<16xi32>
      %ge3A_302 = arith.cmpi sge, %iota3A, %ge3A_301 : vector<16xi32>
      %add3A_303 = arith.constant 4 : i32
      %add3A_304 = arith.addi %mul3A_300, %add3A_303 : i32
      %lt3A_305 = vector.broadcast %add3A_304 : i32 to vector<16xi32>
      %lt3A_306 = arith.cmpi slt, %iota3A, %lt3A_305 : vector<16xi32>
      %and3A_307 = arith.andi %ge3A_302, %lt3A_306 : vector<16xi1>
      %gather3A_308 = tpu.vector_load_idx %arg11[%and3A_4, %and3A_282] masked %and3A_307 : memref<4x8192xf32, #tpu.memory_space<vmem>>[vector<16xi32>, vector<16xi32>], vector<16xf32>, vector<16xi1>
      %jit3A_309 = arith.constant 0.000000e+00 : f32
      %broadcast_in_dim3A_310 = vector.broadcast %jit3A_309 : f32 to vector<16xf32>
      %select_n3A_311 = arith.select %and3A_307, %gather3A_308, %broadcast_in_dim3A_310 : vector<16xi1>, vector<16xf32>
      %swap3A_312 = arith.index_cast %add3A_174 : i32 to index
      %swap3A_313 = arith.constant 0 : index
      %swap3A_314 = tpu.vector_load %arg13[%swap3A_312, %swap3A_313] {strides = array<i32>} : memref<64x16xf32, #tpu.memory_space<vmem>>, vector<16xf32>,
      tpu.vector_store %arg13[%swap3A_312, %swap3A_313], %select_n3A_311 {strides = array<i32>} : memref<64x16xf32, #tpu.memory_space<vmem>>, vector<16xf32>,
      %mul3A_315 = arith.constant 4 : i32
      %mul3A_316 = arith.muli %add3A_174, %mul3A_315 : i32
      %add3A_317 = arith.addi %mul3A_2, %mul3A_316 : i32
      %dma_wait3A_318 = arith.constant 0 : i32
      %dma_wait3A_319 = tpu.memref_slice %arg5[%add3A_317, %dma_wait3A_318] : memref<8192x8192xf32, #tpu.memory_space<hbm>> -> memref<4x8192xf32, #tpu.memory_space<hbm>>
      %dma_wait3A_320 = arith.constant 0 : i32
      %dma_wait3A_321 = tpu.memref_slice %arg5[%add3A_317, %dma_wait3A_320] : memref<8192x8192xf32, #tpu.memory_space<hbm>> -> memref<4x8192xf32, #tpu.memory_space<hbm>>
      tpu.wait_dma2 semaphore(%arg17 : memref<!tpu.dma_semaphore, #tpu.memory_space<semaphore_mem>>) src(%arg11 : memref<4x8192xf32, #tpu.memory_space<vmem>>) dst(%dma_wait3A_321 : memref<4x8192xf32, #tpu.memory_space<hbm>>)
      %add3A_322 = arith.constant 2 : i32
      %add3A_323 = arith.addi %add3A_174, %add3A_322 : i32
      %lt3A_324 = arith.constant 64 : i32
      %lt3A_325 = arith.cmpi slt, %add3A_323, %lt3A_324 : i32
      %convert_element_type3A_326 = arith.extui %lt3A_325 : i1 to i32
      %cond3A_327 = arith.constant 0 : i32
      %cond3A_328 = arith.cmpi ne, %convert_element_type3A_326, %cond3A_327 : i32
      scf.if %cond3A_328 {
        %add3A_330 = arith.constant 2 : i32
        %add3A_331 = arith.addi %add3A_174, %add3A_330 : i32
        %dma_start3A_332 = arith.constant 0 : i32
        %dma_start3A_333 = tpu.memref_slice %arg8[%add3A_331, %dma_start3A_332] : memref<64x4xi32, #tpu.memory_space<vmem>> -> memref<1x4xi32, #tpu.memory_space<vmem>>
        %dma_start3A_334 = tpu.memref_squeeze %dma_start3A_333 : memref<1x4xi32, #tpu.memory_space<vmem>> -> memref<4xi32, #tpu.memory_space<vmem>>
        %dma_start3A_335 = arith.constant 0 : i32
        %dma_start3A_336 = arith.constant 0 : i32
        %dma_start3A_337 = tpu.memref_slice %arg4[%dma_start3A_335, %dma_start3A_336] : memref<8192x8192xf32, #tpu.memory_space<hbm>> -> memref<8192x8192xf32, #tpu.memory_space<hbm>>
        tpu.enqueue_indirect_dma source(%dma_start3A_337 : memref<8192x8192xf32, #tpu.memory_space<hbm>>) target(%arg11 : memref<4x8192xf32, #tpu.memory_space<vmem>>) offsets(%dma_start3A_334 : memref<4xi32, #tpu.memory_space<vmem>>) semaphore(%arg15 : memref<!tpu.dma_semaphore, #tpu.memory_space<semaphore_mem>>)
      } else {
      }
      %scan3A_329 = arith.constant 0 : i32
      scf.yield %scan3A_329 : i32
    }
    %scan3A_24 = arith.constant 32 : i32
    "tpu.region"() ({
      %run_scoped3A = tpu.sem_alloc : memref<!tpu.dma_semaphore, #tpu.memory_space<semaphore_mem>>
      %dma_start3A_27 = arith.constant 0 : i32
      %dma_start3A_28 = tpu.memref_slice %arg6[%mul3A_2, %dma_start3A_27] : memref<8192x16xf32, #tpu.memory_space<hbm>> -> memref<256x16xf32, #tpu.memory_space<hbm>>
      %dma_start3A_29 = arith.constant 0 : i32
      %dma_start3A_30 = tpu.memref_slice %arg6[%mul3A_2, %dma_start3A_29] : memref<8192x16xf32, #tpu.memory_space<hbm>> -> memref<256x16xf32, #tpu.memory_space<hbm>>
      tpu.enqueue_dma source(%arg12 : memref<256x16xf32, #tpu.memory_space<vmem>>) target(%dma_start3A_30 : memref<256x16xf32, #tpu.memory_space<hbm>>) target_semaphore(%run_scoped3A : memref<!tpu.dma_semaphore, #tpu.memory_space<semaphore_mem>>)
      %dma_wait3A = arith.constant 0 : i32
      %dma_wait3A_31 = tpu.memref_slice %arg6[%mul3A_2, %dma_wait3A] : memref<8192x16xf32, #tpu.memory_space<hbm>> -> memref<256x16xf32, #tpu.memory_space<hbm>>
      %dma_wait3A_32 = arith.constant 0 : i32
      %dma_wait3A_33 = tpu.memref_slice %arg6[%mul3A_2, %dma_wait3A_32] : memref<8192x16xf32, #tpu.memory_space<hbm>> -> memref<256x16xf32, #tpu.memory_space<hbm>>
      tpu.wait_dma2 semaphore(%run_scoped3A : memref<!tpu.dma_semaphore, #tpu.memory_space<semaphore_mem>>) src(%arg12 : memref<256x16xf32, #tpu.memory_space<vmem>>) dst(%dma_wait3A_33 : memref<256x16xf32, #tpu.memory_space<hbm>>)
      tpu.yield
    }) : () -> ()
    %mul3A_25 = arith.constant 64 : i32
    %mul3A_26 = arith.muli %add3A, %mul3A_25 : i32
    "tpu.region"() ({
      %run_scoped3A = tpu.sem_alloc : memref<!tpu.dma_semaphore, #tpu.memory_space<semaphore_mem>>
      %dma_start3A_27 = arith.constant 0 : i32
      %dma_start3A_28 = tpu.memref_slice %arg7[%mul3A_26, %dma_start3A_27] : memref<2048x16xf32, #tpu.memory_space<hbm>> -> memref<64x16xf32, #tpu.memory_space<hbm>>
      %dma_start3A_29 = arith.constant 0 : i32
      %dma_start3A_30 = tpu.memref_slice %arg7[%mul3A_26, %dma_start3A_29] : memref<2048x16xf32, #tpu.memory_space<hbm>> -> memref<64x16xf32, #tpu.memory_space<hbm>>
      tpu.enqueue_dma source(%arg13 : memref<64x16xf32, #tpu.memory_space<vmem>>) target(%dma_start3A_30 : memref<64x16xf32, #tpu.memory_space<hbm>>) target_semaphore(%run_scoped3A : memref<!tpu.dma_semaphore, #tpu.memory_space<semaphore_mem>>)
      %dma_wait3A = arith.constant 0 : i32
      %dma_wait3A_31 = tpu.memref_slice %arg7[%mul3A_26, %dma_wait3A] : memref<2048x16xf32, #tpu.memory_space<hbm>> -> memref<64x16xf32, #tpu.memory_space<hbm>>
      %dma_wait3A_32 = arith.constant 0 : i32
      %dma_wait3A_33 = tpu.memref_slice %arg7[%mul3A_26, %dma_wait3A_32] : memref<2048x16xf32, #tpu.memory_space<hbm>> -> memref<64x16xf32, #tpu.memory_space<hbm>>
      tpu.wait_dma2 semaphore(%run_scoped3A : memref<!tpu.dma_semaphore, #tpu.memory_space<semaphore_mem>>) src(%arg13 : memref<64x16xf32, #tpu.memory_space<vmem>>) dst(%dma_wait3A_33 : memref<64x16xf32, #tpu.memory_space<hbm>>)
      tpu.yield
    }) : () -> ()
    return
  }
}

module attributes {stable_mosaic.version = 14 : i64} {
  func.func @_combine(%arg0: memref<8192x16xf32, #tpu.memory_space<vmem>>, %arg1: memref<2048x16xf32, #tpu.memory_space<vmem>>, %arg2: memref<1x1xf32, #tpu.memory_space<vmem>>) attributes {dimension_semantics = [], scalar_prefetch = 0 : i64, scratch_operands = 0 : i64, tpu.core_type = #tpu.core_type<tc>} {
    %get3A = arith.constant 0 : index
    %get3A_0 = arith.constant 0 : index
    %get3A_1 = vector.load %arg0[%get3A, %get3A_0] : memref<8192x16xf32, #tpu.memory_space<vmem>>, vector<8192x16xf32>
    %reduce_sum3A = arith.constant dense<0.000000e+00> : vector<8192xf32>
    %reduce_sum3A_2 = vector.multi_reduction <add>, %get3A_1, %reduce_sum3A [1] : vector<8192x16xf32> to vector<8192xf32>
    %log3A = math.log %reduce_sum3A_2 : vector<8192xf32>
    %reduce_sum3A_3 = vector.shape_cast %log3A : vector<8192xf32> to vector<1x8192xf32>
    %reduce_sum3A_4 = arith.constant dense<0.000000e+00> : vector<1xf32>
    %reduce_sum3A_5 = vector.multi_reduction <add>, %reduce_sum3A_3, %reduce_sum3A_4 [1] : vector<1x8192xf32> to vector<1xf32>
    %reduce_sum3A_6 = vector.shape_cast %reduce_sum3A_5 : vector<1xf32> to vector<1x1xf32>
    %reduce_sum3A_7 = vector.extract %reduce_sum3A_6[0, 0] : f32 from vector<1x1xf32>
    %get3A_8 = arith.constant 0 : index
    %get3A_9 = arith.constant 0 : index
    %get3A_10 = vector.load %arg1[%get3A_8, %get3A_9] : memref<2048x16xf32, #tpu.memory_space<vmem>>, vector<2048x16xf32>
    %reduce_sum3A_11 = vector.shape_cast %get3A_10 : vector<2048x16xf32> to vector<1x2048x16xf32>
    %reduce_sum3A_12 = arith.constant dense<0.000000e+00> : vector<1xf32>
    %reduce_sum3A_13 = vector.multi_reduction <add>, %reduce_sum3A_11, %reduce_sum3A_12 [1, 2] : vector<1x2048x16xf32> to vector<1xf32>
    %reduce_sum3A_14 = vector.shape_cast %reduce_sum3A_13 : vector<1xf32> to vector<1x1x1xf32>
    %reduce_sum3A_15 = vector.extract %reduce_sum3A_14[0, 0, 0] : f32 from vector<1x1x1xf32>
    %sub3A = arith.subf %reduce_sum3A_7, %reduce_sum3A_15 : f32
    %div3A = arith.constant 8.192000e+03 : f32
    %div3A_16 = arith.divf %sub3A, %div3A : f32
    %broadcast_in_dim3A = vector.broadcast %div3A_16 : f32 to vector<1x1xf32>
    %swap3A = arith.constant 0 : index
    %swap3A_17 = arith.constant 0 : index
    %swap3A_18 = vector.load %arg2[%swap3A, %swap3A_17] : memref<1x1xf32, #tpu.memory_space<vmem>>, vector<1x1xf32>
    tpu.vector_store %arg2[%swap3A, %swap3A_17], %broadcast_in_dim3A {strides = array<i32>} : memref<1x1xf32, #tpu.memory_space<vmem>>, vector<1x1xf32>,
    return
  }
}

</mosaic_0001>

<sc_bundles>
// kernel: kernel.4.cloned.1.call-start
scs
__scs_entry_jumppad:
0x0: {  	(pc) =	sbr.rel $0x88, $3  }
0x1: {  	(tag) =	ssettag $0x0;
	lr =	simm.s32 $0x1  }
0x2: {  	[smem:$0x3F9E] =	sst lr;
	_ =	strace $0xD0000000  }
0x3: {  	_ = 	snop  }
0x4: {  	_ = 	snop  }
0x5: {  	_ = 	snop  }
0x6: {  	_ = 	snop  }
0x7: {  	_ = 	snop  }
__scs_overlays_trampoline_lowered:
0x8: {  	[smem:$0x3FAD] =	sst s0  }
0x9: {  	[smem:$0x3FAE] =	sst s1  }
0xa: {  	[smem:$0x3FAF] =	sst s2  }
0xb: {  	[smem:$0x3FB0] =	sst s3  }
0xc: {  	[smem:$0x3FB1] =	sst s4  }
0xd: {  	[smem:$0x3FB2] =	sst s5  }
0xe: {  	[smem:$0x3FB3] =	sst s6  }
0xf: {  	[smem:$0x3FB4] =	sst s7  }
0x10: {  	[smem:$0x3FB5] =	sst s8  }
0x11: {  	[smem:$0x3FB6] =	sst s9;
	s0 =	simm.s32 @!p0 $0x0  }
0x12: {  	s1 =	sld [smem:$0x3F9C];
	s0 =	simm.s32 @p0 $0x1  }
0x13: {  	[smem:$0x3FB7] =	sst s0;
	s0 =	simm.s32 @!p1 $0x0  }
0x14: {  	s2 =	sld [smem:$0x3F9B];
	s0 =	simm.s32 @p1 $0x1  }
0x15: {  	[smem:$0x3FB8] =	sst s0;
	s0 =	simm.s32 @!p2 $0x0  }
0x16: {  	s3 =	sld [smem:$0x3FDB];
	s0 =	simm.s32 @p2 $0x1  }
0x17: {  	s4 =	simm.s32 $0x1BF5;
	[smem:$0x3FBA] =	sst s0  }
0x18: {  	s0 =	sld [smem:$0x3F9D];
	_ =	swait.ge [sflag:s4], $0x0  }
0x19: {  	s7 =	sld [smem:$0x3F9E]  }
0x1a: {  	s8 =	sadd.s32 $0xFFFFE003, lr  }
0x1b: {  	s9 =	sadd.s32 $0xFFFFFEF7, lr;
	s5 =	simm.s32 $0xFFFFFFFF;
	p2 =	slt.u32 s8, $0xFFFFF086  }
0x1c: {  	p1 =	slt.u32 s9, $0xF7A;
	s5 =	simm.s32 @!p2 $0x0  }
0x1d: {  	s5 =	simm.s32 @p1 $0x1;
	p0 =	seq.s32 s7, s2  }
0x1e: {  	s7 =	smul.u32 @!p0 $0xF7A, s2;
	p2 =	seq.s32 @!p0 s5, $0x0  }
0x1f: {  	s9 =	smul.u32 $0xF7A, s1;
	s8 =	simm.s32 @!p0 $0x1BF5;
	p2 =	por !p2, p0  }
0x20: {  	[sflag:s8] =	ssyncset.s32 @!p0 $0xFFFFF086;
	s6 =	sadd.s32 @!p0 s3, s7;
	s7 =	simm.s32 @!p0 $0x108  }
0x21: {  	s3 =	sadd.s32 s3, s9;
	s6 =	sadd.s32 @!p0 $0x88, s6;
	s7 =	simm.s32 @p2 $0x1082  }
0x22: {  	[simem:s7], [sflag:s8] =	dma.local @!p0 [hbm:s6], $0xF7A  }
0x23: {  	s9 =	sor.u32 $0xD0000000, s2;
	s6 =	simm.s32 $0x108;
	_ =	swait.ge @!p0 [sflag:s8], $0x0  }
0x24: {  	s3 =	sadd.s32 $0x88, s3;
	s6 =	simm.s32 @!p1 $0x1082;
	[sflag:s4] =	ssyncset.s32 $0xFFFFF086  }
0x25: {  	[simem:s6], [sflag:s4] =	dma.local [hbm:s3], $0xF7A  }
0x26: {  	[smem:$0x3F9E] =	sst s1;
	(tag) =	ssettag s2;
	_ =	strace s9  }
0x27: {  	s1 =	sld [smem:$0x3FAE]  }
0x28: {  	s2 =	sld [smem:$0x3FAF]  }
0x29: {  	s4 =	sld [smem:$0x3FB1]  }
0x2a: {  	p0 =	seq.s32 s5, $0x0;
	s5 =	sld [smem:$0x3FB2]  }
0x2b: {  	s6 =	sld [smem:$0x3FB3]  }
0x2c: {  	s7 =	sld [smem:$0x3FB4]  }
0x2d: {  	s3 =	simm.s32 $0x108;
	s8 =	sld [smem:$0x3FB5]  }
0x2e: {  	s3 =	simm.s32 @!p0 $0x1082;
	s9 =	sld [smem:$0x3FB6]  }
0x2f: {  	lr =	sadd.s32 s0, s3;
	s0 =	sld [smem:$0x3FAD]  }
0x30: {  	s3 =	sld [smem:$0x3FB0]  }
0x31: {  	[smem:$0x3FB9] =	sst s10  }
0x32: {  	s10 =	sld [smem:$0x3FB7];
	_ =	sdelay $0x3  }
0x33: {  	p0 =	seq.s32 s10, $0x1;
	s10 =	sld [smem:$0x3FB9];
	_ =	sdelay $0x3  }
0x34: {  	[smem:$0x3FB9] =	sst s10  }
0x35: {  	s10 =	sld [smem:$0x3FB8];
	_ =	sdelay $0x3  }
0x36: {  	p1 =	seq.s32 s10, $0x1;
	s10 =	sld [smem:$0x3FB9];
	_ =	sdelay $0x3  }
0x37: {  	[smem:$0x3FB9] =	sst s10  }
0x38: {  	s10 =	sld [smem:$0x3FBA]  }
0x39: {  	_ = 	snop;
	(pc) =	sbr.ind lr, $3  }
0x3a: {  	_ = 	snop  }
0x3b: {  	_ = 	snop  }
0x3c: {  	p2 =	seq.s32 s10, $0x1;
	s10 =	sld [smem:$0x3FB9]  }
0x3d: {  	_ =	shalt  }
0x3e: {  	_ =	shalt  }
0x3f: {  	_ =	shalt  }
0x40: {  	_ =	shalt  }
0x41: {  	_ =	shalt  }
0x42: {  	_ =	shalt  }
0x43: {  	_ =	shalt  }
0x44: {  	_ =	shalt  }
0x45: {  	_ =	shalt  }
0x46: {  	_ =	shalt  }
0x47: {  	_ =	shalt  }
0x48: {  	_ =	shalt  }
0x49: {  	_ =	shalt  }
0x4a: {  	_ =	shalt  }
0x4b: {  	_ =	shalt  }
0x4c: {  	_ =	shalt  }
0x4d: {  	_ =	shalt  }
0x4e: {  	_ =	shalt  }
0x4f: {  	_ =	shalt  }
0x50: {  	_ =	shalt  }
0x51: {  	_ =	shalt  }
0x52: {  	_ =	shalt  }
0x53: {  	_ =	shalt  }
0x54: {  	_ =	shalt  }
0x55: {  	_ =	shalt  }
0x56: {  	_ =	shalt  }
0x57: {  	_ =	shalt  }
0x58: {  	_ =	shalt  }
0x59: {  	_ =	shalt  }
0x5a: {  	_ =	shalt  }
0x5b: {  	_ =	shalt  }
0x5c: {  	_ =	shalt  }
0x5d: {  	_ =	shalt  }
0x5e: {  	_ =	shalt  }
0x5f: {  	_ =	shalt  }
0x60: {  	_ =	shalt  }
0x61: {  	_ =	shalt  }
0x62: {  	_ =	shalt  }
0x63: {  	_ =	shalt  }
0x64: {  	_ =	shalt  }
0x65: {  	_ =	shalt  }
0x66: {  	_ =	shalt  }
0x67: {  	_ =	shalt  }
0x68: {  	_ =	shalt  }
0x69: {  	_ =	shalt  }
0x6a: {  	_ =	shalt  }
0x6b: {  	_ =	shalt  }
0x6c: {  	_ =	shalt  }
0x6d: {  	_ =	shalt  }
0x6e: {  	_ =	shalt  }
0x6f: {  	_ =	shalt  }
0x70: {  	_ =	shalt  }
0x71: {  	_ =	shalt  }
0x72: {  	_ =	shalt  }
0x73: {  	_ =	shalt  }
0x74: {  	_ =	shalt  }
0x75: {  	_ =	shalt  }
0x76: {  	_ =	shalt  }
0x77: {  	_ =	shalt  }
0x78: {  	_ =	shalt  }
0x79: {  	_ =	shalt  }
0x7a: {  	_ =	shalt  }
0x7b: {  	_ =	shalt  }
0x7c: {  	_ =	shalt  }
0x7d: {  	_ =	shalt  }
0x7e: {  	_ =	shalt  }
0x7f: {  	_ =	shalt  }
0x80: {  	_ =	shalt  }
0x81: {  	_ =	shalt  }
0x82: {  	_ =	shalt  }
0x83: {  	_ =	shalt  }
0x84: {  	_ =	shalt  }
0x85: {  	_ =	shalt  }
0x86: {  	_ =	shalt  }
0x87: {  	_ =	shalt  }
.Lfunc_end0:
.L_simem_size_0:
called_computation_lowered:
.L_overlay_start_0:
0x88: {  	s2 =	sld [smem:$0x3FD9]  }
0x89: {  	s3 =	sld [smem:$0x3FFE];
	_ =	sdelay $0x1  }
0x8a: {  	s1 =	srdreg.scid  }
0x8b: {  	s0 =	sand.u32 $0x1, s1  }
0x8c: {  	s14 =	sshll.u32 s0, $0xA;
	s2 =	sadd.s32 s3, s2  }
0x8d: {  	s2 =	sadd.s32 s2, s14  }
0x8e: {  	[smem:$0x3FC5] =	sst s2  }
0x8f: {  	_ = 	snop  }
0x90: {  	s2 =	sld [smem:$0x3FD0];
	_ =	sdelay $0x2  }
0x91: {  	s4 =	simm.s32 $0xA;
	s5 =	simm.s32 $0x10;
	s15 =	sld [smem:$0x3FC7]  }
0x92: {  	[smem:s5], [sflag:s4] =	dma.local [hbm:s2], $0x1  }
0x93: {  	_ =	swait.eq [sflag:s4], $0x1  }
0x94: {  	[sflag:s4] =	ssyncset.done $0x0  }
0x95: {  	[sflag:s4] =	ssyncadd.s32 $0xFFFFFFFF  }
0x96: {  	s16 =	sld [smem:$0x10];
	(tm) =	ssettm $0x1  }
0x97: {  	s17 =	sld [smem:$0x3FFB];
	_ =	sdelay $0x3  }
0x98: {  	_ =	strace s17  }
0x99: {  	s4 =	sld [smem:$0x3FFC];
	_ =	sdelay $0x3  }
0x9a: {  	_ =	strace s4  }
0x9b: {  	s4 =	sld [smem:$0x3FFD];
	_ =	sdelay $0x3  }
0x9c: {  	_ =	strace s4  }
0x9d: {  	_ =	strace $0x8FFFFFFF  }
0x9e: {  	s18 =	sld [smem:$0x3FDB];
	_ =	sdelay $0x1  }
0x9f: {  	s19 =	simm.s32 $_scs_section_size  }
0xa0: {  	s6 =	simm.s32 $_size__tile_overlayer_lowered;
	s7 =	simm.s32 $_tile_overlayer_lowered  }
0xa1: {  	s22 =	simm.s32 $0x1BFF;
	s21 =	sshll.u32 s7, $0x1;
	s4 =	sadd.s32 s19, s18  }
0xa2: {  	s8 =	simm.s32 $0x0;
	s20 =	sshll.u32 s6, $0x1;
	s6 =	sadd.s32 s21, s4  }
0xa3: {  	[timem:s8], [sflag:s22] =	dma.local [hbm:s6], s20  }
0xa4: {  	_ =	swait.ge [sflag:s22], s20  }
0xa5: {  	s5 =	ssub.s32 $0x0, s20;
	[sflag:s22] =	ssyncset.done $0x0  }
0xa6: {  	[sflag:s22] =	ssyncadd.s32 s5;
	_ =	sdelay $0x1  }
0xa7: {  	s23 =	simm.s32 $0x1B8B  }
0xa8: {  	_ =	swait.ge [sflag:s23], $0x1  }
0xa9: {  	[sflag:s23] =	ssyncset.done $0x0  }
0xaa: {  	s25 =	simm.s32 $0x1B8E;
	s24 =	sld [smem:$0x3FFE];
	[sflag:s23] =	ssyncadd.s32 $0xFFFFFFFF  }
0xab: {  	s26 =	simm.s32 $execute0_lowered;
	[smem:$0x3FD2] =	sst s25  }
0xac: {  	s6 =	sshll.u32 s26, $0x1;
	_ =	strace $0x80000046;
	[dreg:$0x1] =	wrdreg $0xFFFFFFFF  }
0xad: {  	s28 =	simm.s32 $_size_execute0_lowered;
	s4 =	sadd.s32 s4, s6;
	[dreg:$0x0] =	wrdreg $0x0  }
0xae: {  	s6 =	sshll.u32 s28, $0x1;
	[dreg:$0x2] =	wrdreg s4  }
0xaf: {  	[dreg:$0x3] =	wrdreg s6  }
0xb0: {  	[dreg:$0x4] =	wrdreg $0xC0  }
0xb1: {  	_ =	task [dreg:s8], $0x5FFFF  }
0xb2: {  	[dreg:$0x1] =	wrdreg $0xFFFFFFFF  }
0xb3: {  	[dreg:$0x0] =	wrdreg $0x60  }
0xb4: {  	[dreg:$0x2] =	wrdreg s24  }
0xb5: {  	[dreg:$0x3] =	wrdreg s15  }
0xb6: {  	[dreg:$0x4] =	wrdreg s16  }
0xb7: {  	[dreg:$0x5] =	wrdreg $0x9  }
0xb8: {  	_ =	task.clear_ibuf [dreg:s8], $0x6FFFF;
	_ =	strace $0x90000046  }
0xb9: {  	s29 =	simm.s32 $0x9;
	_ =	strace $0x80000048  }
0xba: {  	_ =	swait.ge [sflag:s29], $0x1  }
0xbb: {  	[sflag:s29] =	ssyncadd.s32 $0xFFFFFFFF  }
0xbc: {  	_ =	strace $0x90000048  }
0xbd: {  	_ =	sfence  }
0xbe: {  	s30 =	sld [smem:$0x0];
	_ =	sdelay $0x2  }
0xbf: {  	s31 =	sshll.u32 s1, $0xD;
	s1 =	sshrl.u32 s1, $0x2  }
0xc0: {  	s3 =	sand.u32 $0x4000, s31;
	s1 =	sadd.s32 s1, s30  }
0xc1: {  	s0 =	sor.u32 s3, s0;
	s1 =	sshll.u32 s1, $0x11  }
0xc2: {  	s0 =	sor.u32 s1, s0  }
0xc3: {  	s0 =	sadd.s32 $0x8F2B, s0  }
0xc4: {  	[sflag:s0] =	ssyncadd.remote.s32 $0x1  }
0xc5: {  	_ =	sfence.sel $0xFFFF  }
0xc6: {  	[dreg:$0x0] =	wrdreg $0xFFFFFFFF;
	(pc) =	sbr.abs _section_cstart, $3  }
0xc7: {  	[dreg:$0x1] =	wrdreg $0xFFFFFFFF  }
0xc8: {  	_ =	task.clear_ibuf [dreg:s8], $0x2FFFF;
	_ =	strace $0x9FFFFFFF  }
0xc9: {  	(tm) =	ssettm $0x7FFFFFFF  }
tec
execute0_lowered:
.L_overlay_start_1:
0x0: {  	(tag) =	ssettag $0x1  }
0x1: {  	s0 =	rddreg [dreg:$0x0]  }
0x2: {  	s22 =	rddreg [dreg:$0x1]  }
0x3: {  	s23 =	rddreg [dreg:$0x2];
	s4 =	simm.s32 $0x0  }
0x4: {  	s3 =	stileid.u32;
	s1 =	srdreg.scid;
	s30 =	simm.s32 $0x400  }
0x5: {  	s28 =	simm.s32 $0x200;
	s29 =	simm.s32 $0x2;
	s31 =	simm.s32 $0x4  }
0x6: {  	s2 =	sshll.u32 s3, $0x6;
	s1 =	sand.u32 $0x1, s1;
	s3 =	sshll.u32 s3, $0x1  }
0x7: {  	[smem:$0x7FF] =	sst s4;
	s9 =	sadd.s32 $0x400, s22;
	s10 =	sadd.s32 $0x600, s22  }
0x8: {  	s11 =	sadd.s32 $0x800, s22;
	s12 =	sadd.s32 $0xA00, s22;
	s13 =	sadd.s32 $0xC00, s22  }
0x9: {  	s14 =	sadd.s32 $0xE00, s22;
	s15 =	sadd.s32 $0x1000, s22;
	s16 =	sadd.s32 $0x1200, s22  }
0xa: {  	s17 =	sadd.s32 $0x1400, s22;
	s18 =	sadd.s32 $0x1600, s22;
	s19 =	sadd.s32 $0x1800, s22  }
0xb: {  	s20 =	sadd.s32 $0x1A00, s22;
	s26 =	sadd.s32 $0x40, s23;
	s2 =	sand.u32 $0x300, s2  }
0xc: {  	s3 =	sor.u32 s1, s3;
	_ =	strace $0x80000047;
	s1 =	ssub.s32 $0x2, s1  }
0xd: {  	[dreg:$0xa] =	wrdreg s26;
	s2 =	sadd.s32 s2, s0;
	s5 =	sshll.u32 s3, $0xC  }
0xe: {  	s6 =	sshll.u32 s3, $0x4;
	s7 =	sshll.u32 s3, $0xA;
	s8 =	sshrl.u32 s1, $0x1  }
0xf: {  	s3 =	sshll.u32 s3, $0x12;
	s5 =	sadd.s32 s5, s0;
	s6 =	sand.u32 $0x70, s6  }
0x10: {  	s0 =	sadd.s32 s7, s0;
	s1 =	ssub.s32 s1, s8;
	[dreg:$0x4] =	wrdreg s3  }
0x11: {  	s8 =	sadd.s32 $0x200, s22;
	s3 =	simm.s32 $0x3;
	s2 =	sadd.s32 s6, s2  }
0x12: {  	s21 =	sadd.s32 $0x1000, s0;
	s24 =	sadd.s32 $0x9000, s5;
	s0 =	sadd.s32 $0x29000, s0  }
.Ltmp0:
0x13: {  	s25 =	smax.u32 s1, $0x1;
	[dreg:$0x5] =	wrdreg s21;
	(pc) =	sbr.rel .LBB2_1-.Ltmp0, $4  }
0x14: {  	s5 =	simm.s32 $0x5;
	s1 =	simm.s32 $0xA180;
	[dreg:$0x7] =	wrdreg s24  }
0x15: {  	v1 =	vlaneseq.u32;
	vm0 =	vmmov $0xffff;
	vm1 =	vmmov $0xf;
	s6 =	simm.s32 $0x0;
	s2 =	sadd.s32 $0xC00, s2;
	[dreg:$0x8] =	wrdreg s0  }
0x16: {  	vm2 =	vcmask $0x1F10;
	v0 =	vand.u32 $0x3, v1;
	v1 =	vshrl.u32 v1, $0x2;
	s21 =	sadd.s32 $0x1C00, s22;
	s22 =	sadd.s32 $0x1E00, s22;
	[dreg:$0x9] =	wrdreg s25  }
0x17: {  	vm3 =	vcmask $0xF20;
	v1 =	vmul.u32 $0x8, v1;
	v2 =	vmul.u32 $0x80, v0;
	s0 =	simm.s32 $0x2180;
	s25 =	simm.s32 $0x1;
	[dreg:$0x6] =	wrdreg s2  }
.LBB2_20:
0x18: {  	s2 =	rddreg [dreg:$0x7];
	s5 =	simm.s32 $0x12180  }
0x19: {  	[hbm4b:s2+s4] =	stream.linear.scatter [tilespmem:s5], [sflag:$0x5], $0x8000, $0x38;
	[tilespmem:$0x1C180] =	vst v63  }
0x1a: {  	s5 =	simm.s32 $0x5  }
0x1b: {  	_ =	swait.ge [sflag:s5], $0x8000  }
0x1c: {  	[sflag:s5] =	ssyncset.done $0x0  }
0x1d: {  	s6 =	simm.s32 $0x1A180;
	s23 =	rddreg [dreg:$0x8];
	[sflag:s5] =	ssyncadd.s32 $0xFFFF8000  }
0x1e: {  	[hbm4b:s23+s4] =	stream.linear.scatter [tilespmem:s6], [sflag:$0x5], $0x2000, $0x38;
	[tilespmem:$0x1C180] =	vst v63  }
0x1f: {  	_ =	swait.ge [sflag:s5], $0x2000  }
0x20: {  	s24 =	rddreg [dreg:$0xb]  }
0x21: {  	s26 =	rddreg [dreg:$0x9];
	s6 =	sadd.s32 $0x1, s24  }
0x22: {  	p0 =	sne.s32 s6, s26  }
.Ltmp1:
0x23: {  	_ = 	snop;
	(pc) =	sbr.rel @!p0 .LBB2_21-.Ltmp1, $3  }
0x24: {  	_ =	sdelay $0x1  }
0x25: {  	[sflag:s5] =	ssyncset.done $0x0  }
0x26: {  	[sflag:s5] =	ssyncadd.s32 $0xFFFFE000  }
.LBB2_1:
0x27: {  	[dreg:$0xb] =	wrdreg s6  }
0x28: {  	s2 =	rddreg [dreg:$0x5]  }
0x29: {  	[tilespmem:s4], [sflag:$0x5] =	stream.linear.gather [hbm4b:s2+s4], $0x2000, $0x38;
	[tilespmem:$0x1C180] =	vst v63  }
0x2a: {  	_ =	swait.ge [sflag:s5], $0x2000  }
0x2b: {  	s26 =	simm.s32 $0x80;
	[sflag:s5] =	ssyncset.done $0x0  }
0x2c: {  	s7 =	simm.s32 $0x2000;
	s24 =	rddreg [dreg:$0x6];
	[sflag:s5] =	ssyncadd.s32 $0xFFFFE000  }
0x2d: {  	[tilespmem:s7], [sflag:$0x5] =	stream.strided.gather [hbm4b:s24+s26], $0x100, s30, s26, $0x38;
	[tilespmem:$0x1C180] =	vst v63  }
0x2e: {  	_ =	swait.ge [sflag:s5], $0x100  }
0x2f: {  	[sflag:s5] =	ssyncset.done $0x0  }
0x30: {  	[sflag:s5] =	ssyncadd.s32 $0xFFFFFF00  }
0x31: {  	v3 =	vld.msk [tilespmem:$0x0], $0xf;
	_ =	sdelay $0x4  }
0x32: {  	v4 =	vshll.u32 v3, $0x6  }
0x33: {  	v3 =	vand.u32 $0x7, v3;
	v4 =	vand.u32 $0xFFFFFE00, v4  }
0x34: {  	v3 =	vor.u32 v3, v4  }
0x35: {  	v3 =	vperm.xlane v3, v0;
	_ =	sdelay $0x1  }
0x36: {  	v3 =	vadd.s32 v1, v3;
	_ =	sdelay $0x3  }
0x37: {  	s2 =	rddreg [dreg:$0x1]  }
0x38: {  	[tilespmem:s0], [sflag:$0x1] =	stream.indirect_vreg.gather [hbm4b:s2+s4], $0x80, v3, vm0, $0xb8;
	[tilespmem:$0x1C180] =	vst v63  }
0x39: {  	s23 =	simm.s32 $0x2980  }
0x3a: {  	[tilespmem:s23], [sflag:$0x1] =	stream.indirect_vreg.gather [hbm4b:s8+s4], $0x80, v3, vm0, $0xb8;
	[tilespmem:$0x1C180] =	vst v63  }
0x3b: {  	s24 =	simm.s32 $0x3180  }
0x3c: {  	[tilespmem:s24], [sflag:$0x1] =	stream.indirect_vreg.gather [hbm4b:s9+s4], $0x80, v3, vm0, $0xb8;
	[tilespmem:$0x1C180] =	vst v63  }
0x3d: {  	s26 =	simm.s32 $0x3980  }
0x3e: {  	[tilespmem:s26], [sflag:$0x1] =	stream.indirect_vreg.gather [hbm4b:s10+s4], $0x80, v3, vm0, $0xb8;
	[tilespmem:$0x1C180] =	vst v63  }
0x3f: {  	s6 =	simm.s32 $0x4180  }
0x40: {  	[tilespmem:s6], [sflag:$0x1] =	stream.indirect_vreg.gather [hbm4b:s11+s4], $0x80, v3, vm0, $0xb8;
	[tilespmem:$0x1C180] =	vst v63  }
0x41: {  	s7 =	simm.s32 $0x4980  }
0x42: {  	[tilespmem:s7], [sflag:$0x1] =	stream.indirect_vreg.gather [hbm4b:s12+s4], $0x80, v3, vm0, $0xb8;
	[tilespmem:$0x1C180] =	vst v63  }
0x43: {  	s23 =	simm.s32 $0x5180  }
0x44: {  	[tilespmem:s23], [sflag:$0x1] =	stream.indirect_vreg.gather [hbm4b:s13+s4], $0x80, v3, vm0, $0xb8;
	[tilespmem:$0x1C180] =	vst v63  }
0x45: {  	s24 =	simm.s32 $0x5980  }
0x46: {  	[tilespmem:s24], [sflag:$0x1] =	stream.indirect_vreg.gather [hbm4b:s14+s4], $0x80, v3, vm0, $0xb8;
	[tilespmem:$0x1C180] =	vst v63  }
0x47: {  	s26 =	simm.s32 $0x6180  }
0x48: {  	[tilespmem:s26], [sflag:$0x1] =	stream.indirect_vreg.gather [hbm4b:s15+s4], $0x80, v3, vm0, $0xb8;
	[tilespmem:$0x1C180] =	vst v63  }
0x49: {  	s6 =	simm.s32 $0x6980  }
0x4a: {  	[tilespmem:s6], [sflag:$0x1] =	stream.indirect_vreg.gather [hbm4b:s16+s4], $0x80, v3, vm0, $0xb8;
	[tilespmem:$0x1C180] =	vst v63  }
0x4b: {  	s7 =	simm.s32 $0x7180  }
0x4c: {  	[tilespmem:s7], [sflag:$0x1] =	stream.indirect_vreg.gather [hbm4b:s17+s4], $0x80, v3, vm0, $0xb8;
	[tilespmem:$0x1C180] =	vst v63  }
0x4d: {  	s23 =	simm.s32 $0x7980  }
0x4e: {  	[tilespmem:s23], [sflag:$0x1] =	stream.indirect_vreg.gather [hbm4b:s18+s4], $0x80, v3, vm0, $0xb8;
	[tilespmem:$0x1C180] =	vst v63  }
0x4f: {  	s24 =	simm.s32 $0x8180  }
0x50: {  	[tilespmem:s24], [sflag:$0x1] =	stream.indirect_vreg.gather [hbm4b:s19+s4], $0x80, v3, vm0, $0xb8;
	[tilespmem:$0x1C180] =	vst v63  }
0x51: {  	s26 =	simm.s32 $0x8980  }
0x52: {  	[tilespmem:s26], [sflag:$0x1] =	stream.indirect_vreg.gather [hbm4b:s20+s4], $0x80, v3, vm0, $0xb8;
	[tilespmem:$0x1C180] =	vst v63  }
0x53: {  	s6 =	simm.s32 $0x9180  }
0x54: {  	[tilespmem:s6], [sflag:$0x1] =	stream.indirect_vreg.gather [hbm4b:s21+s4], $0x80, v3, vm0, $0xb8;
	[tilespmem:$0x1C180] =	vst v63  }
0x55: {  	s7 =	simm.s32 $0x9980  }
0x56: {  	[tilespmem:s7], [sflag:$0x1] =	stream.indirect_vreg.gather [hbm4b:s22+s4], $0x80, v3, vm0, $0xb8;
	[tilespmem:$0x1C180] =	vst v63  }
0x57: {  	v3 =	vld.msk [tilespmem:$0x80], $0xf;
	_ =	sdelay $0x4  }
0x58: {  	v63 =	vshll.u32 v3, $0x6  }
0x59: {  	v3 =	vand.u32 $0x7, v3;
	v4 =	vand.u32 $0xFFFFFE00, v63  }
0x5a: {  	v3 =	vor.u32 v3, v4  }
0x5b: {  	v3 =	vperm.xlane v3, v0;
	_ =	sdelay $0x1  }
0x5c: {  	v3 =	vadd.s32 v1, v3;
	_ =	sdelay $0x4  }
0x5d: {  	[tilespmem:s1], [sflag:$0x2] =	stream.indirect_vreg.gather [hbm4b:s2+s4], $0x80, v3, vm0, $0xb8;
	[tilespmem:$0x1C180] =	vst v63  }
0x5e: {  	s23 =	simm.s32 $0xA980  }
0x5f: {  	[tilespmem:s23], [sflag:$0x2] =	stream.indirect_vreg.gather [hbm4b:s8+s4], $0x80, v3, vm0, $0xb8;
	[tilespmem:$0x1C180] =	vst v63  }
0x60: {  	s24 =	simm.s32 $0xB180  }
0x61: {  	[tilespmem:s24], [sflag:$0x2] =	stream.indirect_vreg.gather [hbm4b:s9+s4], $0x80, v3, vm0, $0xb8;
	[tilespmem:$0x1C180] =	vst v63  }
0x62: {  	s26 =	simm.s32 $0xB980  }
0x63: {  	[tilespmem:s26], [sflag:$0x2] =	stream.indirect_vreg.gather [hbm4b:s10+s4], $0x80, v3, vm0, $0xb8;
	[tilespmem:$0x1C180] =	vst v63  }
0x64: {  	s5 =	simm.s32 $0xC180  }
0x65: {  	[tilespmem:s5], [sflag:$0x2] =	stream.indirect_vreg.gather [hbm4b:s11+s4], $0x80, v3, vm0, $0xb8;
	[tilespmem:$0x1C180] =	vst v63  }
0x66: {  	s6 =	simm.s32 $0xC980  }
0x67: {  	[tilespmem:s6], [sflag:$0x2] =	stream.indirect_vreg.gather [hbm4b:s12+s4], $0x80, v3, vm0, $0xb8;
	[tilespmem:$0x1C180] =	vst v63  }
0x68: {  	s7 =	simm.s32 $0xD180  }
0x69: {  	[tilespmem:s7], [sflag:$0x2] =	stream.indirect_vreg.gather [hbm4b:s13+s4], $0x80, v3, vm0, $0xb8;
	[tilespmem:$0x1C180] =	vst v63  }
0x6a: {  	s23 =	simm.s32 $0xD980  }
0x6b: {  	[tilespmem:s23], [sflag:$0x2] =	stream.indirect_vreg.gather [hbm4b:s14+s4], $0x80, v3, vm0, $0xb8;
	[tilespmem:$0x1C180] =	vst v63  }
0x6c: {  	s24 =	simm.s32 $0xE180  }
0x6d: {  	[tilespmem:s24], [sflag:$0x2] =	stream.indirect_vreg.gather [hbm4b:s15+s4], $0x80, v3, vm0, $0xb8;
	[tilespmem:$0x1C180] =	vst v63  }
0x6e: {  	s26 =	simm.s32 $0xE980  }
0x6f: {  	[tilespmem:s26], [sflag:$0x2] =	stream.indirect_vreg.gather [hbm4b:s16+s4], $0x80, v3, vm0, $0xb8;
	[tilespmem:$0x1C180] =	vst v63  }
0x70: {  	s5 =	simm.s32 $0xF180  }
0x71: {  	[tilespmem:s5], [sflag:$0x2] =	stream.indirect_vreg.gather [hbm4b:s17+s4], $0x80, v3, vm0, $0xb8;
	[tilespmem:$0x1C180] =	vst v63  }
0x72: {  	s6 =	simm.s32 $0xF980  }
0x73: {  	[tilespmem:s6], [sflag:$0x2] =	stream.indirect_vreg.gather [hbm4b:s18+s4], $0x80, v3, vm0, $0xb8;
	[tilespmem:$0x1C180] =	vst v63  }
0x74: {  	s7 =	simm.s32 $0x10180  }
0x75: {  	[tilespmem:s7], [sflag:$0x2] =	stream.indirect_vreg.gather [hbm4b:s19+s4], $0x80, v3, vm0, $0xb8;
	[tilespmem:$0x1C180] =	vst v63  }
0x76: {  	s23 =	simm.s32 $0x10980  }
0x77: {  	[tilespmem:s23], [sflag:$0x2] =	stream.indirect_vreg.gather [hbm4b:s20+s4], $0x80, v3, vm0, $0xb8;
	[tilespmem:$0x1C180] =	vst v63  }
0x78: {  	s24 =	simm.s32 $0x11180  }
0x79: {  	[tilespmem:s24], [sflag:$0x2] =	stream.indirect_vreg.gather [hbm4b:s21+s4], $0x80, v3, vm0, $0xb8;
	[tilespmem:$0x1C180] =	vst v63  }
0x7a: {  	s26 =	simm.s32 $0x11980;
	s6 =	simm.s32 $0x0  }
0x7b: {  	[tilespmem:s26], [sflag:$0x2] =	stream.indirect_vreg.gather [hbm4b:s22+s4], $0x80, v3, vm0, $0xb8;
	[tilespmem:$0x1C180] =	vst v63  }
.LBB2_2:
0x7c: {  	_ =	swait.ge [sflag:s25], $0x8000  }
0x7d: {  	[sflag:s25] =	ssyncset.done $0x0  }
0x7e: {  	s2 =	sshll.u32 s6, $0xD;
	s5 =	rddreg [dreg:$0x4];
	[sflag:s25] =	ssyncadd.s32 $0xFFFF8000  }
0x7f: {  	s23 =	sadd.s32 s5, s2;
	s24 =	rddreg [dreg:$0x2]  }
0x80: {  	s26 =	simm.s32 $0x2380;
	s2 =	sadd.s32 s24, s23  }
0x81: {  	[hbm4b:s2+s28] =	stream.strided.scatter [tilespmem:s0], [sflag:$0x3], $0x8000, s30, s28, $0x38;
	[tilespmem:$0x1C180] =	vst v63  }
0x82: {  	v3 =	vld [tilespmem:s26+$0x60]  }
0x83: {  	v4 =	vld [tilespmem:s26+$0xFFFFFE70]  }
0x84: {  	v5 =	vld [tilespmem:s26+$0xFFFFFE40]  }
0x85: {  	v6 =	vld [tilespmem:s26+$0xFFFFFE00]  }
0x86: {  	v7 =	vld [tilespmem:s26+$0xFFFFFE30]  }
0x87: {  	v8 =	vld [tilespmem:s26+$0xFFFFFE20]  }
0x88: {  	v9 =	vld [tilespmem:s26+$0xFFFFFE10]  }
0x89: {  	v3 =	vmul.f32 $1.442695020e+00, v3;
	v10 =	vmul.f32 $1.442695020e+00, v5;
	v5 =	vld [tilespmem:s26+$0xFFFFFE60]  }
0x8a: {  	v11 =	vld [tilespmem:s26+$0x0];
	v4 =	vmul.f32 $1.442695020e+00, v4;
	v6 =	vmul.f32 $1.442695020e+00, v6  }
0x8b: {  	(erf) = vpow2.f32 v3;
	v3 =	vmul.f32 $1.442695020e+00, v7;
	v7 =	vld [tilespmem:s26+$0xFFFFFE50]  }
0x8c: {  	(erf) = vpow2.f32 v4;
	v4 =	vmul.f32 $1.442695020e+00, v8;
	v8 =	vld [tilespmem:s26+$0x20]  }
0x8d: {  	(erf) = vpow2.f32 v6;
	v6 =	vmul.f32 $1.442695020e+00, v9  }
0x8e: {  	v9 =	vld [tilespmem:s26+$0x10];
	(erf) = vpow2.f32 v3;
	v3 =	vmul.f32 $1.442695020e+00, v5  }
0x8f: {  	v5 =	vld [tilespmem:s26+$0x40];
	(erf) = vpow2.f32 v4;
	v4 =	vmul.f32 $1.442695020e+00, v11  }
0x90: {  	v11 =	vld [tilespmem:s26+$0x50];
	(erf) = vpow2.f32 v6;
	v6 =	vmul.f32 $1.442695020e+00, v7  }
0x91: {  	v7 =	vld [tilespmem:s26+$0x30];
	(erf) = vpow2.f32 v3;
	v3 =	vmul.f32 $1.442695020e+00, v8  }
0x92: {  	s5 =	simm.s32 $0x2780;
	v8 =	vld [tilespmem:s26+$0x70];
	(erf) = vpow2.f32 v4  }
0x93: {  	v4 =	vld [tilespmem:s5+$0x60];
	v9 =	vmul.f32 $1.442695020e+00, v9;
	(erf) = vpow2.f32 v6  }
0x94: {  	v6 =	vld [tilespmem:s5+$0xFFFFFE70];
	v12 =	vmul.f32 $1.442695020e+00, v5;
	(erf) = vpow2.f32 v3  }
0x95: {  	v11 =	vmul.f32 $1.442695020e+00, v11;
	v3 =	vpop (erf);
	(erf) = vpow2.f32 v9;
	v9 =	vld [tilespmem:s5+$0xFFFFFE00]  }
0x96: {  	v14 =	vmul.f32 $1.442695020e+00, v7;
	v16 =	vpop (erf);
	(erf) = vpow2.f32 v12;
	v12 =	vld [tilespmem:s5+$0xFFFFFE30]  }
0x97: {  	v13 =	vld [tilespmem:s5+$0xFFFFFE40];
	v8 =	vmul.f32 $1.442695020e+00, v8;
	v5 =	vpop (erf);
	(erf) = vpow2.f32 v11  }
0x98: {  	v18 =	vld [tilespmem:s5+$0xFFFFFE10];
	v17 =	vmul.f32 $1.442695020e+00, v4;
	v15 =	vpop (erf);
	(erf) = vpow2.f32 v14  }
0x99: {  	v11 =	vld [tilespmem:s5+$0xFFFFFE20];
	v19 =	vmul.f32 $1.442695020e+00, v6;
	v4 =	vpop (erf);
	(erf) = vpow2.f32 v10  }
0x9a: {  	v7 =	vimm.f32 $0.0e+00;
	v6 =	vpop (erf);
	(erf) = vpow2.f32 v8;
	v8 =	vmul.f32 $1.442695020e+00, v9  }
0x9b: {  	v10 =	vld [tilespmem:s5+$0xFFFFFE60];
	v20 =	vadd.f32 v4, v7;
	v22 =	vpop (erf);
	v12 =	vmul.f32 $1.442695020e+00, v12  }
0x9c: {  	v4 =	vmul.f32 $1.442695020e+00, v13;
	v13 =	vld [tilespmem:s5+$0x0];
	v21 =	vadd.f32 v6, v7;
	(erf) = vpow2.f32 v17;
	v6 =	vpop (erf)  }
0x9d: {  	v18 =	vmul.f32 $1.442695020e+00, v18;
	v14 =	vld [tilespmem:s5+$0xFFFFFE50];
	v9 =	vadd.f32 v15, v7;
	(erf) = vpow2.f32 v19;
	v17 =	vpop (erf)  }
0x9e: {  	v15 =	vld [tilespmem:s5+$0x20];
	v20 =	vadd.f32 v22, v20;
	v63 =	vmul.f32 $1.442695020e+00, v11;
	(erf) = vpow2.f32 v8;
	v8 =	vpop (erf)  }
0x9f: {  	v9 =	vadd.f32 v16, v9;
	v16 =	vld [tilespmem:s5+$0x10];
	(erf) = vpow2.f32 v12;
	v11 =	vadd.f32 v17, v21;
	v12 =	vpop (erf)  }
0xa0: {  	s7 =	simm.s32 $0x4;
	v19 =	vmul.f32 $1.442695020e+00, v10;
	v17 =	vld [tilespmem:s5+$0x40];
	(erf) = vpow2.f32 v63;
	v10 =	vadd.f32 v8, v20;
	v8 =	vpop (erf)  }
.LBB2_3:
0xa1: {  	s7 =	sadd.s32 $0x4, s7;
	v13 =	vmul.f32 $1.442695020e+00, v13;
	v20 =	vld [tilespmem:s5+$0x50];
	(erf) = vpow2.f32 v18;
	v5 =	vadd.f32 v5, v7;
	v7 =	vpop (erf)  }
0xa2: {  	v11 =	vadd.f32 v12, v11;
	p0 =	slt.u32 s7, $0x7C;
	v21 =	vmul.f32 $1.442695020e+00, v14;
	v18 =	vld [tilespmem:s5+$0x30];
	(erf) = vpow2.f32 v19;
	v12 =	vpop (erf)  }
0xa3: {  	v15 =	vmul.f32 $1.442695020e+00, v15;
	v19 =	vld [tilespmem:s5+$0x70];
	s5 =	sadd.s32 $0x400, s5;
	(erf) = vpow2.f32 v13;
	v9 =	vadd.f32 v12, v9;
	v12 =	vpop (erf)  }
0xa4: {  	v10 =	vadd.f32 v3, v10;
	v13 =	vld [tilespmem:s5+$0x60];
	v16 =	vmul.f32 $1.442695020e+00, v16;
	(erf) = vpow2.f32 v21;
	v14 =	vpop (erf)  }
0xa5: {  	v12 =	vadd.f32 v12, v5;
	v21 =	vld [tilespmem:s5+$0xFFFFFE70];
	v17 =	vmul.f32 $1.442695020e+00, v17;
	(erf) = vpow2.f32 v15;
	v3 =	vpop (erf)  }
0xa6: {  	v11 =	vadd.f32 v7, v11;
	v15 =	vld [tilespmem:s5+$0xFFFFFE40];
	v20 =	vmul.f32 $1.442695020e+00, v20;
	v22 =	vpop (erf);
	(erf) = vpow2.f32 v16  }
0xa7: {  	v23 =	vadd.f32 v6, v12;
	v16 =	vld [tilespmem:s5+$0xFFFFFE00];
	v7 =	vmul.f32 $1.442695020e+00, v18;
	v5 =	vpop (erf);
	(erf) = vpow2.f32 v17  }
0xa8: {  	v9 =	vadd.f32 v14, v9;
	v12 =	vld [tilespmem:s5+$0xFFFFFE30];
	v17 =	vmul.f32 $1.442695020e+00, v19;
	v18 =	vpop (erf);
	(erf) = vpow2.f32 v20  }
0xa9: {  	v19 =	vld [tilespmem:s5+$0xFFFFFE20];
	v14 =	vmul.f32 $1.442695020e+00, v13;
	v13 =	vpop (erf);
	(erf) = vpow2.f32 v7;
	v7 =	vadd.f32 v8, v23  }
0xaa: {  	v8 =	vld [tilespmem:s5+$0xFFFFFE10];
	v20 =	vmul.f32 $1.442695020e+00, v21;
	v10 =	vadd.f32 v13, v10;
	v6 =	vpop (erf);
	(erf) = vpow2.f32 v4  }
0xab: {  	v4 =	vmul.f32 $1.442695020e+00, v15;
	v21 =	vld [tilespmem:s5+$0xFFFFFE60];
	v11 =	vadd.f32 v6, v11;
	v15 =	vpop (erf);
	(erf) = vpow2.f32 v17  }
.Ltmp2:
0xac: {  	v9 =	vadd.f32 v18, v9;
	v16 =	vmul.f32 $1.442695020e+00, v16;
	v13 =	vld [tilespmem:s5+$0x0];
	(erf) = vpow2.f32 v14;
	v6 =	vpop (erf);
	(pc) =	sbr.rel @p0 .LBB2_3-.Ltmp2, $4  }
0xad: {  	v10 =	vadd.f32 v15, v10;
	v23 =	vmul.f32 $1.442695020e+00, v12;
	v14 =	vld [tilespmem:s5+$0xFFFFFE50];
	(erf) = vpow2.f32 v20;
	v17 =	vpop (erf)  }
0xae: {  	v9 =	vadd.f32 v22, v9;
	v20 =	vmul.f32 $1.442695020e+00, v19;
	v15 =	vld [tilespmem:s5+$0x20];
	(erf) = vpow2.f32 v16;
	v22 =	vpop (erf)  }
0xaf: {  	v11 =	vadd.f32 v17, v11;
	v18 =	vmul.f32 $1.442695020e+00, v8;
	v16 =	vld [tilespmem:s5+$0x10];
	(erf) = vpow2.f32 v23;
	v12 =	vpop (erf)  }
0xb0: {  	v10 =	vadd.f32 v22, v10;
	v19 =	vmul.f32 $1.442695020e+00, v21;
	v17 =	vld [tilespmem:s5+$0x40];
	(erf) = vpow2.f32 v20;
	v8 =	vpop (erf)  }
0xb1: {  	v13 =	vmul.f32 $1.442695020e+00, v13;
	v20 =	vld [tilespmem:s5+$0x50]  }
0xb2: {  	(erf) = vpow2.f32 v18;
	v14 =	vmul.f32 $1.442695020e+00, v14  }
0xb3: {  	v18 =	vpop (erf);
	(erf) = vpow2.f32 v19;
	v15 =	vmul.f32 $1.442695020e+00, v15  }
0xb4: {  	v21 =	vld [tilespmem:s5+$0x30];
	v19 =	vpop (erf);
	(erf) = vpow2.f32 v13  }
0xb5: {  	v16 =	vmul.f32 $1.442695020e+00, v16;
	v13 =	vpop (erf);
	v17 =	vmul.f32 $1.442695020e+00, v17  }
0xb6: {  	(erf) = vpow2.f32 v14;
	v14 =	vpop (erf);
	v20 =	vmul.f32 $1.442695020e+00, v20  }
0xb7: {  	(erf) = vpow2.f32 v15;
	v15 =	vpop (erf)  }
0xb8: {  	(erf) = vpow2.f32 v16;
	v22 =	vpop (erf)  }
0xb9: {  	v21 =	vmul.f32 $1.442695020e+00, v21;
	v16 =	vld [tilespmem:s5+$0x70];
	(erf) = vpow2.f32 v17;
	v17 =	vpop (erf)  }
0xba: {  	(erf) = vpow2.f32 v20;
	v20 =	vpop (erf)  }
0xbb: {  	(erf) = vpow2.f32 v21;
	v60 =	vpop (erf)  }
0xbc: {  	v5 =	vadd.f32 v5, v7;
	(erf) = vpow2.f32 v4;
	v7 =	vpop (erf)  }
0xbd: {  	v11 =	vadd.f32 v12, v11;
	v4 =	vpop (erf)  }
0xbe: {  	v5 =	vadd.f32 v13, v5;
	v13 =	vmul.f32 $1.442695020e+00, v16;
	v16 =	vpop (erf)  }
0xbf: {  	v3 =	vadd.f32 v3, v10;
	v10 =	vadd.f32 v18, v11;
	v12 =	vpop (erf)  }
0xc0: {  	v9 =	vadd.f32 v19, v9;
	v5 =	vadd.f32 v6, v5;
	(erf) = vpow2.f32 v13;
	v6 =	vpop (erf)  }
0xc1: {  	v7 =	vadd.f32 v7, v10;
	v11 =	vpop (erf)  }
0xc2: {  	v9 =	vadd.f32 v14, v9;
	v5 =	vadd.f32 v8, v5;
	v8 =	vpop (erf)  }
0xc3: {  	v3 =	vadd.f32 v60, v3;
	v10 =	vpop (erf)  }
0xc4: {  	v9 =	vadd.f32 v20, v9;
	v5 =	vadd.f32 v17, v5;
	v13 =	vpop (erf)  }
0xc5: {  	v3 =	vadd.f32 v4, v3;
	v4 =	vadd.f32 v12, v7;
	v7 =	vpop (erf)  }
0xc6: {  	v9 =	vadd.f32 v22, v9;
	v5 =	vadd.f32 v7, v5  }
0xc7: {  	v3 =	vadd.f32 v6, v3;
	v4 =	vadd.f32 v11, v4  }
0xc8: {  	v6 =	vadd.f32 v13, v9;
	v5 =	vadd.f32 v16, v5  }
0xc9: {  	v3 =	vadd.f32 v15, v3;
	v4 =	vadd.f32 v10, v4;
	v7 =	vpop (erf)  }
0xca: {  	v6 =	vadd.f32 v7, v6;
	v5 =	vadd.f32 v8, v5;
	_ =	sdelay $0x1  }
0xcb: {  	v3 =	vadd.f32 v6, v3;
	v4 =	vadd.f32 v4, v5;
	_ =	sdelay $0x1  }
0xcc: {  	s5 =	sshll.u32 s6, $0xA;
	v3 =	vadd.f32 v3, v4  }
0xcd: {  	s7 =	sand.u32 $0x3FFFFC00, s5  }
0xce: {  	s2 =	simm.s32 $0x2400;
	[tilespmem:s7+$0x12180] =	vst v3  }
0xcf: {  	v3 =	vld [tilespmem:s2+$0x60]  }
0xd0: {  	v4 =	vld [tilespmem:s2+$0xFFFFFE70]  }
0xd1: {  	v5 =	vld [tilespmem:s2+$0xFFFFFE40]  }
0xd2: {  	v6 =	vld [tilespmem:s2+$0xFFFFFE00]  }
0xd3: {  	v7 =	vld [tilespmem:s2+$0xFFFFFE30]  }
0xd4: {  	v8 =	vld [tilespmem:s2+$0xFFFFFE20];
	_ =	sdelay $0x1  }
0xd5: {  	v9 =	vld [tilespmem:s2+$0xFFFFFE10];
	v3 =	vmul.f32 $1.442695020e+00, v3;
	v4 =	vmul.f32 $1.442695020e+00, v4  }
0xd6: {  	v10 =	vmul.f32 $1.442695020e+00, v5;
	v5 =	vld [tilespmem:s2+$0xFFFFFE60];
	v6 =	vmul.f32 $1.442695020e+00, v6  }
0xd7: {  	v11 =	vld [tilespmem:s2+$0x0];
	(erf) = vpow2.f32 v3;
	v3 =	vmul.f32 $1.442695020e+00, v7  }
0xd8: {  	(erf) = vpow2.f32 v4;
	v4 =	vmul.f32 $1.442695020e+00, v8;
	v8 =	vld [tilespmem:s2+$0x20]  }
0xd9: {  	v7 =	vld [tilespmem:s2+$0xFFFFFE50];
	(erf) = vpow2.f32 v6  }
0xda: {  	v6 =	vmul.f32 $1.442695020e+00, v9;
	(erf) = vpow2.f32 v3  }
0xdb: {  	v9 =	vld [tilespmem:s2+$0x10];
	v3 =	vmul.f32 $1.442695020e+00, v5;
	(erf) = vpow2.f32 v4  }
0xdc: {  	v5 =	vld [tilespmem:s2+$0x40];
	v4 =	vmul.f32 $1.442695020e+00, v11;
	(erf) = vpow2.f32 v6  }
0xdd: {  	v11 =	vld [tilespmem:s2+$0x50];
	(erf) = vpow2.f32 v3;
	v3 =	vmul.f32 $1.442695020e+00, v8  }
0xde: {  	v6 =	vmul.f32 $1.442695020e+00, v7;
	v7 =	vld [tilespmem:s2+$0x30]  }
0xdf: {  	s24 =	simm.s32 $0x2800;
	v8 =	vld [tilespmem:s2+$0x70];
	(erf) = vpow2.f32 v4  }
0xe0: {  	v4 =	vld [tilespmem:s24+$0x60];
	v9 =	vmul.f32 $1.442695020e+00, v9;
	(erf) = vpow2.f32 v6  }
0xe1: {  	v6 =	vld [tilespmem:s24+$0xFFFFFE70];
	v12 =	vmul.f32 $1.442695020e+00, v5;
	(erf) = vpow2.f32 v3;
	v3 =	vpop (erf)  }
0xe2: {  	v11 =	vmul.f32 $1.442695020e+00, v11;
	v16 =	vpop (erf);
	(erf) = vpow2.f32 v9;
	v9 =	vld [tilespmem:s24+$0xFFFFFE00]  }
0xe3: {  	v14 =	vmul.f32 $1.442695020e+00, v7;
	v5 =	vpop (erf);
	(erf) = vpow2.f32 v12;
	v12 =	vld [tilespmem:s24+$0xFFFFFE30]  }
0xe4: {  	v13 =	vld [tilespmem:s24+$0xFFFFFE40];
	v8 =	vmul.f32 $1.442695020e+00, v8;
	(erf) = vpow2.f32 v11  }
0xe5: {  	v18 =	vld [tilespmem:s24+$0xFFFFFE10];
	v17 =	vmul.f32 $1.442695020e+00, v4;
	v15 =	vpop (erf);
	(erf) = vpow2.f32 v14  }
0xe6: {  	v11 =	vld [tilespmem:s24+$0xFFFFFE20];
	v19 =	vmul.f32 $1.442695020e+00, v6;
	v4 =	vpop (erf);
	(erf) = vpow2.f32 v10  }
0xe7: {  	v7 =	vimm.f32 $0.0e+00;
	v6 =	vpop (erf);
	(erf) = vpow2.f32 v8;
	v8 =	vmul.f32 $1.442695020e+00, v9  }
0xe8: {  	v20 =	vadd.f32 v4, v7;
	v10 =	vld [tilespmem:s24+$0xFFFFFE60];
	v62 =	vpop (erf);
	v12 =	vmul.f32 $1.442695020e+00, v12  }
0xe9: {  	v4 =	vmul.f32 $1.442695020e+00, v13;
	v13 =	vld [tilespmem:s24+$0x0];
	v61 =	vadd.f32 v6, v7;
	(erf) = vpow2.f32 v17;
	v6 =	vpop (erf)  }
0xea: {  	v18 =	vmul.f32 $1.442695020e+00, v18;
	v14 =	vld [tilespmem:s24+$0xFFFFFE50];
	v9 =	vadd.f32 v15, v7;
	(erf) = vpow2.f32 v19;
	v17 =	vpop (erf)  }
0xeb: {  	v15 =	vld [tilespmem:s24+$0x20];
	v20 =	vadd.f32 v62, v20;
	v63 =	vmul.f32 $1.442695020e+00, v11;
	(erf) = vpow2.f32 v8;
	v8 =	vpop (erf)  }
0xec: {  	v9 =	vadd.f32 v16, v9;
	v16 =	vld [tilespmem:s24+$0x10];
	v11 =	vadd.f32 v17, v61;
	(erf) = vpow2.f32 v12;
	v12 =	vpop (erf)  }
0xed: {  	s26 =	simm.s32 $0x4;
	v17 =	vld [tilespmem:s24+$0x40];
	v19 =	vmul.f32 $1.442695020e+00, v10;
	(erf) = vpow2.f32 v63;
	v10 =	vadd.f32 v8, v20;
	v8 =	vpop (erf)  }
.LBB2_5:
0xee: {  	s26 =	sadd.s32 $0x4, s26;
	v13 =	vmul.f32 $1.442695020e+00, v13;
	v20 =	vld [tilespmem:s24+$0x50];
	(erf) = vpow2.f32 v18;
	v5 =	vadd.f32 v5, v7;
	v7 =	vpop (erf)  }
0xef: {  	v11 =	vadd.f32 v12, v11;
	p0 =	slt.u32 s26, $0x7C;
	v21 =	vmul.f32 $1.442695020e+00, v14;
	v18 =	vld [tilespmem:s24+$0x30];
	(erf) = vpow2.f32 v19;
	v12 =	vpop (erf)  }
0xf0: {  	v15 =	vmul.f32 $1.442695020e+00, v15;
	v19 =	vld [tilespmem:s24+$0x70];
	s24 =	sadd.s32 $0x400, s24;
	(erf) = vpow2.f32 v13;
	v9 =	vadd.f32 v12, v9;
	v12 =	vpop (erf)  }
0xf1: {  	v10 =	vadd.f32 v3, v10;
	v13 =	vld [tilespmem:s24+$0x60];
	v16 =	vmul.f32 $1.442695020e+00, v16;
	(erf) = vpow2.f32 v21;
	v14 =	vpop (erf)  }
0xf2: {  	v12 =	vadd.f32 v12, v5;
	v21 =	vld [tilespmem:s24+$0xFFFFFE70];
	v17 =	vmul.f32 $1.442695020e+00, v17;
	(erf) = vpow2.f32 v15;
	v3 =	vpop (erf)  }
0xf3: {  	v11 =	vadd.f32 v7, v11;
	v15 =	vld [tilespmem:s24+$0xFFFFFE40];
	v20 =	vmul.f32 $1.442695020e+00, v20;
	v22 =	vpop (erf);
	(erf) = vpow2.f32 v16  }
0xf4: {  	v23 =	vadd.f32 v6, v12;
	v16 =	vld [tilespmem:s24+$0xFFFFFE00];
	v7 =	vmul.f32 $1.442695020e+00, v18;
	v5 =	vpop (erf);
	(erf) = vpow2.f32 v17  }
0xf5: {  	v9 =	vadd.f32 v14, v9;
	v12 =	vld [tilespmem:s24+$0xFFFFFE30];
	v17 =	vmul.f32 $1.442695020e+00, v19;
	v18 =	vpop (erf);
	(erf) = vpow2.f32 v20  }
0xf6: {  	v19 =	vld [tilespmem:s24+$0xFFFFFE20];
	v14 =	vmul.f32 $1.442695020e+00, v13;
	v13 =	vpop (erf);
	(erf) = vpow2.f32 v7;
	v7 =	vadd.f32 v8, v23  }
0xf7: {  	v8 =	vld [tilespmem:s24+$0xFFFFFE10];
	v20 =	vmul.f32 $1.442695020e+00, v21;
	v10 =	vadd.f32 v13, v10;
	v6 =	vpop (erf);
	(erf) = vpow2.f32 v4  }
0xf8: {  	v4 =	vmul.f32 $1.442695020e+00, v15;
	v21 =	vld [tilespmem:s24+$0xFFFFFE60];
	v11 =	vadd.f32 v6, v11;
	v15 =	vpop (erf);
	(erf) = vpow2.f32 v17  }
.Ltmp3:
0xf9: {  	v9 =	vadd.f32 v18, v9;
	v16 =	vmul.f32 $1.442695020e+00, v16;
	v13 =	vld [tilespmem:s24+$0x0];
	(erf) = vpow2.f32 v14;
	v6 =	vpop (erf);
	(pc) =	sbr.rel @p0 .LBB2_5-.Ltmp3, $4  }
0xfa: {  	v10 =	vadd.f32 v15, v10;
	v23 =	vmul.f32 $1.442695020e+00, v12;
	v14 =	vld [tilespmem:s24+$0xFFFFFE50];
	(erf) = vpow2.f32 v20;
	v17 =	vpop (erf)  }
0xfb: {  	v9 =	vadd.f32 v22, v9;
	v20 =	vmul.f32 $1.442695020e+00, v19;
	v15 =	vld [tilespmem:s24+$0x20];
	(erf) = vpow2.f32 v16;
	v22 =	vpop (erf)  }
0xfc: {  	v11 =	vadd.f32 v17, v11;
	v18 =	vmul.f32 $1.442695020e+00, v8;
	v16 =	vld [tilespmem:s24+$0x10];
	(erf) = vpow2.f32 v23;
	v12 =	vpop (erf)  }
0xfd: {  	v10 =	vadd.f32 v22, v10;
	v19 =	vmul.f32 $1.442695020e+00, v21;
	v17 =	vld [tilespmem:s24+$0x40];
	(erf) = vpow2.f32 v20;
	v8 =	vpop (erf)  }
0xfe: {  	v13 =	vmul.f32 $1.442695020e+00, v13;
	v20 =	vld [tilespmem:s24+$0x50]  }
0xff: {  	(erf) = vpow2.f32 v18;
	v14 =	vmul.f32 $1.442695020e+00, v14  }
0x100: {  	v18 =	vpop (erf);
	(erf) = vpow2.f32 v19;
	v15 =	vmul.f32 $1.442695020e+00, v15  }
0x101: {  	v21 =	vld [tilespmem:s24+$0x30];
	v19 =	vpop (erf);
	(erf) = vpow2.f32 v13  }
0x102: {  	v16 =	vmul.f32 $1.442695020e+00, v16;
	v13 =	vpop (erf);
	v17 =	vmul.f32 $1.442695020e+00, v17  }
0x103: {  	(erf) = vpow2.f32 v14;
	v14 =	vpop (erf);
	v20 =	vmul.f32 $1.442695020e+00, v20  }
0x104: {  	(erf) = vpow2.f32 v15;
	v15 =	vpop (erf)  }
0x105: {  	(erf) = vpow2.f32 v16;
	v22 =	vpop (erf)  }
0x106: {  	v21 =	vmul.f32 $1.442695020e+00, v21;
	v16 =	vld [tilespmem:s24+$0x70];
	(erf) = vpow2.f32 v17;
	v17 =	vpop (erf)  }
0x107: {  	(erf) = vpow2.f32 v20;
	v20 =	vpop (erf)  }
0x108: {  	(erf) = vpow2.f32 v21;
	v60 =	vpop (erf)  }
0x109: {  	v5 =	vadd.f32 v5, v7;
	(erf) = vpow2.f32 v4;
	v7 =	vpop (erf)  }
0x10a: {  	v11 =	vadd.f32 v12, v11;
	v4 =	vpop (erf)  }
0x10b: {  	v5 =	vadd.f32 v13, v5;
	v13 =	vmul.f32 $1.442695020e+00, v16;
	v16 =	vpop (erf)  }
0x10c: {  	v3 =	vadd.f32 v3, v10;
	v10 =	vadd.f32 v18, v11;
	v12 =	vpop (erf)  }
0x10d: {  	v9 =	vadd.f32 v19, v9;
	v5 =	vadd.f32 v6, v5;
	(erf) = vpow2.f32 v13;
	v6 =	vpop (erf)  }
0x10e: {  	v7 =	vadd.f32 v7, v10;
	v11 =	vpop (erf)  }
0x10f: {  	v9 =	vadd.f32 v14, v9;
	v5 =	vadd.f32 v8, v5;
	v8 =	vpop (erf)  }
0x110: {  	v3 =	vadd.f32 v60, v3;
	v10 =	vpop (erf)  }
0x111: {  	v9 =	vadd.f32 v20, v9;
	v5 =	vadd.f32 v17, v5;
	v13 =	vpop (erf)  }
0x112: {  	v3 =	vadd.f32 v4, v3;
	v4 =	vadd.f32 v12, v7;
	v7 =	vpop (erf)  }
0x113: {  	v9 =	vadd.f32 v22, v9;
	v5 =	vadd.f32 v7, v5  }
0x114: {  	v3 =	vadd.f32 v6, v3;
	v4 =	vadd.f32 v11, v4  }
0x115: {  	v6 =	vadd.f32 v13, v9;
	v5 =	vadd.f32 v16, v5  }
0x116: {  	v3 =	vadd.f32 v15, v3;
	v4 =	vadd.f32 v10, v4;
	v7 =	vpop (erf)  }
0x117: {  	v6 =	vadd.f32 v7, v6;
	v5 =	vadd.f32 v8, v5;
	_ =	sdelay $0x1  }
0x118: {  	v3 =	vadd.f32 v6, v3;
	v4 =	vadd.f32 v4, v5;
	_ =	sdelay $0x1  }
0x119: {  	v3 =	vadd.f32 v3, v4;
	_ =	sdelay $0x1  }
0x11a: {  	s2 =	simm.s32 $0x2480;
	[tilespmem:s7+$0x12200] =	vst v3  }
0x11b: {  	v3 =	vld [tilespmem:s2+$0x60]  }
0x11c: {  	v4 =	vld [tilespmem:s2+$0xFFFFFE70]  }
0x11d: {  	v5 =	vld [tilespmem:s2+$0xFFFFFE40]  }
0x11e: {  	v6 =	vld [tilespmem:s2+$0xFFFFFE00]  }
0x11f: {  	v7 =	vld [tilespmem:s2+$0xFFFFFE30]  }
0x120: {  	v8 =	vld [tilespmem:s2+$0xFFFFFE20];
	_ =	sdelay $0x1  }
0x121: {  	v9 =	vld [tilespmem:s2+$0xFFFFFE10];
	v3 =	vmul.f32 $1.442695020e+00, v3;
	v4 =	vmul.f32 $1.442695020e+00, v4  }
0x122: {  	v10 =	vmul.f32 $1.442695020e+00, v5;
	v5 =	vld [tilespmem:s2+$0xFFFFFE60];
	v6 =	vmul.f32 $1.442695020e+00, v6  }
0x123: {  	v11 =	vld [tilespmem:s2+$0x0];
	(erf) = vpow2.f32 v3;
	v3 =	vmul.f32 $1.442695020e+00, v7  }
0x124: {  	(erf) = vpow2.f32 v4;
	v4 =	vmul.f32 $1.442695020e+00, v8;
	v8 =	vld [tilespmem:s2+$0x20]  }
0x125: {  	v7 =	vld [tilespmem:s2+$0xFFFFFE50];
	(erf) = vpow2.f32 v6  }
0x126: {  	v6 =	vmul.f32 $1.442695020e+00, v9;
	(erf) = vpow2.f32 v3  }
0x127: {  	v9 =	vld [tilespmem:s2+$0x10];
	v3 =	vmul.f32 $1.442695020e+00, v5;
	(erf) = vpow2.f32 v4  }
0x128: {  	v5 =	vld [tilespmem:s2+$0x40];
	v4 =	vmul.f32 $1.442695020e+00, v11;
	(erf) = vpow2.f32 v6  }
0x129: {  	v11 =	vld [tilespmem:s2+$0x50];
	(erf) = vpow2.f32 v3;
	v3 =	vmul.f32 $1.442695020e+00, v8  }
0x12a: {  	v6 =	vmul.f32 $1.442695020e+00, v7;
	v7 =	vld [tilespmem:s2+$0x30]  }
0x12b: {  	s24 =	simm.s32 $0x2880;
	v8 =	vld [tilespmem:s2+$0x70];
	(erf) = vpow2.f32 v4  }
0x12c: {  	v4 =	vld [tilespmem:s24+$0x60];
	v9 =	vmul.f32 $1.442695020e+00, v9;
	(erf) = vpow2.f32 v6  }
0x12d: {  	v6 =	vld [tilespmem:s24+$0xFFFFFE70];
	v12 =	vmul.f32 $1.442695020e+00, v5;
	(erf) = vpow2.f32 v3;
	v3 =	vpop (erf)  }
0x12e: {  	v11 =	vmul.f32 $1.442695020e+00, v11;
	v16 =	vpop (erf);
	(erf) = vpow2.f32 v9;
	v9 =	vld [tilespmem:s24+$0xFFFFFE00]  }
0x12f: {  	v14 =	vmul.f32 $1.442695020e+00, v7;
	v5 =	vpop (erf);
	(erf) = vpow2.f32 v12;
	v12 =	vld [tilespmem:s24+$0xFFFFFE30]  }
0x130: {  	v13 =	vld [tilespmem:s24+$0xFFFFFE40];
	v8 =	vmul.f32 $1.442695020e+00, v8;
	(erf) = vpow2.f32 v11  }
0x131: {  	v18 =	vld [tilespmem:s24+$0xFFFFFE10];
	v17 =	vmul.f32 $1.442695020e+00, v4;
	v15 =	vpop (erf);
	(erf) = vpow2.f32 v14  }
0x132: {  	v11 =	vld [tilespmem:s24+$0xFFFFFE20];
	v19 =	vmul.f32 $1.442695020e+00, v6;
	v4 =	vpop (erf);
	(erf) = vpow2.f32 v10  }
0x133: {  	v7 =	vimm.f32 $0.0e+00;
	v6 =	vpop (erf);
	(erf) = vpow2.f32 v8;
	v8 =	vmul.f32 $1.442695020e+00, v9  }
0x134: {  	v20 =	vadd.f32 v4, v7;
	v10 =	vld [tilespmem:s24+$0xFFFFFE60];
	v62 =	vpop (erf);
	v12 =	vmul.f32 $1.442695020e+00, v12  }
0x135: {  	v4 =	vmul.f32 $1.442695020e+00, v13;
	v13 =	vld [tilespmem:s24+$0x0];
	v61 =	vadd.f32 v6, v7;
	(erf) = vpow2.f32 v17;
	v6 =	vpop (erf)  }
0x136: {  	v18 =	vmul.f32 $1.442695020e+00, v18;
	v14 =	vld [tilespmem:s24+$0xFFFFFE50];
	v9 =	vadd.f32 v15, v7;
	(erf) = vpow2.f32 v19;
	v17 =	vpop (erf)  }
0x137: {  	v15 =	vld [tilespmem:s24+$0x20];
	v20 =	vadd.f32 v62, v20;
	v63 =	vmul.f32 $1.442695020e+00, v11;
	(erf) = vpow2.f32 v8;
	v8 =	vpop (erf)  }
0x138: {  	v9 =	vadd.f32 v16, v9;
	v16 =	vld [tilespmem:s24+$0x10];
	v11 =	vadd.f32 v17, v61;
	(erf) = vpow2.f32 v12;
	v12 =	vpop (erf)  }
0x139: {  	s26 =	simm.s32 $0x4;
	v17 =	vld [tilespmem:s24+$0x40];
	v19 =	vmul.f32 $1.442695020e+00, v10;
	(erf) = vpow2.f32 v63;
	v10 =	vadd.f32 v8, v20;
	v8 =	vpop (erf)  }
.LBB2_7:
0x13a: {  	s26 =	sadd.s32 $0x4, s26;
	v13 =	vmul.f32 $1.442695020e+00, v13;
	v20 =	vld [tilespmem:s24+$0x50];
	(erf) = vpow2.f32 v18;
	v5 =	vadd.f32 v5, v7;
	v7 =	vpop (erf)  }
0x13b: {  	v11 =	vadd.f32 v12, v11;
	p0 =	slt.u32 s26, $0x7C;
	v21 =	vmul.f32 $1.442695020e+00, v14;
	v18 =	vld [tilespmem:s24+$0x30];
	(erf) = vpow2.f32 v19;
	v12 =	vpop (erf)  }
0x13c: {  	v15 =	vmul.f32 $1.442695020e+00, v15;
	v19 =	vld [tilespmem:s24+$0x70];
	s24 =	sadd.s32 $0x400, s24;
	(erf) = vpow2.f32 v13;
	v9 =	vadd.f32 v12, v9;
	v12 =	vpop (erf)  }
0x13d: {  	v10 =	vadd.f32 v3, v10;
	v13 =	vld [tilespmem:s24+$0x60];
	v16 =	vmul.f32 $1.442695020e+00, v16;
	(erf) = vpow2.f32 v21;
	v14 =	vpop (erf)  }
0x13e: {  	v12 =	vadd.f32 v12, v5;
	v21 =	vld [tilespmem:s24+$0xFFFFFE70];
	v17 =	vmul.f32 $1.442695020e+00, v17;
	(erf) = vpow2.f32 v15;
	v3 =	vpop (erf)  }
0x13f: {  	v11 =	vadd.f32 v7, v11;
	v15 =	vld [tilespmem:s24+$0xFFFFFE40];
	v20 =	vmul.f32 $1.442695020e+00, v20;
	v22 =	vpop (erf);
	(erf) = vpow2.f32 v16  }
0x140: {  	v23 =	vadd.f32 v6, v12;
	v16 =	vld [tilespmem:s24+$0xFFFFFE00];
	v7 =	vmul.f32 $1.442695020e+00, v18;
	v5 =	vpop (erf);
	(erf) = vpow2.f32 v17  }
0x141: {  	v9 =	vadd.f32 v14, v9;
	v12 =	vld [tilespmem:s24+$0xFFFFFE30];
	v17 =	vmul.f32 $1.442695020e+00, v19;
	v18 =	vpop (erf);
	(erf) = vpow2.f32 v20  }
0x142: {  	v19 =	vld [tilespmem:s24+$0xFFFFFE20];
	v14 =	vmul.f32 $1.442695020e+00, v13;
	v13 =	vpop (erf);
	(erf) = vpow2.f32 v7;
	v7 =	vadd.f32 v8, v23  }
0x143: {  	v8 =	vld [tilespmem:s24+$0xFFFFFE10];
	v20 =	vmul.f32 $1.442695020e+00, v21;
	v10 =	vadd.f32 v13, v10;
	v6 =	vpop (erf);
	(erf) = vpow2.f32 v4  }
0x144: {  	v4 =	vmul.f32 $1.442695020e+00, v15;
	v21 =	vld [tilespmem:s24+$0xFFFFFE60];
	v11 =	vadd.f32 v6, v11;
	v15 =	vpop (erf);
	(erf) = vpow2.f32 v17  }
.Ltmp4:
0x145: {  	v9 =	vadd.f32 v18, v9;
	v16 =	vmul.f32 $1.442695020e+00, v16;
	v13 =	vld [tilespmem:s24+$0x0];
	(erf) = vpow2.f32 v14;
	v6 =	vpop (erf);
	(pc) =	sbr.rel @p0 .LBB2_7-.Ltmp4, $4  }
0x146: {  	v10 =	vadd.f32 v15, v10;
	v23 =	vmul.f32 $1.442695020e+00, v12;
	v14 =	vld [tilespmem:s24+$0xFFFFFE50];
	(erf) = vpow2.f32 v20;
	v17 =	vpop (erf)  }
0x147: {  	v9 =	vadd.f32 v22, v9;
	v20 =	vmul.f32 $1.442695020e+00, v19;
	v15 =	vld [tilespmem:s24+$0x20];
	(erf) = vpow2.f32 v16;
	v22 =	vpop (erf)  }
0x148: {  	v11 =	vadd.f32 v17, v11;
	v18 =	vmul.f32 $1.442695020e+00, v8;
	v16 =	vld [tilespmem:s24+$0x10];
	(erf) = vpow2.f32 v23;
	v12 =	vpop (erf)  }
0x149: {  	v10 =	vadd.f32 v22, v10;
	v19 =	vmul.f32 $1.442695020e+00, v21;
	v17 =	vld [tilespmem:s24+$0x40];
	(erf) = vpow2.f32 v20;
	v8 =	vpop (erf)  }
0x14a: {  	v13 =	vmul.f32 $1.442695020e+00, v13;
	v20 =	vld [tilespmem:s24+$0x50]  }
0x14b: {  	(erf) = vpow2.f32 v18;
	v14 =	vmul.f32 $1.442695020e+00, v14  }
0x14c: {  	v18 =	vpop (erf);
	(erf) = vpow2.f32 v19;
	v15 =	vmul.f32 $1.442695020e+00, v15  }
0x14d: {  	v21 =	vld [tilespmem:s24+$0x30];
	v19 =	vpop (erf);
	(erf) = vpow2.f32 v13  }
0x14e: {  	v16 =	vmul.f32 $1.442695020e+00, v16;
	v13 =	vpop (erf);
	v17 =	vmul.f32 $1.442695020e+00, v17  }
0x14f: {  	(erf) = vpow2.f32 v14;
	v14 =	vpop (erf);
	v20 =	vmul.f32 $1.442695020e+00, v20  }
0x150: {  	(erf) = vpow2.f32 v15;
	v15 =	vpop (erf)  }
0x151: {  	(erf) = vpow2.f32 v16;
	v22 =	vpop (erf)  }
0x152: {  	v21 =	vmul.f32 $1.442695020e+00, v21;
	v16 =	vld [tilespmem:s24+$0x70];
	(erf) = vpow2.f32 v17;
	v17 =	vpop (erf)  }
0x153: {  	(erf) = vpow2.f32 v20;
	v20 =	vpop (erf)  }
0x154: {  	(erf) = vpow2.f32 v21;
	v60 =	vpop (erf)  }
0x155: {  	v5 =	vadd.f32 v5, v7;
	(erf) = vpow2.f32 v4;
	v7 =	vpop (erf)  }
0x156: {  	v11 =	vadd.f32 v12, v11;
	v4 =	vpop (erf)  }
0x157: {  	v5 =	vadd.f32 v13, v5;
	v13 =	vmul.f32 $1.442695020e+00, v16;
	v16 =	vpop (erf)  }
0x158: {  	v3 =	vadd.f32 v3, v10;
	v10 =	vadd.f32 v18, v11;
	v12 =	vpop (erf)  }
0x159: {  	v9 =	vadd.f32 v19, v9;
	v5 =	vadd.f32 v6, v5;
	(erf) = vpow2.f32 v13;
	v6 =	vpop (erf)  }
0x15a: {  	v7 =	vadd.f32 v7, v10;
	v11 =	vpop (erf)  }
0x15b: {  	v9 =	vadd.f32 v14, v9;
	v5 =	vadd.f32 v8, v5;
	v8 =	vpop (erf)  }
0x15c: {  	v3 =	vadd.f32 v60, v3;
	v10 =	vpop (erf)  }
0x15d: {  	v9 =	vadd.f32 v20, v9;
	v5 =	vadd.f32 v17, v5;
	v13 =	vpop (erf)  }
0x15e: {  	v3 =	vadd.f32 v4, v3;
	v4 =	vadd.f32 v12, v7;
	v7 =	vpop (erf)  }
0x15f: {  	v9 =	vadd.f32 v22, v9;
	v5 =	vadd.f32 v7, v5  }
0x160: {  	v3 =	vadd.f32 v6, v3;
	v4 =	vadd.f32 v11, v4  }
0x161: {  	v6 =	vadd.f32 v13, v9;
	v5 =	vadd.f32 v16, v5  }
0x162: {  	v3 =	vadd.f32 v15, v3;
	v4 =	vadd.f32 v10, v4;
	v7 =	vpop (erf)  }
0x163: {  	v6 =	vadd.f32 v7, v6;
	v5 =	vadd.f32 v8, v5;
	_ =	sdelay $0x1  }
0x164: {  	v3 =	vadd.f32 v6, v3;
	v4 =	vadd.f32 v4, v5;
	_ =	sdelay $0x1  }
0x165: {  	v3 =	vadd.f32 v3, v4;
	_ =	sdelay $0x1  }
0x166: {  	s2 =	simm.s32 $0x2500;
	[tilespmem:s7+$0x12280] =	vst v3  }
0x167: {  	v3 =	vld [tilespmem:s2+$0x60]  }
0x168: {  	v4 =	vld [tilespmem:s2+$0xFFFFFE70]  }
0x169: {  	v5 =	vld [tilespmem:s2+$0xFFFFFE40]  }
0x16a: {  	v6 =	vld [tilespmem:s2+$0xFFFFFE00]  }
0x16b: {  	v7 =	vld [tilespmem:s2+$0xFFFFFE30]  }
0x16c: {  	v8 =	vld [tilespmem:s2+$0xFFFFFE20];
	_ =	sdelay $0x1  }
0x16d: {  	v9 =	vld [tilespmem:s2+$0xFFFFFE10];
	v3 =	vmul.f32 $1.442695020e+00, v3;
	v4 =	vmul.f32 $1.442695020e+00, v4  }
0x16e: {  	v10 =	vmul.f32 $1.442695020e+00, v5;
	v5 =	vld [tilespmem:s2+$0xFFFFFE60];
	v6 =	vmul.f32 $1.442695020e+00, v6  }
0x16f: {  	v11 =	vld [tilespmem:s2+$0x0];
	(erf) = vpow2.f32 v3;
	v3 =	vmul.f32 $1.442695020e+00, v7  }
0x170: {  	(erf) = vpow2.f32 v4;
	v4 =	vmul.f32 $1.442695020e+00, v8;
	v8 =	vld [tilespmem:s2+$0x20]  }
0x171: {  	v7 =	vld [tilespmem:s2+$0xFFFFFE50];
	(erf) = vpow2.f32 v6  }
0x172: {  	v6 =	vmul.f32 $1.442695020e+00, v9;
	(erf) = vpow2.f32 v3  }
0x173: {  	v9 =	vld [tilespmem:s2+$0x10];
	v3 =	vmul.f32 $1.442695020e+00, v5;
	(erf) = vpow2.f32 v4  }
0x174: {  	v5 =	vld [tilespmem:s2+$0x40];
	v4 =	vmul.f32 $1.442695020e+00, v11;
	(erf) = vpow2.f32 v6  }
0x175: {  	v11 =	vld [tilespmem:s2+$0x50];
	(erf) = vpow2.f32 v3;
	v3 =	vmul.f32 $1.442695020e+00, v8  }
0x176: {  	v6 =	vmul.f32 $1.442695020e+00, v7;
	v7 =	vld [tilespmem:s2+$0x30]  }
0x177: {  	s24 =	simm.s32 $0x2900;
	v8 =	vld [tilespmem:s2+$0x70];
	(erf) = vpow2.f32 v4  }
0x178: {  	v4 =	vld [tilespmem:s24+$0x60];
	v9 =	vmul.f32 $1.442695020e+00, v9;
	(erf) = vpow2.f32 v6  }
0x179: {  	v6 =	vld [tilespmem:s24+$0xFFFFFE70];
	v12 =	vmul.f32 $1.442695020e+00, v5;
	(erf) = vpow2.f32 v3;
	v3 =	vpop (erf)  }
0x17a: {  	v11 =	vmul.f32 $1.442695020e+00, v11;
	v16 =	vpop (erf);
	(erf) = vpow2.f32 v9;
	v9 =	vld [tilespmem:s24+$0xFFFFFE00]  }
0x17b: {  	v14 =	vmul.f32 $1.442695020e+00, v7;
	v5 =	vpop (erf);
	(erf) = vpow2.f32 v12;
	v12 =	vld [tilespmem:s24+$0xFFFFFE30]  }
0x17c: {  	v13 =	vld [tilespmem:s24+$0xFFFFFE40];
	v8 =	vmul.f32 $1.442695020e+00, v8;
	(erf) = vpow2.f32 v11  }
0x17d: {  	v18 =	vld [tilespmem:s24+$0xFFFFFE10];
	v17 =	vmul.f32 $1.442695020e+00, v4;
	v15 =	vpop (erf);
	(erf) = vpow2.f32 v14  }
0x17e: {  	v11 =	vld [tilespmem:s24+$0xFFFFFE20];
	v19 =	vmul.f32 $1.442695020e+00, v6;
	v4 =	vpop (erf);
	(erf) = vpow2.f32 v10  }
0x17f: {  	v7 =	vimm.f32 $0.0e+00;
	v6 =	vpop (erf);
	(erf) = vpow2.f32 v8;
	v8 =	vmul.f32 $1.442695020e+00, v9  }
0x180: {  	v20 =	vadd.f32 v4, v7;
	v10 =	vld [tilespmem:s24+$0xFFFFFE60];
	v62 =	vpop (erf);
	v12 =	vmul.f32 $1.442695020e+00, v12  }
0x181: {  	v4 =	vmul.f32 $1.442695020e+00, v13;
	v13 =	vld [tilespmem:s24+$0x0];
	v61 =	vadd.f32 v6, v7;
	(erf) = vpow2.f32 v17;
	v6 =	vpop (erf)  }
0x182: {  	v18 =	vmul.f32 $1.442695020e+00, v18;
	v14 =	vld [tilespmem:s24+$0xFFFFFE50];
	v9 =	vadd.f32 v15, v7;
	(erf) = vpow2.f32 v19;
	v17 =	vpop (erf)  }
0x183: {  	v15 =	vld [tilespmem:s24+$0x20];
	v20 =	vadd.f32 v62, v20;
	v63 =	vmul.f32 $1.442695020e+00, v11;
	(erf) = vpow2.f32 v8;
	v8 =	vpop (erf)  }
0x184: {  	v9 =	vadd.f32 v16, v9;
	v16 =	vld [tilespmem:s24+$0x10];
	v11 =	vadd.f32 v17, v61;
	(erf) = vpow2.f32 v12;
	v12 =	vpop (erf)  }
0x185: {  	s26 =	simm.s32 $0x4;
	v17 =	vld [tilespmem:s24+$0x40];
	v19 =	vmul.f32 $1.442695020e+00, v10;
	(erf) = vpow2.f32 v63;
	v10 =	vadd.f32 v8, v20;
	v8 =	vpop (erf)  }
.LBB2_9:
0x186: {  	s26 =	sadd.s32 $0x4, s26;
	v13 =	vmul.f32 $1.442695020e+00, v13;
	v20 =	vld [tilespmem:s24+$0x50];
	(erf) = vpow2.f32 v18;
	v5 =	vadd.f32 v5, v7;
	v7 =	vpop (erf)  }
0x187: {  	v11 =	vadd.f32 v12, v11;
	p0 =	slt.u32 s26, $0x7C;
	v21 =	vmul.f32 $1.442695020e+00, v14;
	v18 =	vld [tilespmem:s24+$0x30];
	(erf) = vpow2.f32 v19;
	v12 =	vpop (erf)  }
0x188: {  	v15 =	vmul.f32 $1.442695020e+00, v15;
	v19 =	vld [tilespmem:s24+$0x70];
	s24 =	sadd.s32 $0x400, s24;
	(erf) = vpow2.f32 v13;
	v9 =	vadd.f32 v12, v9;
	v12 =	vpop (erf)  }
0x189: {  	v10 =	vadd.f32 v3, v10;
	v13 =	vld [tilespmem:s24+$0x60];
	v16 =	vmul.f32 $1.442695020e+00, v16;
	(erf) = vpow2.f32 v21;
	v14 =	vpop (erf)  }
0x18a: {  	v12 =	vadd.f32 v12, v5;
	v21 =	vld [tilespmem:s24+$0xFFFFFE70];
	v17 =	vmul.f32 $1.442695020e+00, v17;
	(erf) = vpow2.f32 v15;
	v3 =	vpop (erf)  }
0x18b: {  	v11 =	vadd.f32 v7, v11;
	v15 =	vld [tilespmem:s24+$0xFFFFFE40];
	v20 =	vmul.f32 $1.442695020e+00, v20;
	v22 =	vpop (erf);
	(erf) = vpow2.f32 v16  }
0x18c: {  	v23 =	vadd.f32 v6, v12;
	v16 =	vld [tilespmem:s24+$0xFFFFFE00];
	v7 =	vmul.f32 $1.442695020e+00, v18;
	v5 =	vpop (erf);
	(erf) = vpow2.f32 v17  }
0x18d: {  	v9 =	vadd.f32 v14, v9;
	v12 =	vld [tilespmem:s24+$0xFFFFFE30];
	v17 =	vmul.f32 $1.442695020e+00, v19;
	v18 =	vpop (erf);
	(erf) = vpow2.f32 v20  }
0x18e: {  	v19 =	vld [tilespmem:s24+$0xFFFFFE20];
	v14 =	vmul.f32 $1.442695020e+00, v13;
	v13 =	vpop (erf);
	(erf) = vpow2.f32 v7;
	v7 =	vadd.f32 v8, v23  }
0x18f: {  	v8 =	vld [tilespmem:s24+$0xFFFFFE10];
	v20 =	vmul.f32 $1.442695020e+00, v21;
	v10 =	vadd.f32 v13, v10;
	v6 =	vpop (erf);
	(erf) = vpow2.f32 v4  }
0x190: {  	v4 =	vmul.f32 $1.442695020e+00, v15;
	v21 =	vld [tilespmem:s24+$0xFFFFFE60];
	v11 =	vadd.f32 v6, v11;
	v15 =	vpop (erf);
	(erf) = vpow2.f32 v17  }
.Ltmp5:
0x191: {  	v9 =	vadd.f32 v18, v9;
	v16 =	vmul.f32 $1.442695020e+00, v16;
	v13 =	vld [tilespmem:s24+$0x0];
	(erf) = vpow2.f32 v14;
	v6 =	vpop (erf);
	(pc) =	sbr.rel @p0 .LBB2_9-.Ltmp5, $4  }
0x192: {  	v10 =	vadd.f32 v15, v10;
	v23 =	vmul.f32 $1.442695020e+00, v12;
	v14 =	vld [tilespmem:s24+$0xFFFFFE50];
	(erf) = vpow2.f32 v20;
	v17 =	vpop (erf)  }
0x193: {  	v9 =	vadd.f32 v22, v9;
	v20 =	vmul.f32 $1.442695020e+00, v19;
	v15 =	vld [tilespmem:s24+$0x20];
	(erf) = vpow2.f32 v16;
	v22 =	vpop (erf)  }
0x194: {  	v11 =	vadd.f32 v17, v11;
	v18 =	vmul.f32 $1.442695020e+00, v8;
	v16 =	vld [tilespmem:s24+$0x10];
	(erf) = vpow2.f32 v23;
	v12 =	vpop (erf)  }
0x195: {  	v10 =	vadd.f32 v22, v10;
	v19 =	vmul.f32 $1.442695020e+00, v21;
	v17 =	vld [tilespmem:s24+$0x40];
	(erf) = vpow2.f32 v20;
	v8 =	vpop (erf)  }
0x196: {  	v13 =	vmul.f32 $1.442695020e+00, v13;
	v20 =	vld [tilespmem:s24+$0x50]  }
0x197: {  	(erf) = vpow2.f32 v18;
	v14 =	vmul.f32 $1.442695020e+00, v14  }
0x198: {  	v18 =	vpop (erf);
	(erf) = vpow2.f32 v19;
	v15 =	vmul.f32 $1.442695020e+00, v15  }
0x199: {  	v21 =	vld [tilespmem:s24+$0x30];
	v19 =	vpop (erf);
	(erf) = vpow2.f32 v13  }
0x19a: {  	v16 =	vmul.f32 $1.442695020e+00, v16;
	v13 =	vpop (erf);
	v17 =	vmul.f32 $1.442695020e+00, v17  }
0x19b: {  	(erf) = vpow2.f32 v14;
	v14 =	vpop (erf);
	v20 =	vmul.f32 $1.442695020e+00, v20  }
0x19c: {  	(erf) = vpow2.f32 v15;
	v15 =	vpop (erf)  }
0x19d: {  	(erf) = vpow2.f32 v16;
	v22 =	vpop (erf)  }
0x19e: {  	v21 =	vmul.f32 $1.442695020e+00, v21;
	v16 =	vld [tilespmem:s24+$0x70];
	(erf) = vpow2.f32 v17;
	v17 =	vpop (erf)  }
0x19f: {  	(erf) = vpow2.f32 v20;
	v20 =	vpop (erf)  }
0x1a0: {  	(erf) = vpow2.f32 v21;
	v60 =	vpop (erf)  }
0x1a1: {  	v5 =	vadd.f32 v5, v7;
	(erf) = vpow2.f32 v4;
	v7 =	vpop (erf)  }
0x1a2: {  	v11 =	vadd.f32 v12, v11;
	v4 =	vpop (erf)  }
0x1a3: {  	v5 =	vadd.f32 v13, v5;
	v13 =	vmul.f32 $1.442695020e+00, v16;
	v16 =	vpop (erf)  }
0x1a4: {  	v3 =	vadd.f32 v3, v10;
	v10 =	vadd.f32 v18, v11;
	v12 =	vpop (erf)  }
0x1a5: {  	v9 =	vadd.f32 v19, v9;
	v5 =	vadd.f32 v6, v5;
	(erf) = vpow2.f32 v13;
	v6 =	vpop (erf)  }
0x1a6: {  	v7 =	vadd.f32 v7, v10;
	v11 =	vpop (erf)  }
0x1a7: {  	v9 =	vadd.f32 v14, v9;
	v5 =	vadd.f32 v8, v5;
	v8 =	vpop (erf)  }
0x1a8: {  	v3 =	vadd.f32 v60, v3;
	v10 =	vpop (erf)  }
0x1a9: {  	v9 =	vadd.f32 v20, v9;
	v5 =	vadd.f32 v17, v5;
	v13 =	vpop (erf)  }
0x1aa: {  	v3 =	vadd.f32 v4, v3;
	v4 =	vadd.f32 v12, v7;
	v7 =	vpop (erf)  }
0x1ab: {  	v9 =	vadd.f32 v22, v9;
	v5 =	vadd.f32 v7, v5  }
0x1ac: {  	v3 =	vadd.f32 v6, v3;
	v4 =	vadd.f32 v11, v4  }
0x1ad: {  	v6 =	vadd.f32 v13, v9;
	v5 =	vadd.f32 v16, v5  }
0x1ae: {  	v3 =	vadd.f32 v15, v3;
	v4 =	vadd.f32 v10, v4;
	v7 =	vpop (erf)  }
0x1af: {  	v6 =	vadd.f32 v7, v6;
	v5 =	vadd.f32 v8, v5;
	_ =	sdelay $0x1  }
0x1b0: {  	v3 =	vadd.f32 v6, v3;
	v4 =	vadd.f32 v4, v5;
	_ =	sdelay $0x1  }
0x1b1: {  	v3 =	vadd.f32 v3, v4  }
0x1b2: {  	s2 =	sshll.u32 s6, $0x5  }
0x1b3: {  	s24 =	sshrl.u32 s2, $0x2;
	[tilespmem:s7+$0x12300] =	vst v3  }
0x1b4: {  	v3 =	vld [tilespmem:s24+$0x2000];
	_ =	sdelay $0x4  }
0x1b5: {  	v4 =	vshll.u32 v3, $0x2  }
0x1b6: {  	v3 =	vand.u32 $0x7F, v3;
	v4 =	vand.u32 $0x7E00, v4  }
0x1b7: {  	v3 =	vor.u32 v4, v3  }
0x1b8: {  	v3 =	vor.u32 v2, v3;
	_ =	sdelay $0x4  }
0x1b9: {  	v3 =	vld.idx.msk [tilespmem:v3+s0+$0x0], $0xf;
	_ =	sdelay $0x4  }
0x1ba: {  	s7 =	sshrl.u32 s5, $0x2;
	v3 =	vnsel vm1, $0x0, v3  }
0x1bb: {  	[tilespmem:s7+$0x1A180] =	vst v3  }
0x1bc: {  	_ =	swait.ge [sflag:s3], $0x8000  }
0x1bd: {  	p0 =	seq.s32 s6, $0x1F;
	[sflag:s3] =	ssyncset.done $0x0  }
0x1be: {  	s2 =	sshrl.u32 @!p0 s5, $0x2;
	[sflag:s3] =	ssyncadd.s32 $0xFFFF8000  }
0x1bf: {  	v3 =	vld.msk @!p0 [tilespmem:s2+$0x100], $0xf;
	_ =	sdelay $0x4  }
0x1c0: {  	v4 =	vshll.u32 @!p0 v3, $0x6  }
0x1c1: {  	v5 =	vlaneseq.u32 @!p0;
	v3 =	vand.u32 @!p0 $0x7, v3;
	v4 =	vand.u32 @!p0 $0xFFFFFE00, v4  }
0x1c2: {  	v3 =	vor.u32 @!p0 v3, v4;
	v4 =	vand.u32 @!p0 $0x3, v5;
	v5 =	vshrl.u32 @!p0 v5, $0x2  }
0x1c3: {  	v3 =	vperm.xlane @!p0 v3, v4;
	v4 =	vmul.u32 @!p0 $0x8, v5;
	_ =	sdelay $0x1  }
0x1c4: {  	v3 =	vadd.s32 @!p0 v4, v3;
	_ =	sdelay $0x3  }
0x1c5: {  	vm4 =	vmmov @!p0 $0xffff;
	s5 =	simm.s32 @!p0 $0x2180;
	s2 =	simm.s32 @!p0 $0x0;
	s26 =	rddreg [dreg:$0x1]  }
0x1c6: {  	[tilespmem:s5], [sflag:$0x1] =	stream.indirect_vreg.gather @!p0 [hbm4b:s26+s2], $0x80, v3, vm4, $0xb8;
	[tilespmem:$0x1C180] =	vst v63  }
0x1c7: {  	s5 =	simm.s32 @!p0 $0x2980  }
0x1c8: {  	[tilespmem:s5], [sflag:$0x1] =	stream.indirect_vreg.gather @!p0 [hbm4b:s8+s2], $0x80, v3, vm4, $0xb8;
	[tilespmem:$0x1C180] =	vst v63  }
0x1c9: {  	s5 =	simm.s32 @!p0 $0x3180  }
0x1ca: {  	[tilespmem:s5], [sflag:$0x1] =	stream.indirect_vreg.gather @!p0 [hbm4b:s9+s2], $0x80, v3, vm4, $0xb8;
	[tilespmem:$0x1C180] =	vst v63  }
0x1cb: {  	s5 =	simm.s32 @!p0 $0x3980  }
0x1cc: {  	[tilespmem:s5], [sflag:$0x1] =	stream.indirect_vreg.gather @!p0 [hbm4b:s10+s2], $0x80, v3, vm4, $0xb8;
	[tilespmem:$0x1C180] =	vst v63  }
0x1cd: {  	s5 =	simm.s32 @!p0 $0x4180  }
0x1ce: {  	[tilespmem:s5], [sflag:$0x1] =	stream.indirect_vreg.gather @!p0 [hbm4b:s11+s2], $0x80, v3, vm4, $0xb8;
	[tilespmem:$0x1C180] =	vst v63  }
0x1cf: {  	s5 =	simm.s32 @!p0 $0x4980  }
0x1d0: {  	[tilespmem:s5], [sflag:$0x1] =	stream.indirect_vreg.gather @!p0 [hbm4b:s12+s2], $0x80, v3, vm4, $0xb8;
	[tilespmem:$0x1C180] =	vst v63  }
0x1d1: {  	s5 =	simm.s32 @!p0 $0x5180  }
0x1d2: {  	[tilespmem:s5], [sflag:$0x1] =	stream.indirect_vreg.gather @!p0 [hbm4b:s13+s2], $0x80, v3, vm4, $0xb8;
	[tilespmem:$0x1C180] =	vst v63  }
0x1d3: {  	s5 =	simm.s32 @!p0 $0x5980  }
0x1d4: {  	[tilespmem:s5], [sflag:$0x1] =	stream.indirect_vreg.gather @!p0 [hbm4b:s14+s2], $0x80, v3, vm4, $0xb8;
	[tilespmem:$0x1C180] =	vst v63  }
0x1d5: {  	s5 =	simm.s32 @!p0 $0x6180  }
0x1d6: {  	[tilespmem:s5], [sflag:$0x1] =	stream.indirect_vreg.gather @!p0 [hbm4b:s15+s2], $0x80, v3, vm4, $0xb8;
	[tilespmem:$0x1C180] =	vst v63  }
0x1d7: {  	s5 =	simm.s32 @!p0 $0x6980  }
0x1d8: {  	[tilespmem:s5], [sflag:$0x1] =	stream.indirect_vreg.gather @!p0 [hbm4b:s16+s2], $0x80, v3, vm4, $0xb8;
	[tilespmem:$0x1C180] =	vst v63  }
0x1d9: {  	s5 =	simm.s32 @!p0 $0x7180  }
0x1da: {  	[tilespmem:s5], [sflag:$0x1] =	stream.indirect_vreg.gather @!p0 [hbm4b:s17+s2], $0x80, v3, vm4, $0xb8;
	[tilespmem:$0x1C180] =	vst v63  }
0x1db: {  	s5 =	simm.s32 @!p0 $0x7980  }
0x1dc: {  	[tilespmem:s5], [sflag:$0x1] =	stream.indirect_vreg.gather @!p0 [hbm4b:s18+s2], $0x80, v3, vm4, $0xb8;
	[tilespmem:$0x1C180] =	vst v63  }
0x1dd: {  	s5 =	simm.s32 @!p0 $0x8180  }
0x1de: {  	[tilespmem:s5], [sflag:$0x1] =	stream.indirect_vreg.gather @!p0 [hbm4b:s19+s2], $0x80, v3, vm4, $0xb8;
	[tilespmem:$0x1C180] =	vst v63  }
0x1df: {  	s5 =	simm.s32 @!p0 $0x8980  }
0x1e0: {  	[tilespmem:s5], [sflag:$0x1] =	stream.indirect_vreg.gather @!p0 [hbm4b:s20+s2], $0x80, v3, vm4, $0xb8;
	[tilespmem:$0x1C180] =	vst v63  }
0x1e1: {  	s5 =	simm.s32 @!p0 $0x9180  }
0x1e2: {  	[tilespmem:s5], [sflag:$0x1] =	stream.indirect_vreg.gather @!p0 [hbm4b:s21+s2], $0x80, v3, vm4, $0xb8;
	[tilespmem:$0x1C180] =	vst v63  }
0x1e3: {  	s5 =	simm.s32 @!p0 $0x9980  }
0x1e4: {  	[tilespmem:s5], [sflag:$0x1] =	stream.indirect_vreg.gather @!p0 [hbm4b:s22+s2], $0x80, v3, vm4, $0xb8;
	[tilespmem:$0x1C180] =	vst v63  }
0x1e5: {  	_ =	swait.ge [sflag:s29], $0x8000  }
0x1e6: {  	[sflag:s29] =	ssyncset.done $0x0;
	s5 =	rddreg [dreg:$0xa]  }
0x1e7: {  	s26 =	simm.s32 $0xA380;
	[sflag:s29] =	ssyncadd.s32 $0xFFFF8000;
	s2 =	sadd.s32 s23, s5  }
0x1e8: {  	[hbm4b:s2+s28] =	stream.strided.scatter [tilespmem:s1], [sflag:$0x4], $0x8000, s30, s28, $0x38;
	[tilespmem:$0x1C180] =	vst v63  }
0x1e9: {  	v3 =	vld [tilespmem:s26+$0x60]  }
0x1ea: {  	v4 =	vld [tilespmem:s26+$0xFFFFFE70]  }
0x1eb: {  	v5 =	vld [tilespmem:s26+$0xFFFFFE40]  }
0x1ec: {  	v6 =	vld [tilespmem:s26+$0xFFFFFE00]  }
0x1ed: {  	v7 =	vld [tilespmem:s26+$0xFFFFFE30]  }
0x1ee: {  	v8 =	vld [tilespmem:s26+$0xFFFFFE20];
	_ =	sdelay $0x1  }
0x1ef: {  	v9 =	vld [tilespmem:s26+$0xFFFFFE10];
	v3 =	vmul.f32 $1.442695020e+00, v3;
	v4 =	vmul.f32 $1.442695020e+00, v4  }
0x1f0: {  	v10 =	vmul.f32 $1.442695020e+00, v5;
	v5 =	vld [tilespmem:s26+$0xFFFFFE60];
	v6 =	vmul.f32 $1.442695020e+00, v6  }
0x1f1: {  	v11 =	vld [tilespmem:s26+$0x0];
	(erf) = vpow2.f32 v3;
	v3 =	vmul.f32 $1.442695020e+00, v7  }
0x1f2: {  	(erf) = vpow2.f32 v4;
	v4 =	vmul.f32 $1.442695020e+00, v8;
	v8 =	vld [tilespmem:s26+$0x20]  }
0x1f3: {  	v7 =	vld [tilespmem:s26+$0xFFFFFE50];
	(erf) = vpow2.f32 v6  }
0x1f4: {  	v6 =	vmul.f32 $1.442695020e+00, v9;
	(erf) = vpow2.f32 v3  }
0x1f5: {  	v9 =	vld [tilespmem:s26+$0x10];
	v3 =	vmul.f32 $1.442695020e+00, v5;
	(erf) = vpow2.f32 v4  }
0x1f6: {  	v5 =	vld [tilespmem:s26+$0x40];
	v4 =	vmul.f32 $1.442695020e+00, v11;
	(erf) = vpow2.f32 v6  }
0x1f7: {  	v11 =	vld [tilespmem:s26+$0x50];
	(erf) = vpow2.f32 v3;
	v3 =	vmul.f32 $1.442695020e+00, v8  }
0x1f8: {  	v6 =	vmul.f32 $1.442695020e+00, v7;
	v7 =	vld [tilespmem:s26+$0x30]  }
0x1f9: {  	s5 =	simm.s32 $0xA780;
	v8 =	vld [tilespmem:s26+$0x70];
	(erf) = vpow2.f32 v4  }
0x1fa: {  	v4 =	vld [tilespmem:s5+$0x60];
	v9 =	vmul.f32 $1.442695020e+00, v9;
	(erf) = vpow2.f32 v6  }
0x1fb: {  	v6 =	vld [tilespmem:s5+$0xFFFFFE70];
	v12 =	vmul.f32 $1.442695020e+00, v5;
	(erf) = vpow2.f32 v3;
	v3 =	vpop (erf)  }
0x1fc: {  	v11 =	vmul.f32 $1.442695020e+00, v11;
	v16 =	vpop (erf);
	(erf) = vpow2.f32 v9;
	v9 =	vld [tilespmem:s5+$0xFFFFFE00]  }
0x1fd: {  	v14 =	vmul.f32 $1.442695020e+00, v7;
	v5 =	vpop (erf);
	(erf) = vpow2.f32 v12;
	v12 =	vld [tilespmem:s5+$0xFFFFFE30]  }
0x1fe: {  	v13 =	vld [tilespmem:s5+$0xFFFFFE40];
	v8 =	vmul.f32 $1.442695020e+00, v8;
	(erf) = vpow2.f32 v11  }
0x1ff: {  	v18 =	vld [tilespmem:s5+$0xFFFFFE10];
	v17 =	vmul.f32 $1.442695020e+00, v4;
	v15 =	vpop (erf);
	(erf) = vpow2.f32 v14  }
0x200: {  	v11 =	vld [tilespmem:s5+$0xFFFFFE20];
	v19 =	vmul.f32 $1.442695020e+00, v6;
	v4 =	vpop (erf);
	(erf) = vpow2.f32 v10  }
0x201: {  	v7 =	vimm.f32 $0.0e+00;
	v6 =	vpop (erf);
	(erf) = vpow2.f32 v8;
	v8 =	vmul.f32 $1.442695020e+00, v9  }
0x202: {  	v20 =	vadd.f32 v4, v7;
	v10 =	vld [tilespmem:s5+$0xFFFFFE60];
	v62 =	vpop (erf);
	v12 =	vmul.f32 $1.442695020e+00, v12  }
0x203: {  	v4 =	vmul.f32 $1.442695020e+00, v13;
	v13 =	vld [tilespmem:s5+$0x0];
	v61 =	vadd.f32 v6, v7;
	(erf) = vpow2.f32 v17;
	v6 =	vpop (erf)  }
0x204: {  	v18 =	vmul.f32 $1.442695020e+00, v18;
	v14 =	vld [tilespmem:s5+$0xFFFFFE50];
	v9 =	vadd.f32 v15, v7;
	(erf) = vpow2.f32 v19;
	v17 =	vpop (erf)  }
0x205: {  	v15 =	vld [tilespmem:s5+$0x20];
	v20 =	vadd.f32 v62, v20;
	v63 =	vmul.f32 $1.442695020e+00, v11;
	(erf) = vpow2.f32 v8;
	v8 =	vpop (erf)  }
0x206: {  	v9 =	vadd.f32 v16, v9;
	v16 =	vld [tilespmem:s5+$0x10];
	v11 =	vadd.f32 v17, v61;
	(erf) = vpow2.f32 v12;
	v12 =	vpop (erf)  }
0x207: {  	s23 =	sshll.u32 s6, $0x1;
	s26 =	simm.s32 $0x4;
	v17 =	vld [tilespmem:s5+$0x40];
	v19 =	vmul.f32 $1.442695020e+00, v10;
	(erf) = vpow2.f32 v63;
	v10 =	vadd.f32 v8, v20;
	v8 =	vpop (erf)  }
.LBB2_11:
0x208: {  	s26 =	sadd.s32 $0x4, s26;
	v13 =	vmul.f32 $1.442695020e+00, v13;
	v20 =	vld [tilespmem:s5+$0x50];
	(erf) = vpow2.f32 v18;
	v5 =	vadd.f32 v5, v7;
	v7 =	vpop (erf)  }
0x209: {  	v11 =	vadd.f32 v12, v11;
	p1 =	slt.u32 s26, $0x7C;
	v21 =	vmul.f32 $1.442695020e+00, v14;
	v18 =	vld [tilespmem:s5+$0x30];
	(erf) = vpow2.f32 v19;
	v12 =	vpop (erf)  }
0x20a: {  	v15 =	vmul.f32 $1.442695020e+00, v15;
	v19 =	vld [tilespmem:s5+$0x70];
	s5 =	sadd.s32 $0x400, s5;
	(erf) = vpow2.f32 v13;
	v9 =	vadd.f32 v12, v9;
	v12 =	vpop (erf)  }
0x20b: {  	v10 =	vadd.f32 v3, v10;
	v13 =	vld [tilespmem:s5+$0x60];
	v16 =	vmul.f32 $1.442695020e+00, v16;
	(erf) = vpow2.f32 v21;
	v14 =	vpop (erf)  }
0x20c: {  	v12 =	vadd.f32 v12, v5;
	v21 =	vld [tilespmem:s5+$0xFFFFFE70];
	v17 =	vmul.f32 $1.442695020e+00, v17;
	(erf) = vpow2.f32 v15;
	v3 =	vpop (erf)  }
0x20d: {  	v11 =	vadd.f32 v7, v11;
	v15 =	vld [tilespmem:s5+$0xFFFFFE40];
	v20 =	vmul.f32 $1.442695020e+00, v20;
	v22 =	vpop (erf);
	(erf) = vpow2.f32 v16  }
0x20e: {  	v23 =	vadd.f32 v6, v12;
	v16 =	vld [tilespmem:s5+$0xFFFFFE00];
	v7 =	vmul.f32 $1.442695020e+00, v18;
	v5 =	vpop (erf);
	(erf) = vpow2.f32 v17  }
0x20f: {  	v9 =	vadd.f32 v14, v9;
	v12 =	vld [tilespmem:s5+$0xFFFFFE30];
	v17 =	vmul.f32 $1.442695020e+00, v19;
	v18 =	vpop (erf);
	(erf) = vpow2.f32 v20  }
0x210: {  	v19 =	vld [tilespmem:s5+$0xFFFFFE20];
	v14 =	vmul.f32 $1.442695020e+00, v13;
	v13 =	vpop (erf);
	(erf) = vpow2.f32 v7;
	v7 =	vadd.f32 v8, v23  }
0x211: {  	v8 =	vld [tilespmem:s5+$0xFFFFFE10];
	v20 =	vmul.f32 $1.442695020e+00, v21;
	v10 =	vadd.f32 v13, v10;
	v6 =	vpop (erf);
	(erf) = vpow2.f32 v4  }
0x212: {  	v4 =	vmul.f32 $1.442695020e+00, v15;
	v21 =	vld [tilespmem:s5+$0xFFFFFE60];
	v11 =	vadd.f32 v6, v11;
	v15 =	vpop (erf);
	(erf) = vpow2.f32 v17  }
.Ltmp6:
0x213: {  	v9 =	vadd.f32 v18, v9;
	v16 =	vmul.f32 $1.442695020e+00, v16;
	v13 =	vld [tilespmem:s5+$0x0];
	(erf) = vpow2.f32 v14;
	v6 =	vpop (erf);
	(pc) =	sbr.rel @p1 .LBB2_11-.Ltmp6, $4  }
0x214: {  	v10 =	vadd.f32 v15, v10;
	v23 =	vmul.f32 $1.442695020e+00, v12;
	v14 =	vld [tilespmem:s5+$0xFFFFFE50];
	(erf) = vpow2.f32 v20;
	v17 =	vpop (erf)  }
0x215: {  	v9 =	vadd.f32 v22, v9;
	v20 =	vmul.f32 $1.442695020e+00, v19;
	v15 =	vld [tilespmem:s5+$0x20];
	(erf) = vpow2.f32 v16;
	v22 =	vpop (erf)  }
0x216: {  	v11 =	vadd.f32 v17, v11;
	v18 =	vmul.f32 $1.442695020e+00, v8;
	v16 =	vld [tilespmem:s5+$0x10];
	(erf) = vpow2.f32 v23;
	v12 =	vpop (erf)  }
0x217: {  	v10 =	vadd.f32 v22, v10;
	v19 =	vmul.f32 $1.442695020e+00, v21;
	v17 =	vld [tilespmem:s5+$0x40];
	(erf) = vpow2.f32 v20;
	v8 =	vpop (erf)  }
0x218: {  	v13 =	vmul.f32 $1.442695020e+00, v13;
	v20 =	vld [tilespmem:s5+$0x50]  }
0x219: {  	(erf) = vpow2.f32 v18;
	v14 =	vmul.f32 $1.442695020e+00, v14  }
0x21a: {  	v18 =	vpop (erf);
	(erf) = vpow2.f32 v19;
	v15 =	vmul.f32 $1.442695020e+00, v15  }
0x21b: {  	v21 =	vld [tilespmem:s5+$0x30];
	v19 =	vpop (erf);
	(erf) = vpow2.f32 v13  }
0x21c: {  	v16 =	vmul.f32 $1.442695020e+00, v16;
	v13 =	vpop (erf);
	v17 =	vmul.f32 $1.442695020e+00, v17  }
0x21d: {  	(erf) = vpow2.f32 v14;
	v14 =	vpop (erf);
	v20 =	vmul.f32 $1.442695020e+00, v20  }
0x21e: {  	(erf) = vpow2.f32 v15;
	v15 =	vpop (erf)  }
0x21f: {  	(erf) = vpow2.f32 v16;
	v22 =	vpop (erf)  }
0x220: {  	v21 =	vmul.f32 $1.442695020e+00, v21;
	v16 =	vld [tilespmem:s5+$0x70];
	(erf) = vpow2.f32 v17;
	v17 =	vpop (erf)  }
0x221: {  	(erf) = vpow2.f32 v20;
	v20 =	vpop (erf)  }
0x222: {  	(erf) = vpow2.f32 v21;
	v60 =	vpop (erf)  }
0x223: {  	v5 =	vadd.f32 v5, v7;
	(erf) = vpow2.f32 v4;
	v7 =	vpop (erf)  }
0x224: {  	v11 =	vadd.f32 v12, v11;
	v4 =	vpop (erf)  }
0x225: {  	v5 =	vadd.f32 v13, v5;
	v13 =	vmul.f32 $1.442695020e+00, v16;
	v16 =	vpop (erf)  }
0x226: {  	v3 =	vadd.f32 v3, v10;
	v10 =	vadd.f32 v18, v11;
	v12 =	vpop (erf)  }
0x227: {  	v9 =	vadd.f32 v19, v9;
	v5 =	vadd.f32 v6, v5;
	(erf) = vpow2.f32 v13;
	v6 =	vpop (erf)  }
0x228: {  	v7 =	vadd.f32 v7, v10;
	v11 =	vpop (erf)  }
0x229: {  	v9 =	vadd.f32 v14, v9;
	v5 =	vadd.f32 v8, v5;
	v8 =	vpop (erf)  }
0x22a: {  	v3 =	vadd.f32 v60, v3;
	v10 =	vpop (erf)  }
0x22b: {  	v9 =	vadd.f32 v20, v9;
	v5 =	vadd.f32 v17, v5;
	v13 =	vpop (erf)  }
0x22c: {  	v3 =	vadd.f32 v4, v3;
	v4 =	vadd.f32 v12, v7;
	v7 =	vpop (erf)  }
0x22d: {  	v9 =	vadd.f32 v22, v9;
	v5 =	vadd.f32 v7, v5  }
0x22e: {  	v3 =	vadd.f32 v6, v3;
	v4 =	vadd.f32 v11, v4  }
0x22f: {  	v6 =	vadd.f32 v13, v9;
	v5 =	vadd.f32 v16, v5  }
0x230: {  	v3 =	vadd.f32 v15, v3;
	v4 =	vadd.f32 v10, v4;
	v7 =	vpop (erf)  }
0x231: {  	v6 =	vadd.f32 v7, v6;
	v5 =	vadd.f32 v8, v5;
	_ =	sdelay $0x1  }
0x232: {  	v3 =	vadd.f32 v6, v3;
	v4 =	vadd.f32 v4, v5  }
0x233: {  	s5 =	sor.u32 $0x1, s23  }
0x234: {  	s2 =	sshll.u32 s5, $0x9;
	v3 =	vadd.f32 v3, v4  }
0x235: {  	s23 =	sand.u32 $0x3FFFFE00, s2  }
0x236: {  	s26 =	simm.s32 $0xA400;
	[tilespmem:s23+$0x12180] =	vst v3  }
0x237: {  	v3 =	vld [tilespmem:s26+$0x60]  }
0x238: {  	v4 =	vld [tilespmem:s26+$0xFFFFFE70]  }
0x239: {  	v5 =	vld [tilespmem:s26+$0xFFFFFE40]  }
0x23a: {  	v6 =	vld [tilespmem:s26+$0xFFFFFE00]  }
0x23b: {  	v7 =	vld [tilespmem:s26+$0xFFFFFE30]  }
0x23c: {  	v8 =	vld [tilespmem:s26+$0xFFFFFE20];
	_ =	sdelay $0x1  }
0x23d: {  	v9 =	vld [tilespmem:s26+$0xFFFFFE10];
	v3 =	vmul.f32 $1.442695020e+00, v3;
	v4 =	vmul.f32 $1.442695020e+00, v4  }
0x23e: {  	v10 =	vmul.f32 $1.442695020e+00, v5;
	v5 =	vld [tilespmem:s26+$0xFFFFFE60];
	v6 =	vmul.f32 $1.442695020e+00, v6  }
0x23f: {  	v11 =	vld [tilespmem:s26+$0x0];
	(erf) = vpow2.f32 v3;
	v3 =	vmul.f32 $1.442695020e+00, v7  }
0x240: {  	(erf) = vpow2.f32 v4;
	v4 =	vmul.f32 $1.442695020e+00, v8;
	v8 =	vld [tilespmem:s26+$0x20]  }
0x241: {  	v7 =	vld [tilespmem:s26+$0xFFFFFE50];
	(erf) = vpow2.f32 v6  }
0x242: {  	v6 =	vmul.f32 $1.442695020e+00, v9;
	(erf) = vpow2.f32 v3  }
0x243: {  	v9 =	vld [tilespmem:s26+$0x10];
	v3 =	vmul.f32 $1.442695020e+00, v5;
	(erf) = vpow2.f32 v4  }
0x244: {  	v5 =	vld [tilespmem:s26+$0x40];
	v4 =	vmul.f32 $1.442695020e+00, v11;
	(erf) = vpow2.f32 v6  }
0x245: {  	v11 =	vld [tilespmem:s26+$0x50];
	(erf) = vpow2.f32 v3;
	v3 =	vmul.f32 $1.442695020e+00, v8  }
0x246: {  	v6 =	vmul.f32 $1.442695020e+00, v7;
	v7 =	vld [tilespmem:s26+$0x30]  }
0x247: {  	v8 =	vld [tilespmem:s26+$0x70];
	s26 =	simm.s32 $0xA800;
	(erf) = vpow2.f32 v4  }
0x248: {  	v4 =	vld [tilespmem:s26+$0x60];
	v9 =	vmul.f32 $1.442695020e+00, v9;
	(erf) = vpow2.f32 v6  }
0x249: {  	v6 =	vld [tilespmem:s26+$0xFFFFFE70];
	v12 =	vmul.f32 $1.442695020e+00, v5;
	(erf) = vpow2.f32 v3;
	v3 =	vpop (erf)  }
0x24a: {  	v11 =	vmul.f32 $1.442695020e+00, v11;
	v16 =	vpop (erf);
	(erf) = vpow2.f32 v9;
	v9 =	vld [tilespmem:s26+$0xFFFFFE00]  }
0x24b: {  	v14 =	vmul.f32 $1.442695020e+00, v7;
	v5 =	vpop (erf);
	(erf) = vpow2.f32 v12;
	v12 =	vld [tilespmem:s26+$0xFFFFFE30]  }
0x24c: {  	v13 =	vld [tilespmem:s26+$0xFFFFFE40];
	v8 =	vmul.f32 $1.442695020e+00, v8;
	(erf) = vpow2.f32 v11  }
0x24d: {  	v18 =	vld [tilespmem:s26+$0xFFFFFE10];
	v17 =	vmul.f32 $1.442695020e+00, v4;
	v15 =	vpop (erf);
	(erf) = vpow2.f32 v14  }
0x24e: {  	v11 =	vld [tilespmem:s26+$0xFFFFFE20];
	v19 =	vmul.f32 $1.442695020e+00, v6;
	v4 =	vpop (erf);
	(erf) = vpow2.f32 v10  }
0x24f: {  	v7 =	vimm.f32 $0.0e+00;
	v6 =	vpop (erf);
	(erf) = vpow2.f32 v8;
	v8 =	vmul.f32 $1.442695020e+00, v9  }
0x250: {  	v20 =	vadd.f32 v4, v7;
	v10 =	vld [tilespmem:s26+$0xFFFFFE60];
	v62 =	vpop (erf);
	v12 =	vmul.f32 $1.442695020e+00, v12  }
0x251: {  	v4 =	vmul.f32 $1.442695020e+00, v13;
	v13 =	vld [tilespmem:s26+$0x0];
	v61 =	vadd.f32 v6, v7;
	(erf) = vpow2.f32 v17;
	v6 =	vpop (erf)  }
0x252: {  	v18 =	vmul.f32 $1.442695020e+00, v18;
	v14 =	vld [tilespmem:s26+$0xFFFFFE50];
	v9 =	vadd.f32 v15, v7;
	(erf) = vpow2.f32 v19;
	v17 =	vpop (erf)  }
0x253: {  	v15 =	vld [tilespmem:s26+$0x20];
	v20 =	vadd.f32 v62, v20;
	v63 =	vmul.f32 $1.442695020e+00, v11;
	(erf) = vpow2.f32 v8;
	v8 =	vpop (erf)  }
0x254: {  	v9 =	vadd.f32 v16, v9;
	v16 =	vld [tilespmem:s26+$0x10];
	v11 =	vadd.f32 v17, v61;
	(erf) = vpow2.f32 v12;
	v12 =	vpop (erf)  }
0x255: {  	s2 =	simm.s32 $0x4;
	v17 =	vld [tilespmem:s26+$0x40];
	v19 =	vmul.f32 $1.442695020e+00, v10;
	(erf) = vpow2.f32 v63;
	v10 =	vadd.f32 v8, v20;
	v8 =	vpop (erf)  }
.LBB2_13:
0x256: {  	s2 =	sadd.s32 $0x4, s2;
	v13 =	vmul.f32 $1.442695020e+00, v13;
	v20 =	vld [tilespmem:s26+$0x50];
	(erf) = vpow2.f32 v18;
	v5 =	vadd.f32 v5, v7;
	v7 =	vpop (erf)  }
0x257: {  	v11 =	vadd.f32 v12, v11;
	p1 =	slt.u32 s2, $0x7C;
	v21 =	vmul.f32 $1.442695020e+00, v14;
	v18 =	vld [tilespmem:s26+$0x30];
	(erf) = vpow2.f32 v19;
	v12 =	vpop (erf)  }
0x258: {  	v15 =	vmul.f32 $1.442695020e+00, v15;
	v19 =	vld [tilespmem:s26+$0x70];
	s26 =	sadd.s32 $0x400, s26;
	(erf) = vpow2.f32 v13;
	v9 =	vadd.f32 v12, v9;
	v12 =	vpop (erf)  }
0x259: {  	v10 =	vadd.f32 v3, v10;
	v13 =	vld [tilespmem:s26+$0x60];
	v16 =	vmul.f32 $1.442695020e+00, v16;
	(erf) = vpow2.f32 v21;
	v14 =	vpop (erf)  }
0x25a: {  	v12 =	vadd.f32 v12, v5;
	v21 =	vld [tilespmem:s26+$0xFFFFFE70];
	v17 =	vmul.f32 $1.442695020e+00, v17;
	(erf) = vpow2.f32 v15;
	v3 =	vpop (erf)  }
0x25b: {  	v11 =	vadd.f32 v7, v11;
	v15 =	vld [tilespmem:s26+$0xFFFFFE40];
	v20 =	vmul.f32 $1.442695020e+00, v20;
	v22 =	vpop (erf);
	(erf) = vpow2.f32 v16  }
0x25c: {  	v23 =	vadd.f32 v6, v12;
	v16 =	vld [tilespmem:s26+$0xFFFFFE00];
	v7 =	vmul.f32 $1.442695020e+00, v18;
	v5 =	vpop (erf);
	(erf) = vpow2.f32 v17  }
0x25d: {  	v9 =	vadd.f32 v14, v9;
	v12 =	vld [tilespmem:s26+$0xFFFFFE30];
	v17 =	vmul.f32 $1.442695020e+00, v19;
	v18 =	vpop (erf);
	(erf) = vpow2.f32 v20  }
0x25e: {  	v19 =	vld [tilespmem:s26+$0xFFFFFE20];
	v14 =	vmul.f32 $1.442695020e+00, v13;
	v13 =	vpop (erf);
	(erf) = vpow2.f32 v7;
	v7 =	vadd.f32 v8, v23  }
0x25f: {  	v8 =	vld [tilespmem:s26+$0xFFFFFE10];
	v20 =	vmul.f32 $1.442695020e+00, v21;
	v10 =	vadd.f32 v13, v10;
	v6 =	vpop (erf);
	(erf) = vpow2.f32 v4  }
0x260: {  	v4 =	vmul.f32 $1.442695020e+00, v15;
	v21 =	vld [tilespmem:s26+$0xFFFFFE60];
	v11 =	vadd.f32 v6, v11;
	v15 =	vpop (erf);
	(erf) = vpow2.f32 v17  }
.Ltmp7:
0x261: {  	v9 =	vadd.f32 v18, v9;
	v16 =	vmul.f32 $1.442695020e+00, v16;
	v13 =	vld [tilespmem:s26+$0x0];
	(erf) = vpow2.f32 v14;
	v6 =	vpop (erf);
	(pc) =	sbr.rel @p1 .LBB2_13-.Ltmp7, $4  }
0x262: {  	v10 =	vadd.f32 v15, v10;
	v23 =	vmul.f32 $1.442695020e+00, v12;
	v14 =	vld [tilespmem:s26+$0xFFFFFE50];
	(erf) = vpow2.f32 v20;
	v17 =	vpop (erf)  }
0x263: {  	v9 =	vadd.f32 v22, v9;
	v20 =	vmul.f32 $1.442695020e+00, v19;
	v15 =	vld [tilespmem:s26+$0x20];
	(erf) = vpow2.f32 v16;
	v22 =	vpop (erf)  }
0x264: {  	v11 =	vadd.f32 v17, v11;
	v18 =	vmul.f32 $1.442695020e+00, v8;
	v16 =	vld [tilespmem:s26+$0x10];
	(erf) = vpow2.f32 v23;
	v12 =	vpop (erf)  }
0x265: {  	v10 =	vadd.f32 v22, v10;
	v19 =	vmul.f32 $1.442695020e+00, v21;
	v17 =	vld [tilespmem:s26+$0x40];
	(erf) = vpow2.f32 v20;
	v8 =	vpop (erf)  }
0x266: {  	v13 =	vmul.f32 $1.442695020e+00, v13;
	v20 =	vld [tilespmem:s26+$0x50]  }
0x267: {  	(erf) = vpow2.f32 v18;
	v14 =	vmul.f32 $1.442695020e+00, v14  }
0x268: {  	v18 =	vpop (erf);
	(erf) = vpow2.f32 v19;
	v15 =	vmul.f32 $1.442695020e+00, v15  }
0x269: {  	v21 =	vld [tilespmem:s26+$0x30];
	v19 =	vpop (erf);
	(erf) = vpow2.f32 v13  }
0x26a: {  	v16 =	vmul.f32 $1.442695020e+00, v16;
	v13 =	vpop (erf);
	v17 =	vmul.f32 $1.442695020e+00, v17  }
0x26b: {  	(erf) = vpow2.f32 v14;
	v14 =	vpop (erf);
	v20 =	vmul.f32 $1.442695020e+00, v20  }
0x26c: {  	(erf) = vpow2.f32 v15;
	v15 =	vpop (erf)  }
0x26d: {  	(erf) = vpow2.f32 v16;
	v22 =	vpop (erf)  }
0x26e: {  	v21 =	vmul.f32 $1.442695020e+00, v21;
	v16 =	vld [tilespmem:s26+$0x70];
	(erf) = vpow2.f32 v17;
	v17 =	vpop (erf)  }
0x26f: {  	(erf) = vpow2.f32 v20;
	v20 =	vpop (erf)  }
0x270: {  	(erf) = vpow2.f32 v21;
	v60 =	vpop (erf)  }
0x271: {  	v5 =	vadd.f32 v5, v7;
	(erf) = vpow2.f32 v4;
	v7 =	vpop (erf)  }
0x272: {  	v11 =	vadd.f32 v12, v11;
	v4 =	vpop (erf)  }
0x273: {  	v5 =	vadd.f32 v13, v5;
	v13 =	vmul.f32 $1.442695020e+00, v16;
	v16 =	vpop (erf)  }
0x274: {  	v3 =	vadd.f32 v3, v10;
	v10 =	vadd.f32 v18, v11;
	v12 =	vpop (erf)  }
0x275: {  	v9 =	vadd.f32 v19, v9;
	v5 =	vadd.f32 v6, v5;
	(erf) = vpow2.f32 v13;
	v6 =	vpop (erf)  }
0x276: {  	v7 =	vadd.f32 v7, v10;
	v11 =	vpop (erf)  }
0x277: {  	v9 =	vadd.f32 v14, v9;
	v5 =	vadd.f32 v8, v5;
	v8 =	vpop (erf)  }
0x278: {  	v3 =	vadd.f32 v60, v3;
	v10 =	vpop (erf)  }
0x279: {  	v9 =	vadd.f32 v20, v9;
	v5 =	vadd.f32 v17, v5;
	v13 =	vpop (erf)  }
0x27a: {  	v3 =	vadd.f32 v4, v3;
	v4 =	vadd.f32 v12, v7;
	v7 =	vpop (erf)  }
0x27b: {  	v9 =	vadd.f32 v22, v9;
	v5 =	vadd.f32 v7, v5  }
0x27c: {  	v3 =	vadd.f32 v6, v3;
	v4 =	vadd.f32 v11, v4  }
0x27d: {  	v6 =	vadd.f32 v13, v9;
	v5 =	vadd.f32 v16, v5  }
0x27e: {  	v3 =	vadd.f32 v15, v3;
	v4 =	vadd.f32 v10, v4;
	v7 =	vpop (erf)  }
0x27f: {  	v6 =	vadd.f32 v7, v6;
	v5 =	vadd.f32 v8, v5;
	_ =	sdelay $0x1  }
0x280: {  	v3 =	vadd.f32 v6, v3;
	v4 =	vadd.f32 v4, v5;
	_ =	sdelay $0x1  }
0x281: {  	v3 =	vadd.f32 v3, v4;
	_ =	sdelay $0x1  }
0x282: {  	s2 =	simm.s32 $0xA480;
	[tilespmem:s23+$0x12200] =	vst v3  }
0x283: {  	v3 =	vld [tilespmem:s2+$0x60]  }
0x284: {  	v4 =	vld [tilespmem:s2+$0xFFFFFE70]  }
0x285: {  	v5 =	vld [tilespmem:s2+$0xFFFFFE40]  }
0x286: {  	v6 =	vld [tilespmem:s2+$0xFFFFFE00]  }
0x287: {  	v7 =	vld [tilespmem:s2+$0xFFFFFE30]  }
0x288: {  	v8 =	vld [tilespmem:s2+$0xFFFFFE20];
	_ =	sdelay $0x1  }
0x289: {  	v9 =	vld [tilespmem:s2+$0xFFFFFE10];
	v3 =	vmul.f32 $1.442695020e+00, v3;
	v4 =	vmul.f32 $1.442695020e+00, v4  }
0x28a: {  	v10 =	vmul.f32 $1.442695020e+00, v5;
	v5 =	vld [tilespmem:s2+$0xFFFFFE60];
	v6 =	vmul.f32 $1.442695020e+00, v6  }
0x28b: {  	v11 =	vld [tilespmem:s2+$0x0];
	(erf) = vpow2.f32 v3;
	v3 =	vmul.f32 $1.442695020e+00, v7  }
0x28c: {  	(erf) = vpow2.f32 v4;
	v4 =	vmul.f32 $1.442695020e+00, v8;
	v8 =	vld [tilespmem:s2+$0x20]  }
0x28d: {  	v7 =	vld [tilespmem:s2+$0xFFFFFE50];
	(erf) = vpow2.f32 v6  }
0x28e: {  	v6 =	vmul.f32 $1.442695020e+00, v9;
	(erf) = vpow2.f32 v3  }
0x28f: {  	v9 =	vld [tilespmem:s2+$0x10];
	v3 =	vmul.f32 $1.442695020e+00, v5;
	(erf) = vpow2.f32 v4  }
0x290: {  	v5 =	vld [tilespmem:s2+$0x40];
	v4 =	vmul.f32 $1.442695020e+00, v11;
	(erf) = vpow2.f32 v6  }
0x291: {  	v11 =	vld [tilespmem:s2+$0x50];
	(erf) = vpow2.f32 v3;
	v3 =	vmul.f32 $1.442695020e+00, v8  }
0x292: {  	v6 =	vmul.f32 $1.442695020e+00, v7;
	v7 =	vld [tilespmem:s2+$0x30]  }
0x293: {  	s26 =	simm.s32 $0xA880;
	v8 =	vld [tilespmem:s2+$0x70];
	(erf) = vpow2.f32 v4  }
0x294: {  	v4 =	vld [tilespmem:s26+$0x60];
	v9 =	vmul.f32 $1.442695020e+00, v9;
	(erf) = vpow2.f32 v6  }
0x295: {  	v6 =	vld [tilespmem:s26+$0xFFFFFE70];
	v12 =	vmul.f32 $1.442695020e+00, v5;
	(erf) = vpow2.f32 v3;
	v3 =	vpop (erf)  }
0x296: {  	v11 =	vmul.f32 $1.442695020e+00, v11;
	v16 =	vpop (erf);
	(erf) = vpow2.f32 v9;
	v9 =	vld [tilespmem:s26+$0xFFFFFE00]  }
0x297: {  	v14 =	vmul.f32 $1.442695020e+00, v7;
	v5 =	vpop (erf);
	(erf) = vpow2.f32 v12;
	v12 =	vld [tilespmem:s26+$0xFFFFFE30]  }
0x298: {  	v13 =	vld [tilespmem:s26+$0xFFFFFE40];
	v8 =	vmul.f32 $1.442695020e+00, v8;
	(erf) = vpow2.f32 v11  }
0x299: {  	v18 =	vld [tilespmem:s26+$0xFFFFFE10];
	v17 =	vmul.f32 $1.442695020e+00, v4;
	v15 =	vpop (erf);
	(erf) = vpow2.f32 v14  }
0x29a: {  	v11 =	vld [tilespmem:s26+$0xFFFFFE20];
	v19 =	vmul.f32 $1.442695020e+00, v6;
	v4 =	vpop (erf);
	(erf) = vpow2.f32 v10  }
0x29b: {  	v7 =	vimm.f32 $0.0e+00;
	v6 =	vpop (erf);
	(erf) = vpow2.f32 v8;
	v8 =	vmul.f32 $1.442695020e+00, v9  }
0x29c: {  	v20 =	vadd.f32 v4, v7;
	v10 =	vld [tilespmem:s26+$0xFFFFFE60];
	v62 =	vpop (erf);
	v12 =	vmul.f32 $1.442695020e+00, v12  }
0x29d: {  	v4 =	vmul.f32 $1.442695020e+00, v13;
	v13 =	vld [tilespmem:s26+$0x0];
	v61 =	vadd.f32 v6, v7;
	(erf) = vpow2.f32 v17;
	v6 =	vpop (erf)  }
0x29e: {  	v18 =	vmul.f32 $1.442695020e+00, v18;
	v14 =	vld [tilespmem:s26+$0xFFFFFE50];
	v9 =	vadd.f32 v15, v7;
	(erf) = vpow2.f32 v19;
	v17 =	vpop (erf)  }
0x29f: {  	v15 =	vld [tilespmem:s26+$0x20];
	v20 =	vadd.f32 v62, v20;
	v63 =	vmul.f32 $1.442695020e+00, v11;
	(erf) = vpow2.f32 v8;
	v8 =	vpop (erf)  }
0x2a0: {  	v9 =	vadd.f32 v16, v9;
	v16 =	vld [tilespmem:s26+$0x10];
	v11 =	vadd.f32 v17, v61;
	(erf) = vpow2.f32 v12;
	v12 =	vpop (erf)  }
0x2a1: {  	s2 =	simm.s32 $0x4;
	v17 =	vld [tilespmem:s26+$0x40];
	v19 =	vmul.f32 $1.442695020e+00, v10;
	(erf) = vpow2.f32 v63;
	v10 =	vadd.f32 v8, v20;
	v8 =	vpop (erf)  }
.LBB2_15:
0x2a2: {  	s2 =	sadd.s32 $0x4, s2;
	v13 =	vmul.f32 $1.442695020e+00, v13;
	v20 =	vld [tilespmem:s26+$0x50];
	(erf) = vpow2.f32 v18;
	v5 =	vadd.f32 v5, v7;
	v7 =	vpop (erf)  }
0x2a3: {  	v11 =	vadd.f32 v12, v11;
	p1 =	slt.u32 s2, $0x7C;
	v21 =	vmul.f32 $1.442695020e+00, v14;
	v18 =	vld [tilespmem:s26+$0x30];
	(erf) = vpow2.f32 v19;
	v12 =	vpop (erf)  }
0x2a4: {  	v15 =	vmul.f32 $1.442695020e+00, v15;
	v19 =	vld [tilespmem:s26+$0x70];
	s26 =	sadd.s32 $0x400, s26;
	(erf) = vpow2.f32 v13;
	v9 =	vadd.f32 v12, v9;
	v12 =	vpop (erf)  }
0x2a5: {  	v10 =	vadd.f32 v3, v10;
	v13 =	vld [tilespmem:s26+$0x60];
	v16 =	vmul.f32 $1.442695020e+00, v16;
	(erf) = vpow2.f32 v21;
	v14 =	vpop (erf)  }
0x2a6: {  	v12 =	vadd.f32 v12, v5;
	v21 =	vld [tilespmem:s26+$0xFFFFFE70];
	v17 =	vmul.f32 $1.442695020e+00, v17;
	(erf) = vpow2.f32 v15;
	v3 =	vpop (erf)  }
0x2a7: {  	v11 =	vadd.f32 v7, v11;
	v15 =	vld [tilespmem:s26+$0xFFFFFE40];
	v20 =	vmul.f32 $1.442695020e+00, v20;
	v22 =	vpop (erf);
	(erf) = vpow2.f32 v16  }
0x2a8: {  	v23 =	vadd.f32 v6, v12;
	v16 =	vld [tilespmem:s26+$0xFFFFFE00];
	v7 =	vmul.f32 $1.442695020e+00, v18;
	v5 =	vpop (erf);
	(erf) = vpow2.f32 v17  }
0x2a9: {  	v9 =	vadd.f32 v14, v9;
	v12 =	vld [tilespmem:s26+$0xFFFFFE30];
	v17 =	vmul.f32 $1.442695020e+00, v19;
	v18 =	vpop (erf);
	(erf) = vpow2.f32 v20  }
0x2aa: {  	v19 =	vld [tilespmem:s26+$0xFFFFFE20];
	v14 =	vmul.f32 $1.442695020e+00, v13;
	v13 =	vpop (erf);
	(erf) = vpow2.f32 v7;
	v7 =	vadd.f32 v8, v23  }
0x2ab: {  	v8 =	vld [tilespmem:s26+$0xFFFFFE10];
	v20 =	vmul.f32 $1.442695020e+00, v21;
	v10 =	vadd.f32 v13, v10;
	v6 =	vpop (erf);
	(erf) = vpow2.f32 v4  }
0x2ac: {  	v4 =	vmul.f32 $1.442695020e+00, v15;
	v21 =	vld [tilespmem:s26+$0xFFFFFE60];
	v11 =	vadd.f32 v6, v11;
	v15 =	vpop (erf);
	(erf) = vpow2.f32 v17  }
.Ltmp8:
0x2ad: {  	v9 =	vadd.f32 v18, v9;
	v16 =	vmul.f32 $1.442695020e+00, v16;
	v13 =	vld [tilespmem:s26+$0x0];
	(erf) = vpow2.f32 v14;
	v6 =	vpop (erf);
	(pc) =	sbr.rel @p1 .LBB2_15-.Ltmp8, $4  }
0x2ae: {  	v10 =	vadd.f32 v15, v10;
	v23 =	vmul.f32 $1.442695020e+00, v12;
	v14 =	vld [tilespmem:s26+$0xFFFFFE50];
	(erf) = vpow2.f32 v20;
	v17 =	vpop (erf)  }
0x2af: {  	v9 =	vadd.f32 v22, v9;
	v20 =	vmul.f32 $1.442695020e+00, v19;
	v15 =	vld [tilespmem:s26+$0x20];
	(erf) = vpow2.f32 v16;
	v22 =	vpop (erf)  }
0x2b0: {  	v11 =	vadd.f32 v17, v11;
	v18 =	vmul.f32 $1.442695020e+00, v8;
	v16 =	vld [tilespmem:s26+$0x10];
	(erf) = vpow2.f32 v23;
	v12 =	vpop (erf)  }
0x2b1: {  	v10 =	vadd.f32 v22, v10;
	v19 =	vmul.f32 $1.442695020e+00, v21;
	v17 =	vld [tilespmem:s26+$0x40];
	(erf) = vpow2.f32 v20;
	v8 =	vpop (erf)  }
0x2b2: {  	v13 =	vmul.f32 $1.442695020e+00, v13;
	v20 =	vld [tilespmem:s26+$0x50]  }
0x2b3: {  	(erf) = vpow2.f32 v18;
	v14 =	vmul.f32 $1.442695020e+00, v14  }
0x2b4: {  	v18 =	vpop (erf);
	(erf) = vpow2.f32 v19;
	v15 =	vmul.f32 $1.442695020e+00, v15  }
0x2b5: {  	v21 =	vld [tilespmem:s26+$0x30];
	v19 =	vpop (erf);
	(erf) = vpow2.f32 v13  }
0x2b6: {  	v16 =	vmul.f32 $1.442695020e+00, v16;
	v13 =	vpop (erf);
	v17 =	vmul.f32 $1.442695020e+00, v17  }
0x2b7: {  	(erf) = vpow2.f32 v14;
	v14 =	vpop (erf);
	v20 =	vmul.f32 $1.442695020e+00, v20  }
0x2b8: {  	(erf) = vpow2.f32 v15;
	v15 =	vpop (erf)  }
0x2b9: {  	(erf) = vpow2.f32 v16;
	v22 =	vpop (erf)  }
0x2ba: {  	v21 =	vmul.f32 $1.442695020e+00, v21;
	v16 =	vld [tilespmem:s26+$0x70];
	(erf) = vpow2.f32 v17;
	v17 =	vpop (erf)  }
0x2bb: {  	(erf) = vpow2.f32 v20;
	v20 =	vpop (erf)  }
0x2bc: {  	(erf) = vpow2.f32 v21;
	v60 =	vpop (erf)  }
0x2bd: {  	v5 =	vadd.f32 v5, v7;
	(erf) = vpow2.f32 v4;
	v7 =	vpop (erf)  }
0x2be: {  	v11 =	vadd.f32 v12, v11;
	v4 =	vpop (erf)  }
0x2bf: {  	v5 =	vadd.f32 v13, v5;
	v13 =	vmul.f32 $1.442695020e+00, v16;
	v16 =	vpop (erf)  }
0x2c0: {  	v3 =	vadd.f32 v3, v10;
	v10 =	vadd.f32 v18, v11;
	v12 =	vpop (erf)  }
0x2c1: {  	v9 =	vadd.f32 v19, v9;
	v5 =	vadd.f32 v6, v5;
	(erf) = vpow2.f32 v13;
	v6 =	vpop (erf)  }
0x2c2: {  	v7 =	vadd.f32 v7, v10;
	v11 =	vpop (erf)  }
0x2c3: {  	v9 =	vadd.f32 v14, v9;
	v5 =	vadd.f32 v8, v5;
	v8 =	vpop (erf)  }
0x2c4: {  	v3 =	vadd.f32 v60, v3;
	v10 =	vpop (erf)  }
0x2c5: {  	v9 =	vadd.f32 v20, v9;
	v5 =	vadd.f32 v17, v5;
	v13 =	vpop (erf)  }
0x2c6: {  	v3 =	vadd.f32 v4, v3;
	v4 =	vadd.f32 v12, v7;
	v7 =	vpop (erf)  }
0x2c7: {  	v9 =	vadd.f32 v22, v9;
	v5 =	vadd.f32 v7, v5  }
0x2c8: {  	v3 =	vadd.f32 v6, v3;
	v4 =	vadd.f32 v11, v4  }
0x2c9: {  	v6 =	vadd.f32 v13, v9;
	v5 =	vadd.f32 v16, v5  }
0x2ca: {  	v3 =	vadd.f32 v15, v3;
	v4 =	vadd.f32 v10, v4;
	v7 =	vpop (erf)  }
0x2cb: {  	v6 =	vadd.f32 v7, v6;
	v5 =	vadd.f32 v8, v5;
	_ =	sdelay $0x1  }
0x2cc: {  	v3 =	vadd.f32 v6, v3;
	v4 =	vadd.f32 v4, v5;
	_ =	sdelay $0x1  }
0x2cd: {  	v3 =	vadd.f32 v3, v4;
	_ =	sdelay $0x1  }
0x2ce: {  	s2 =	simm.s32 $0xA500;
	[tilespmem:s23+$0x12280] =	vst v3  }
0x2cf: {  	v3 =	vld [tilespmem:s2+$0x60]  }
0x2d0: {  	v4 =	vld [tilespmem:s2+$0xFFFFFE70]  }
0x2d1: {  	v5 =	vld [tilespmem:s2+$0xFFFFFE40]  }
0x2d2: {  	v6 =	vld [tilespmem:s2+$0xFFFFFE00]  }
0x2d3: {  	v7 =	vld [tilespmem:s2+$0xFFFFFE30]  }
0x2d4: {  	v8 =	vld [tilespmem:s2+$0xFFFFFE20];
	_ =	sdelay $0x1  }
0x2d5: {  	v9 =	vld [tilespmem:s2+$0xFFFFFE10];
	v3 =	vmul.f32 $1.442695020e+00, v3;
	v4 =	vmul.f32 $1.442695020e+00, v4  }
0x2d6: {  	v10 =	vmul.f32 $1.442695020e+00, v5;
	v5 =	vld [tilespmem:s2+$0xFFFFFE60];
	v6 =	vmul.f32 $1.442695020e+00, v6  }
0x2d7: {  	v11 =	vld [tilespmem:s2+$0x0];
	(erf) = vpow2.f32 v3;
	v3 =	vmul.f32 $1.442695020e+00, v7  }
0x2d8: {  	(erf) = vpow2.f32 v4;
	v4 =	vmul.f32 $1.442695020e+00, v8;
	v8 =	vld [tilespmem:s2+$0x20]  }
0x2d9: {  	v7 =	vld [tilespmem:s2+$0xFFFFFE50];
	(erf) = vpow2.f32 v6  }
0x2da: {  	v6 =	vmul.f32 $1.442695020e+00, v9;
	(erf) = vpow2.f32 v3  }
0x2db: {  	v9 =	vld [tilespmem:s2+$0x10];
	v3 =	vmul.f32 $1.442695020e+00, v5;
	(erf) = vpow2.f32 v4  }
0x2dc: {  	v5 =	vld [tilespmem:s2+$0x40];
	v4 =	vmul.f32 $1.442695020e+00, v11;
	(erf) = vpow2.f32 v6  }
0x2dd: {  	v11 =	vld [tilespmem:s2+$0x50];
	(erf) = vpow2.f32 v3;
	v3 =	vmul.f32 $1.442695020e+00, v8  }
0x2de: {  	v6 =	vmul.f32 $1.442695020e+00, v7;
	v7 =	vld [tilespmem:s2+$0x30]  }
0x2df: {  	s26 =	simm.s32 $0xA900;
	v8 =	vld [tilespmem:s2+$0x70];
	(erf) = vpow2.f32 v4  }
0x2e0: {  	v4 =	vld [tilespmem:s26+$0x60];
	v9 =	vmul.f32 $1.442695020e+00, v9;
	(erf) = vpow2.f32 v6  }
0x2e1: {  	v6 =	vld [tilespmem:s26+$0xFFFFFE70];
	v12 =	vmul.f32 $1.442695020e+00, v5;
	(erf) = vpow2.f32 v3;
	v3 =	vpop (erf)  }
0x2e2: {  	v11 =	vmul.f32 $1.442695020e+00, v11;
	v16 =	vpop (erf);
	(erf) = vpow2.f32 v9;
	v9 =	vld [tilespmem:s26+$0xFFFFFE00]  }
0x2e3: {  	v14 =	vmul.f32 $1.442695020e+00, v7;
	v5 =	vpop (erf);
	(erf) = vpow2.f32 v12;
	v12 =	vld [tilespmem:s26+$0xFFFFFE30]  }
0x2e4: {  	v13 =	vld [tilespmem:s26+$0xFFFFFE40];
	v8 =	vmul.f32 $1.442695020e+00, v8;
	(erf) = vpow2.f32 v11  }
0x2e5: {  	v18 =	vld [tilespmem:s26+$0xFFFFFE10];
	v17 =	vmul.f32 $1.442695020e+00, v4;
	v15 =	vpop (erf);
	(erf) = vpow2.f32 v14  }
0x2e6: {  	v11 =	vld [tilespmem:s26+$0xFFFFFE20];
	v19 =	vmul.f32 $1.442695020e+00, v6;
	v4 =	vpop (erf);
	(erf) = vpow2.f32 v10  }
0x2e7: {  	v7 =	vimm.f32 $0.0e+00;
	v6 =	vpop (erf);
	(erf) = vpow2.f32 v8;
	v8 =	vmul.f32 $1.442695020e+00, v9  }
0x2e8: {  	v20 =	vadd.f32 v4, v7;
	v10 =	vld [tilespmem:s26+$0xFFFFFE60];
	v62 =	vpop (erf);
	v12 =	vmul.f32 $1.442695020e+00, v12  }
0x2e9: {  	v4 =	vmul.f32 $1.442695020e+00, v13;
	v13 =	vld [tilespmem:s26+$0x0];
	v61 =	vadd.f32 v6, v7;
	(erf) = vpow2.f32 v17;
	v6 =	vpop (erf)  }
0x2ea: {  	v18 =	vmul.f32 $1.442695020e+00, v18;
	v14 =	vld [tilespmem:s26+$0xFFFFFE50];
	v9 =	vadd.f32 v15, v7;
	(erf) = vpow2.f32 v19;
	v17 =	vpop (erf)  }
0x2eb: {  	v15 =	vld [tilespmem:s26+$0x20];
	v20 =	vadd.f32 v62, v20;
	v63 =	vmul.f32 $1.442695020e+00, v11;
	(erf) = vpow2.f32 v8;
	v8 =	vpop (erf)  }
0x2ec: {  	v9 =	vadd.f32 v16, v9;
	v16 =	vld [tilespmem:s26+$0x10];
	v11 =	vadd.f32 v17, v61;
	(erf) = vpow2.f32 v12;
	v12 =	vpop (erf)  }
0x2ed: {  	s2 =	simm.s32 $0x4;
	v17 =	vld [tilespmem:s26+$0x40];
	v19 =	vmul.f32 $1.442695020e+00, v10;
	(erf) = vpow2.f32 v63;
	v10 =	vadd.f32 v8, v20;
	v8 =	vpop (erf)  }
.LBB2_17:
0x2ee: {  	s2 =	sadd.s32 $0x4, s2;
	v13 =	vmul.f32 $1.442695020e+00, v13;
	v20 =	vld [tilespmem:s26+$0x50];
	(erf) = vpow2.f32 v18;
	v5 =	vadd.f32 v5, v7;
	v7 =	vpop (erf)  }
0x2ef: {  	v11 =	vadd.f32 v12, v11;
	p1 =	slt.u32 s2, $0x7C;
	v21 =	vmul.f32 $1.442695020e+00, v14;
	v18 =	vld [tilespmem:s26+$0x30];
	(erf) = vpow2.f32 v19;
	v12 =	vpop (erf)  }
0x2f0: {  	v15 =	vmul.f32 $1.442695020e+00, v15;
	v19 =	vld [tilespmem:s26+$0x70];
	s26 =	sadd.s32 $0x400, s26;
	(erf) = vpow2.f32 v13;
	v9 =	vadd.f32 v12, v9;
	v12 =	vpop (erf)  }
0x2f1: {  	v10 =	vadd.f32 v3, v10;
	v13 =	vld [tilespmem:s26+$0x60];
	v16 =	vmul.f32 $1.442695020e+00, v16;
	(erf) = vpow2.f32 v21;
	v14 =	vpop (erf)  }
0x2f2: {  	v12 =	vadd.f32 v12, v5;
	v21 =	vld [tilespmem:s26+$0xFFFFFE70];
	v17 =	vmul.f32 $1.442695020e+00, v17;
	(erf) = vpow2.f32 v15;
	v3 =	vpop (erf)  }
0x2f3: {  	v11 =	vadd.f32 v7, v11;
	v15 =	vld [tilespmem:s26+$0xFFFFFE40];
	v20 =	vmul.f32 $1.442695020e+00, v20;
	v22 =	vpop (erf);
	(erf) = vpow2.f32 v16  }
0x2f4: {  	v23 =	vadd.f32 v6, v12;
	v16 =	vld [tilespmem:s26+$0xFFFFFE00];
	v7 =	vmul.f32 $1.442695020e+00, v18;
	v5 =	vpop (erf);
	(erf) = vpow2.f32 v17  }
0x2f5: {  	v9 =	vadd.f32 v14, v9;
	v12 =	vld [tilespmem:s26+$0xFFFFFE30];
	v17 =	vmul.f32 $1.442695020e+00, v19;
	v18 =	vpop (erf);
	(erf) = vpow2.f32 v20  }
0x2f6: {  	v19 =	vld [tilespmem:s26+$0xFFFFFE20];
	v14 =	vmul.f32 $1.442695020e+00, v13;
	v13 =	vpop (erf);
	(erf) = vpow2.f32 v7;
	v7 =	vadd.f32 v8, v23  }
0x2f7: {  	v8 =	vld [tilespmem:s26+$0xFFFFFE10];
	v20 =	vmul.f32 $1.442695020e+00, v21;
	v10 =	vadd.f32 v13, v10;
	v6 =	vpop (erf);
	(erf) = vpow2.f32 v4  }
0x2f8: {  	v4 =	vmul.f32 $1.442695020e+00, v15;
	v21 =	vld [tilespmem:s26+$0xFFFFFE60];
	v11 =	vadd.f32 v6, v11;
	v15 =	vpop (erf);
	(erf) = vpow2.f32 v17  }
.Ltmp9:
0x2f9: {  	v9 =	vadd.f32 v18, v9;
	v16 =	vmul.f32 $1.442695020e+00, v16;
	v13 =	vld [tilespmem:s26+$0x0];
	(erf) = vpow2.f32 v14;
	v6 =	vpop (erf);
	(pc) =	sbr.rel @p1 .LBB2_17-.Ltmp9, $4  }
0x2fa: {  	v10 =	vadd.f32 v15, v10;
	v23 =	vmul.f32 $1.442695020e+00, v12;
	v14 =	vld [tilespmem:s26+$0xFFFFFE50];
	(erf) = vpow2.f32 v20;
	v17 =	vpop (erf)  }
0x2fb: {  	v9 =	vadd.f32 v22, v9;
	v20 =	vmul.f32 $1.442695020e+00, v19;
	v15 =	vld [tilespmem:s26+$0x20];
	(erf) = vpow2.f32 v16;
	v22 =	vpop (erf)  }
0x2fc: {  	v11 =	vadd.f32 v17, v11;
	v18 =	vmul.f32 $1.442695020e+00, v8;
	v16 =	vld [tilespmem:s26+$0x10];
	(erf) = vpow2.f32 v23;
	v12 =	vpop (erf)  }
0x2fd: {  	v10 =	vadd.f32 v22, v10;
	v19 =	vmul.f32 $1.442695020e+00, v21;
	v17 =	vld [tilespmem:s26+$0x40];
	(erf) = vpow2.f32 v20;
	v8 =	vpop (erf)  }
0x2fe: {  	v13 =	vmul.f32 $1.442695020e+00, v13;
	v20 =	vld [tilespmem:s26+$0x50];
	(erf) = vpow2.f32 v18;
	v39 =	vpop (erf)  }
0x2ff: {  	v21 =	vld [tilespmem:s26+$0x30];
	v14 =	vmul.f32 $1.442695020e+00, v14;
	(erf) = vpow2.f32 v19;
	v40 =	vpop (erf)  }
0x300: {  	v15 =	vmul.f32 $1.442695020e+00, v15;
	(erf) = vpow2.f32 v13;
	v41 =	vpop (erf)  }
0x301: {  	v16 =	vmul.f32 $1.442695020e+00, v16;
	(erf) = vpow2.f32 v14;
	v42 =	vpop (erf)  }
0x302: {  	v17 =	vmul.f32 $1.442695020e+00, v17;
	(erf) = vpow2.f32 v15;
	v43 =	vpop (erf)  }
0x303: {  	v20 =	vmul.f32 $1.442695020e+00, v20;
	v22 =	vpop (erf);
	(erf) = vpow2.f32 v16  }
0x304: {  	v44 =	vld [tilespmem:s26+$0x70];
	v21 =	vmul.f32 $1.442695020e+00, v21;
	(erf) = vpow2.f32 v17;
	v45 =	vpop (erf)  }
0x305: {  	(erf) = vpow2.f32 v20;
	v46 =	vpop (erf)  }
0x306: {  	(erf) = vpow2.f32 v21;
	v47 =	vpop (erf)  }
0x307: {  	v5 =	vadd.f32 v5, v7;
	v48 =	vpop (erf);
	(erf) = vpow2.f32 v4  }
0x308: {  	v49 =	vpop (erf)  }
0x309: {  	v5 =	vadd.f32 v41, v5;
	v50 =	vmul.f32 $1.442695020e+00, v44;
	v51 =	vpop (erf)  }
0x30a: {  	v11 =	vadd.f32 v12, v11;
	v52 =	vpop (erf)  }
0x30b: {  	v9 =	vadd.f32 v40, v9;
	v5 =	vadd.f32 v6, v5;
	(erf) = vpow2.f32 v50;
	v53 =	vpop (erf)  }
0x30c: {  	v3 =	vadd.f32 v3, v10;
	v54 =	vadd.f32 v39, v11;
	v55 =	vpop (erf)  }
0x30d: {  	v9 =	vadd.f32 v42, v9;
	v5 =	vadd.f32 v8, v5;
	v56 =	vpop (erf)  }
0x30e: {  	v3 =	vadd.f32 v47, v3;
	v7 =	vadd.f32 v48, v54;
	v57 =	vpop (erf)  }
0x30f: {  	v9 =	vadd.f32 v46, v9;
	v5 =	vadd.f32 v45, v5;
	v58 =	vpop (erf)  }
0x310: {  	v3 =	vadd.f32 v49, v3;
	v59 =	vadd.f32 v52, v7;
	v60 =	vpop (erf)  }
0x311: {  	v9 =	vadd.f32 v22, v9;
	v5 =	vadd.f32 v60, v5  }
0x312: {  	v3 =	vadd.f32 v53, v3;
	v4 =	vadd.f32 v55, v59  }
0x313: {  	v61 =	vadd.f32 v58, v9;
	v5 =	vadd.f32 v51, v5  }
0x314: {  	v3 =	vadd.f32 v43, v3;
	v4 =	vadd.f32 v57, v4;
	v62 =	vpop (erf)  }
0x315: {  	v6 =	vadd.f32 v62, v61;
	v5 =	vadd.f32 v56, v5;
	_ =	sdelay $0x1  }
0x316: {  	v3 =	vadd.f32 v6, v3;
	v4 =	vadd.f32 v4, v5;
	_ =	sdelay $0x1  }
0x317: {  	v3 =	vadd.f32 v3, v4;
	_ =	sdelay $0x1  }
0x318: {  	[tilespmem:s23+$0x12300] =	vst v3  }
0x319: {  	v3 =	vld [tilespmem:s24+$0x2000];
	_ =	sdelay $0x4  }
0x31a: {  	v63 =	vshll.u32 v3, $0x2  }
0x31b: {  	v3 =	vand.u32 $0x7F, v3;
	v4 =	vand.u32 $0x7E00, v63  }
0x31c: {  	v3 =	vor.u32 v4, v3  }
0x31d: {  	v3 =	vor.u32 v2, v3;
	_ =	sdelay $0x4  }
0x31e: {  	v3 =	vld.idx.msk [tilespmem:v3+s1+$0x0], vm2;
	_ =	sdelay $0x3  }
0x31f: {  	s2 =	sshll.u32 s5, $0x7  }
.Ltmp10:
0x320: {  	s2 =	sand.u32 $0x3FFFFF80, s2;
	v3 =	vsel vm3, $0x0, v3;
	(pc) =	sbr.rel @p0 .LBB2_20-.Ltmp10, $4  }
0x321: {  	[tilespmem:s2+$0x1A180] =	vst v3  }
0x322: {  	_ =	swait.ge [sflag:s31], $0x8000  }
0x323: {  	[sflag:s31] =	ssyncset.done $0x0  }
0x324: {  	[sflag:s31] =	ssyncadd.s32 $0xFFFF8000  }
0x325: {  	v3 =	vld.msk [tilespmem:s7+$0x180], $0xf;
	_ =	sdelay $0x4  }
0x326: {  	v4 =	vshll.u32 v3, $0x6  }
0x327: {  	v3 =	vand.u32 $0x7, v3;
	v4 =	vand.u32 $0xFFFFFE00, v4  }
0x328: {  	v3 =	vor.u32 v3, v4  }
0x329: {  	v3 =	vperm.xlane v3, v0;
	_ =	sdelay $0x1  }
0x32a: {  	v3 =	vadd.s32 v1, v3;
	_ =	sdelay $0x3  }
0x32b: {  	s2 =	rddreg [dreg:$0x1]  }
0x32c: {  	[tilespmem:s1], [sflag:$0x2] =	stream.indirect_vreg.gather [hbm4b:s2+s4], $0x80, v3, vm0, $0xb8;
	[tilespmem:$0x1C180] =	vst v63  }
0x32d: {  	s5 =	simm.s32 $0xA980  }
0x32e: {  	[tilespmem:s5], [sflag:$0x2] =	stream.indirect_vreg.gather [hbm4b:s8+s4], $0x80, v3, vm0, $0xb8;
	[tilespmem:$0x1C180] =	vst v63  }
0x32f: {  	s7 =	simm.s32 $0xB180  }
0x330: {  	[tilespmem:s7], [sflag:$0x2] =	stream.indirect_vreg.gather [hbm4b:s9+s4], $0x80, v3, vm0, $0xb8;
	[tilespmem:$0x1C180] =	vst v63  }
0x331: {  	s23 =	simm.s32 $0xB980  }
0x332: {  	[tilespmem:s23], [sflag:$0x2] =	stream.indirect_vreg.gather [hbm4b:s10+s4], $0x80, v3, vm0, $0xb8;
	[tilespmem:$0x1C180] =	vst v63  }
0x333: {  	s24 =	simm.s32 $0xC180  }
0x334: {  	[tilespmem:s24], [sflag:$0x2] =	stream.indirect_vreg.gather [hbm4b:s11+s4], $0x80, v3, vm0, $0xb8;
	[tilespmem:$0x1C180] =	vst v63  }
0x335: {  	s26 =	simm.s32 $0xC980  }
0x336: {  	[tilespmem:s26], [sflag:$0x2] =	stream.indirect_vreg.gather [hbm4b:s12+s4], $0x80, v3, vm0, $0xb8;
	[tilespmem:$0x1C180] =	vst v63  }
0x337: {  	s5 =	simm.s32 $0xD180  }
0x338: {  	[tilespmem:s5], [sflag:$0x2] =	stream.indirect_vreg.gather [hbm4b:s13+s4], $0x80, v3, vm0, $0xb8;
	[tilespmem:$0x1C180] =	vst v63  }
0x339: {  	s7 =	simm.s32 $0xD980  }
0x33a: {  	[tilespmem:s7], [sflag:$0x2] =	stream.indirect_vreg.gather [hbm4b:s14+s4], $0x80, v3, vm0, $0xb8;
	[tilespmem:$0x1C180] =	vst v63  }
0x33b: {  	s23 =	simm.s32 $0xE180  }
0x33c: {  	[tilespmem:s23], [sflag:$0x2] =	stream.indirect_vreg.gather [hbm4b:s15+s4], $0x80, v3, vm0, $0xb8;
	[tilespmem:$0x1C180] =	vst v63  }
0x33d: {  	s24 =	simm.s32 $0xE980  }
0x33e: {  	[tilespmem:s24], [sflag:$0x2] =	stream.indirect_vreg.gather [hbm4b:s16+s4], $0x80, v3, vm0, $0xb8;
	[tilespmem:$0x1C180] =	vst v63  }
0x33f: {  	s26 =	simm.s32 $0xF180  }
0x340: {  	[tilespmem:s26], [sflag:$0x2] =	stream.indirect_vreg.gather [hbm4b:s17+s4], $0x80, v3, vm0, $0xb8;
	[tilespmem:$0x1C180] =	vst v63  }
0x341: {  	s5 =	simm.s32 $0xF980  }
0x342: {  	[tilespmem:s5], [sflag:$0x2] =	stream.indirect_vreg.gather [hbm4b:s18+s4], $0x80, v3, vm0, $0xb8;
	[tilespmem:$0x1C180] =	vst v63  }
0x343: {  	s7 =	simm.s32 $0x10180  }
0x344: {  	[tilespmem:s7], [sflag:$0x2] =	stream.indirect_vreg.gather [hbm4b:s19+s4], $0x80, v3, vm0, $0xb8;
	[tilespmem:$0x1C180] =	vst v63  }
0x345: {  	s23 =	simm.s32 $0x10980  }
0x346: {  	[tilespmem:s23], [sflag:$0x2] =	stream.indirect_vreg.gather [hbm4b:s20+s4], $0x80, v3, vm0, $0xb8;
	[tilespmem:$0x1C180] =	vst v63  }
.Ltmp11:
0x347: {  	_ = 	snop;
	(pc) =	sbr.rel .LBB2_2-.Ltmp11, $4  }
0x348: {  	s24 =	simm.s32 $0x11180  }
0x349: {  	[tilespmem:s24], [sflag:$0x2] =	stream.indirect_vreg.gather [hbm4b:s21+s4], $0x80, v3, vm0, $0xb8;
	[tilespmem:$0x1C180] =	vst v63  }
0x34a: {  	s6 =	sadd.s32 $0x1, s6;
	s26 =	simm.s32 $0x11980  }
0x34b: {  	[tilespmem:s26], [sflag:$0x2] =	stream.indirect_vreg.gather [hbm4b:s22+s4], $0x80, v3, vm0, $0xb8;
	[tilespmem:$0x1C180] =	vst v63  }
.LBB2_21:
0x34c: {  	_ =	sfence.sel $0x180000  }
0x34d: {  	[bflag:$0x0] =	sbarrier.arrive $0xFFFF  }
0x34e: {  	_ =	strace $0x90000047  }
0x34f: {  	s0 =	stileid.u32;
	[bflag:$0x2] =	sbarrier.arrive $0xFFFF  }
0x350: {  	p0 =	sne.s32 s0, $0x0;
	s0 =	rddreg [dreg:$0x3]  }
0x351: {  	s0 =	sadd.s32 @!p0 $0x100000, s0  }
0x352: {  	[sflag:s0] =	ssyncadd.tile.s32 @!p0 $0x1;
	_ =	shalt  }
.Lfunc_end2:
_tile_overlayer_lowered:
.L_overlay_start_2:
0x353: {  	(tag) =	ssettag $0x2  }
0x354: {  	s0 =	rddreg [dreg:$0x0];
	s2 =	stileid.u32  }
0x355: {  	s1 =	rddreg [dreg:$0x1];
	p0 =	sne.s32 s2, $0x0  }
0x356: {  	s3 =	rddreg [dreg:$0x2];
	[bflag:$0x3] =	sbarrier.arrive $0xFFFF;
	s2 =	simm.s32 @!p0 $0x1C05  }
0x357: {  	[timem:s3], [sflag:s2] =	dma.local @!p0 [hbm:s0], s1  }
0x358: {  	s0 =	simm.s32 @!p0 $0x5  }
0x359: {  	_ =	swait.ge @!p0 [sflag:s0], s1  }
0x35a: {  	s1 =	ssub.s32 @!p0 $0x0, s1;
	[sflag:s0] =	ssyncset.done @!p0 $0x0  }
0x35b: {  	[sflag:s0] =	ssyncadd.s32 @!p0 s1  }
0x35c: {  	[bflag:$0x3] =	sbarrier.arrive $0xFFFF  }
0x35d: {  	_ =	shalt  }

</sc_bundles>
